<compile_context>
chip_gen: v7x
topology: tpu7x:2x2x1
jax: 0.10.2.dev20260603
libtpu: 0.0.44.dev20260713+nightly
codegen_flags: <defaults>
</compile_context>

<pallas_src>
import functools

import jax
import jax.numpy as jnp
from jax import lax
from jax.experimental import pallas as pl
from jax.experimental.pallas import tpu as pltpu
from jax.experimental.pallas import tpu_sc as plsc

N = 10000
E = 320000
LAT = 32
NF = 96
FEATS = 128
HID = 512
OUT = 2
WZ = 16

NC, NS = 2, 16
NW = NC * NS
C = 128
NCH = 79
PW = NCH * C
EP = NW * PW
NT = 10240
RPT = NT // NS
BR = 1024

_mesh = lambda: plsc.VectorSubcoreMesh(core_axis_name="c", subcore_axis_name="s")



@functools.partial(
    pl.kernel,
    out_type=[
        jax.ShapeDtypeStruct((NC, NT), jnp.float32),
        jax.ShapeDtypeStruct((NW, NCH + 1, 2, C), jnp.int32),
    ],
    mesh=_mesh(),
    scratch_types=[
        pltpu.VMEM((NCH, C), jnp.int32),
        pltpu.VMEM((NCH, C), jnp.int32),
        pltpu.VMEM((C,), jnp.float32),
        pltpu.VMEM((C,), jnp.float32),
        pltpu.VMEM_SHARED((NT,), jnp.float32),
        pltpu.SemaphoreType.DMA,
        pltpu.SemaphoreType.DMA,
    ],
)
def _deg_sc(dst3, src3, out, oidx, didx_all, sidx_all, ones_v, zero_v, acc,
            sem, semx):
    cid = lax.axis_index("c")
    sid = lax.axis_index("s")
    wid = cid * NS + sid
    for j in range(C // 16):
        ones_v[pl.ds(j * 16, 16)] = jnp.full((16,), 1.0, jnp.float32)
        zero_v[pl.ds(j * 16, 16)] = jnp.zeros((16,), jnp.float32)
    for j in range(RPT // C):
        pltpu.sync_copy(zero_v, acc.at[pl.ds(sid * RPT + j * C, C)])
    pltpu.sync_copy(dst3.at[wid], didx_all)
    pltpu.sync_copy(src3.at[wid], sidx_all)
    pltpu.async_copy(sidx_all, oidx.at[wid, pl.ds(0, NCH), 0], semx)
    pltpu.async_copy(didx_all, oidx.at[wid, pl.ds(0, NCH), 1], semx)
    plsc.subcore_barrier()

    def body(c, carry):
        pltpu.async_copy(ones_v, acc.at[didx_all.at[c]], sem, add=True)
        return carry

    lax.fori_loop(0, NCH, body, 0)

    def drain(c, carry):
        pltpu.make_async_copy(ones_v, acc.at[didx_all.at[c]], sem).wait()
        return carry

    lax.fori_loop(0, NCH, drain, 0)
    pltpu.make_async_copy(sidx_all, oidx.at[wid, pl.ds(0, NCH), 0], semx).wait()
    pltpu.make_async_copy(didx_all, oidx.at[wid, pl.ds(0, NCH), 1], semx).wait()
    plsc.subcore_barrier()
    pltpu.sync_copy(acc.at[pl.ds(sid * RPT, RPT)], out.at[cid, pl.ds(sid * RPT, RPT)])



def _make_agg(width):
    @functools.partial(
        pl.kernel,
        out_type=jax.ShapeDtypeStruct((NC, NT, width), jnp.float32),
        mesh=_mesh(),
        scratch_types=[
            pltpu.VMEM((2, C), jnp.int32),
            pltpu.VMEM((2, C), jnp.int32),
            pltpu.VMEM((C, width), jnp.float32),
            pltpu.VMEM((C, width), jnp.float32),
            pltpu.VMEM_SHARED((NT, width), jnp.float32),
            pltpu.SemaphoreType.DMA,
            pltpu.SemaphoreType.DMA,
            pltpu.SemaphoreType.DMA,
        ],
    )
    def _agg(idx4, tab, out, sd0, sd1, rows0, rows1,
             acc, semi1, sem0, sem1):
        cid = lax.axis_index("c")
        sid = lax.axis_index("s")
        wid = cid * NS + sid

        def zrow(r, carry):
            for j in range(width // 16):
                rows0[r, pl.ds(j * 16, 16)] = jnp.zeros((16,), jnp.float32)
            return carry

        lax.fori_loop(0, C, zrow, 0)
        for k in range(RPT // C):
            pltpu.sync_copy(rows0, acc.at[pl.ds(sid * RPT + k * C, C)])

        pltpu.sync_copy(idx4.at[wid, 0], sd0)
        plsc.subcore_barrier()
        pltpu.async_copy(tab.at[sd0.at[0]], rows0, sem0)
        pltpu.async_copy(idx4.at[wid, 1], sd1, semi1)

        def body(i, carry):
            a = 2 * i
            pltpu.make_async_copy(idx4.at[wid, a + 1], sd1, semi1).wait()
            pltpu.async_copy(tab.at[sd1.at[0]], rows1, sem1)
            pltpu.make_async_copy(tab.at[sd0.at[0]], rows0, sem0).wait()
            pltpu.sync_copy(rows0, acc.at[sd0.at[1]], add=True)
            pltpu.sync_copy(idx4.at[wid, a + 2], sd0)
            pltpu.async_copy(tab.at[sd0.at[0]], rows0, sem0)
            pltpu.make_async_copy(tab.at[sd1.at[0]], rows1, sem1).wait()
            pltpu.sync_copy(rows1, acc.at[sd1.at[1]], add=True)
            pltpu.async_copy(idx4.at[wid, a + 3], sd1, semi1)
            return carry

        n_pairs = (NCH - 1) // 2
        lax.fori_loop(0, n_pairs, body, 0)
        pltpu.make_async_copy(idx4.at[wid, NCH], sd1, semi1).wait()
        pltpu.make_async_copy(tab.at[sd0.at[0]], rows0, sem0).wait()
        pltpu.sync_copy(rows0, acc.at[sd0.at[1]], add=True)

        plsc.subcore_barrier()
        pltpu.sync_copy(acc.at[pl.ds(sid * RPT, RPT)], out.at[cid, pl.ds(sid * RPT, RPT)])

    return _agg


_agg128 = _make_agg(FEATS)


_NSL = 8
_DP = 4

@functools.partial(
    pl.kernel,
    out_type=jax.ShapeDtypeStruct((NC, NT, WZ), jnp.float32),
    mesh=_mesh(),
    compiler_params=pltpu.CompilerParams(use_tc_tiling_on_sc=False),
    scratch_types=(
        [pltpu.VMEM((NCH + 1, 2, C), jnp.int32)]
        + [pltpu.VMEM((C, WZ), jnp.float32)] * _NSL
        + [pltpu.VMEM_SHARED((NT, WZ), jnp.float32)]
        + [pltpu.SemaphoreType.DMA] * (2 * _NSL)
    ),
)
def _agg16(idx4, tab, out, idxf, *rest):
    rows = rest[:_NSL]
    acc = rest[_NSL]
    semg = rest[_NSL + 1:2 * _NSL + 1]
    sems = rest[2 * _NSL + 1:]
    cid = lax.axis_index("c")
    sid = lax.axis_index("s")
    wid = cid * NS + sid

    def zrow(r, carry):
        rows[0][r, pl.ds(0, 16)] = jnp.zeros((16,), jnp.float32)
        return carry

    lax.fori_loop(0, C, zrow, 0)
    for k in range(RPT // C):
        pltpu.sync_copy(rows[0], acc.at[pl.ds(sid * RPT + k * C, C)])
    pltpu.sync_copy(idx4.at[wid], idxf)
    plsc.subcore_barrier()

    for c in range(_DP):
        pltpu.async_copy(tab.at[idxf.at[c, 0]], rows[c], semg[c])

    def body(i, carry):
        for b in range(_NSL):
            b2 = (b + _DP) % _NSL
            c = _NSL * i + b

            @pl.when(c < NCH)
            def _():
                pltpu.make_async_copy(tab.at[idxf.at[c, 0]], rows[b], semg[b]).wait()
                pltpu.async_copy(rows[b], acc.at[idxf.at[c, 1]], sems[b], add=True)

                @pl.when(c >= _DP)
                def _():
                    pltpu.make_async_copy(rows[b2], acc.at[idxf.at[c - _DP, 1]],
                                          sems[b2]).wait()

                @pl.when(c + _DP < NCH)
                def _():
                    pltpu.async_copy(tab.at[idxf.at[c + _DP, 0]], rows[b2], semg[b2])

        return carry

    lax.fori_loop(0, (NCH + _NSL - 1) // _NSL, body, 0)
    for c in range(NCH - _DP, NCH):
        pltpu.make_async_copy(rows[c % _NSL], acc.at[idxf.at[c, 1]],
                              sems[c % _NSL]).wait()

    plsc.subcore_barrier()
    pltpu.sync_copy(acc.at[pl.ds(sid * RPT, RPT)], out.at[cid, pl.ds(sid * RPT, RPT)])



def _prep_body(deg_ref, u_ref, x_ref, dinv_ref, xs_ref):
    i = pl.program_id(0)
    row = i * BR + lax.broadcasted_iota(jnp.int32, (BR, 1), 0)
    valid = (row < N).astype(jnp.float32)
    dinv = lax.rsqrt(deg_ref[0] + deg_ref[1] + 1.0)
    dinv_ref[...] = dinv
    sc = dinv * valid
    xs_ref[...] = jnp.concatenate([u_ref[...] * sc, x_ref[...] * sc], axis=1)


def _prep(deg3, u_Y, X):
    return pl.pallas_call(
        _prep_body,
        grid=(NT // BR,),
        in_specs=[
            pl.BlockSpec((NC, BR, 1), lambda i: (0, i, 0)),
            pl.BlockSpec((BR, LAT), lambda i: (i, 0)),
            pl.BlockSpec((BR, NF), lambda i: (i, 0)),
        ],
        out_specs=[
            pl.BlockSpec((BR, 1), lambda i: (i, 0)),
            pl.BlockSpec((BR, FEATS), lambda i: (i, 0)),
        ],
        out_shape=[
            jax.ShapeDtypeStruct((NT, 1), jnp.float32),
            jax.ShapeDtypeStruct((NT, FEATS), jnp.float32),
        ],
    )(deg3, u_Y, X)



def _mlp_body(p_ref, xs_ref, dinv_ref, w1_ref, b1_ref, w2_ref, out_ref):
    dinv = dinv_ref[...]
    agg = (p_ref[0] + p_ref[1] + xs_ref[...]) * dinv
    h = jnp.dot(agg, w1_ref[...], preferred_element_type=jnp.float32)
    h = jnp.maximum(h + b1_ref[...], 0.0)
    z = jnp.dot(h, w2_ref[...], preferred_element_type=jnp.float32)
    out_ref[...] = z[:, :WZ] * dinv


def _mlp(p, xs, dinv, W1, b1r, W2p):
    return pl.pallas_call(
        _mlp_body,
        grid=(NT // BR,),
        in_specs=[
            pl.BlockSpec((NC, BR, FEATS), lambda i: (0, i, 0)),
            pl.BlockSpec((BR, FEATS), lambda i: (i, 0)),
            pl.BlockSpec((BR, 1), lambda i: (i, 0)),
            pl.BlockSpec((FEATS, HID), lambda i: (0, 0)),
            pl.BlockSpec((1, HID), lambda i: (0, 0)),
            pl.BlockSpec((HID, 128), lambda i: (0, 0)),
        ],
        out_specs=pl.BlockSpec((BR, WZ), lambda i: (i, 0)),
        out_shape=jax.ShapeDtypeStruct((NT, WZ), jnp.float32),
    )(p, xs, dinv, W1, b1r, W2p)



def _fin_body(q_ref, zs_ref, dinv_ref, b2_ref, out_ref):
    t = (q_ref[0] + q_ref[1] + zs_ref[...]) * dinv_ref[...] + b2_ref[...]
    m = jnp.max(t, axis=1, keepdims=True)
    e = jnp.exp(t - m)
    out_ref[...] = (e / jnp.sum(e, axis=1, keepdims=True))[:, :OUT]


def _fin(q, zs, dinv, b2p):
    return pl.pallas_call(
        _fin_body,
        grid=(NT // BR,),
        in_specs=[
            pl.BlockSpec((NC, BR, WZ), lambda i: (0, i, 0)),
            pl.BlockSpec((BR, WZ), lambda i: (i, 0)),
            pl.BlockSpec((BR, 1), lambda i: (i, 0)),
            pl.BlockSpec((1, WZ), lambda i: (0, 0)),
        ],
        out_specs=pl.BlockSpec((BR, OUT), lambda i: (i, 0)),
        out_shape=jax.ShapeDtypeStruct((N, OUT), jnp.float32),
    )(q, zs, dinv, b2p)


def kernel(edge_index, X, u_Y, W1, b1, W2, b2):
    pad = N + (jnp.arange(EP - E, dtype=jnp.int32) & 127)
    src3 = jnp.concatenate([edge_index[0], pad]).reshape(NW, NCH, C)
    dst3 = jnp.concatenate([edge_index[1], pad]).reshape(NW, NCH, C)
    deg, idx4 = _deg_sc(dst3, src3)
    dinv, xs = _prep(deg.reshape(NC, NT, 1), u_Y, X)
    p = _agg128(idx4, xs)
    W2p = jnp.pad(W2, ((0, 0), (0, 128 - OUT)))
    zs = _mlp(p, xs, dinv, W1, b1.reshape(1, HID), W2p)
    q = _agg16(idx4, zs)
    b2p = jnp.concatenate([b2, jnp.full((WZ - OUT,), -1e30, jnp.float32)]).reshape(1, WZ)
    return _fin(q, zs, dinv, b2p)

# --- scband reference (transcript-rebuilt; emitter-appended) ---
"""Pipeline reference for scband-y-decoder-5583457485496 (READ-ONLY COPY).

The authoritative reference and input builder live on the scoring server;
editing this copy changes nothing except your own understanding.
"""

import jax, jax.numpy as jnp
import numpy as np

N = 10000
E = 320000
NUM_FEATS = 96
LATENT = 32
HID = 512
OUT = 2


def setup_inputs(seed: int = 0) -> dict:
    key = jax.random.key(seed)
    k1, k2, k3, k4, k5 = jax.random.split(key, 5)
    edge_index = jax.random.randint(k1, (2, E), 0, N, dtype=jnp.int32)
    X = jax.random.normal(k2, (N, NUM_FEATS), dtype=jnp.float32)
    u_Y = jax.random.normal(k3, (N, LATENT), dtype=jnp.float32)
    d_in = NUM_FEATS + LATENT
    W1 = jax.random.normal(k4, (d_in, HID), dtype=jnp.float32) / np.sqrt(d_in)
    b1 = jnp.zeros((HID,), dtype=jnp.float32)
    W2 = jax.random.normal(k5, (HID, OUT), dtype=jnp.float32) / np.sqrt(HID)
    b2 = jnp.zeros((OUT,), dtype=jnp.float32)
    return {"edge_index": edge_index, "X": X, "u_Y": u_Y, "W1": W1, "b1": b1, "W2": W2, "b2": b2}


def _gcn_conv(x, src, dst, W, b, n):
    # PyG GCNConv: x' = D^{-1/2} (A + I) D^{-1/2} (x @ W) + b (self-loops already appended)
    h = x @ W
    deg = jnp.zeros((n,), dtype=h.dtype).at[dst].add(1.0)
    dinv = jnp.where(deg > 0, 1.0 / jnp.sqrt(deg), 0.0)
    norm = dinv[src] * dinv[dst]
    msg = h[src] * norm[:, None]
    out = jnp.zeros((n, h.shape[1]), dtype=h.dtype).at[dst].add(msg)
    return out + b


def reference(edge_index, X, u_Y, W1, b1, W2, b2):
    n = X.shape[0]
    loop = jnp.arange(n, dtype=edge_index.dtype)
    src = jnp.concatenate([edge_index[0], loop])
    dst = jnp.concatenate([edge_index[1], loop])
    latent = jnp.concatenate((u_Y, X), axis=1)
    h = jax.nn.relu(_gcn_conv(latent, src, dst, W1, b1, n))
    y = _gcn_conv(h, src, dst, W2, b2, n)
    return jax.nn.softmax(y, axis=1)

if __name__ == "__main__":
    import jax
    _d = setup_inputs()
    print(jax.jit(kernel)(*tuple(_d.values())))

</pallas_src>

<mosaic_0001>
#map = affine_map<(d0, d1) -> (0, 0, 0, 0)>
#map1 = affine_map<(d0, d1) -> (0, 0)>
#map2 = affine_map<(d0, d1) -> (0, 0, 0)>
module attributes {stable_mosaic.version = 14 : i64} {
  func.func @_agg(%arg0: i32, %arg1: i32, %arg2: memref<32x80x2x128xi32, #tpu.memory_space<hbm>>, %arg3: memref<10240x128xf32, #tpu.memory_space<hbm>>, %arg4: memref<2x10240x128xf32, #tpu.memory_space<hbm>>, %arg5: memref<2x128xi32, #tpu.memory_space<vmem>>, %arg6: memref<2x128xi32, #tpu.memory_space<vmem>>, %arg7: memref<128x128xf32, #tpu.memory_space<vmem>>, %arg8: memref<128x128xf32, #tpu.memory_space<vmem>>, %arg9: memref<10240x128xf32, #tpu.memory_space<vmem_shared>>, %arg10: memref<!tpu.dma_semaphore, #tpu.memory_space<semaphore_mem>>, %arg11: memref<!tpu.dma_semaphore, #tpu.memory_space<semaphore_mem>>, %arg12: memref<!tpu.dma_semaphore, #tpu.memory_space<semaphore_mem>>) attributes {dimension_semantics = [#tpu.dimension_semantics<core_parallel>, #tpu.dimension_semantics<subcore_parallel>], iteration_bounds = array<i64: 2, 16>, scalar_prefetch = 0 : i64, scratch_operands = 8 : i64, tpu.core_type = #tpu.core_type<sc_vector_subcore>, window_params = [{transform_indices = #map}, {transform_indices = #map1}, {transform_indices = #map2}]} {
    %mul3A = arith.constant 16 : i32
    %mul3A_0 = arith.muli %arg0, %mul3A : i32
    %add3A = arith.addi %mul3A_0, %arg1 : i32
    %scan3A = arith.constant 0 : i32
    %scan3A_1 = arith.constant 0 : i32
    %scan3A_2 = arith.constant 128 : i32
    %scan3A_3 = arith.addi %scan3A_1, %scan3A_2 : i32
    %scan3A_4 = arith.constant 1 : i32
    scf.for %scan3A_68 = %scan3A_1 to %scan3A_3 step %scan3A_4  : i32 {
      %broadcast_in_dim3A = arith.constant 0.000000e+00 : f32
      %broadcast_in_dim3A_69 = vector.broadcast %broadcast_in_dim3A : f32 to vector<16xf32>
      %swap3A = arith.index_cast %scan3A_68 : i32 to index
      %swap3A_70 = arith.constant 0 : index
      %swap3A_71 = tpu.vector_load %arg7[%swap3A, %swap3A_70] {strides = array<i32>} : memref<128x128xf32, #tpu.memory_space<vmem>>, vector<1x16xf32>,
      %swap3A_72 = vector.shape_cast %swap3A_71 : vector<1x16xf32> to vector<16xf32>
      %swap3A_73 = vector.shape_cast %broadcast_in_dim3A_69 : vector<16xf32> to vector<1x16xf32>
      tpu.vector_store %arg7[%swap3A, %swap3A_70], %swap3A_73 {strides = array<i32>} : memref<128x128xf32, #tpu.memory_space<vmem>>, vector<1x16xf32>,
      %broadcast_in_dim3A_74 = arith.constant 0.000000e+00 : f32
      %broadcast_in_dim3A_75 = vector.broadcast %broadcast_in_dim3A_74 : f32 to vector<16xf32>
      %swap3A_76 = arith.index_cast %scan3A_68 : i32 to index
      %swap3A_77 = arith.constant 16 : index
      %swap3A_78 = tpu.vector_load %arg7[%swap3A_76, %swap3A_77] {strides = array<i32>} : memref<128x128xf32, #tpu.memory_space<vmem>>, vector<1x16xf32>,
      %swap3A_79 = vector.shape_cast %swap3A_78 : vector<1x16xf32> to vector<16xf32>
      %swap3A_80 = vector.shape_cast %broadcast_in_dim3A_75 : vector<16xf32> to vector<1x16xf32>
      tpu.vector_store %arg7[%swap3A_76, %swap3A_77], %swap3A_80 {strides = array<i32>} : memref<128x128xf32, #tpu.memory_space<vmem>>, vector<1x16xf32>,
      %broadcast_in_dim3A_81 = arith.constant 0.000000e+00 : f32
      %broadcast_in_dim3A_82 = vector.broadcast %broadcast_in_dim3A_81 : f32 to vector<16xf32>
      %swap3A_83 = arith.index_cast %scan3A_68 : i32 to index
      %swap3A_84 = arith.constant 32 : index
      %swap3A_85 = tpu.vector_load %arg7[%swap3A_83, %swap3A_84] {strides = array<i32>} : memref<128x128xf32, #tpu.memory_space<vmem>>, vector<1x16xf32>,
      %swap3A_86 = vector.shape_cast %swap3A_85 : vector<1x16xf32> to vector<16xf32>
      %swap3A_87 = vector.shape_cast %broadcast_in_dim3A_82 : vector<16xf32> to vector<1x16xf32>
      tpu.vector_store %arg7[%swap3A_83, %swap3A_84], %swap3A_87 {strides = array<i32>} : memref<128x128xf32, #tpu.memory_space<vmem>>, vector<1x16xf32>,
      %broadcast_in_dim3A_88 = arith.constant 0.000000e+00 : f32
      %broadcast_in_dim3A_89 = vector.broadcast %broadcast_in_dim3A_88 : f32 to vector<16xf32>
      %swap3A_90 = arith.index_cast %scan3A_68 : i32 to index
      %swap3A_91 = arith.constant 48 : index
      %swap3A_92 = tpu.vector_load %arg7[%swap3A_90, %swap3A_91] {strides = array<i32>} : memref<128x128xf32, #tpu.memory_space<vmem>>, vector<1x16xf32>,
      %swap3A_93 = vector.shape_cast %swap3A_92 : vector<1x16xf32> to vector<16xf32>
      %swap3A_94 = vector.shape_cast %broadcast_in_dim3A_89 : vector<16xf32> to vector<1x16xf32>
      tpu.vector_store %arg7[%swap3A_90, %swap3A_91], %swap3A_94 {strides = array<i32>} : memref<128x128xf32, #tpu.memory_space<vmem>>, vector<1x16xf32>,
      %broadcast_in_dim3A_95 = arith.constant 0.000000e+00 : f32
      %broadcast_in_dim3A_96 = vector.broadcast %broadcast_in_dim3A_95 : f32 to vector<16xf32>
      %swap3A_97 = arith.index_cast %scan3A_68 : i32 to index
      %swap3A_98 = arith.constant 64 : index
      %swap3A_99 = tpu.vector_load %arg7[%swap3A_97, %swap3A_98] {strides = array<i32>} : memref<128x128xf32, #tpu.memory_space<vmem>>, vector<1x16xf32>,
      %swap3A_100 = vector.shape_cast %swap3A_99 : vector<1x16xf32> to vector<16xf32>
      %swap3A_101 = vector.shape_cast %broadcast_in_dim3A_96 : vector<16xf32> to vector<1x16xf32>
      tpu.vector_store %arg7[%swap3A_97, %swap3A_98], %swap3A_101 {strides = array<i32>} : memref<128x128xf32, #tpu.memory_space<vmem>>, vector<1x16xf32>,
      %broadcast_in_dim3A_102 = arith.constant 0.000000e+00 : f32
      %broadcast_in_dim3A_103 = vector.broadcast %broadcast_in_dim3A_102 : f32 to vector<16xf32>
      %swap3A_104 = arith.index_cast %scan3A_68 : i32 to index
      %swap3A_105 = arith.constant 80 : index
      %swap3A_106 = tpu.vector_load %arg7[%swap3A_104, %swap3A_105] {strides = array<i32>} : memref<128x128xf32, #tpu.memory_space<vmem>>, vector<1x16xf32>,
      %swap3A_107 = vector.shape_cast %swap3A_106 : vector<1x16xf32> to vector<16xf32>
      %swap3A_108 = vector.shape_cast %broadcast_in_dim3A_103 : vector<16xf32> to vector<1x16xf32>
      tpu.vector_store %arg7[%swap3A_104, %swap3A_105], %swap3A_108 {strides = array<i32>} : memref<128x128xf32, #tpu.memory_space<vmem>>, vector<1x16xf32>,
      %broadcast_in_dim3A_109 = arith.constant 0.000000e+00 : f32
      %broadcast_in_dim3A_110 = vector.broadcast %broadcast_in_dim3A_109 : f32 to vector<16xf32>
      %swap3A_111 = arith.index_cast %scan3A_68 : i32 to index
      %swap3A_112 = arith.constant 96 : index
      %swap3A_113 = tpu.vector_load %arg7[%swap3A_111, %swap3A_112] {strides = array<i32>} : memref<128x128xf32, #tpu.memory_space<vmem>>, vector<1x16xf32>,
      %swap3A_114 = vector.shape_cast %swap3A_113 : vector<1x16xf32> to vector<16xf32>
      %swap3A_115 = vector.shape_cast %broadcast_in_dim3A_110 : vector<16xf32> to vector<1x16xf32>
      tpu.vector_store %arg7[%swap3A_111, %swap3A_112], %swap3A_115 {strides = array<i32>} : memref<128x128xf32, #tpu.memory_space<vmem>>, vector<1x16xf32>,
      %broadcast_in_dim3A_116 = arith.constant 0.000000e+00 : f32
      %broadcast_in_dim3A_117 = vector.broadcast %broadcast_in_dim3A_116 : f32 to vector<16xf32>
      %swap3A_118 = arith.index_cast %scan3A_68 : i32 to index
      %swap3A_119 = arith.constant 112 : index
      %swap3A_120 = tpu.vector_load %arg7[%swap3A_118, %swap3A_119] {strides = array<i32>} : memref<128x128xf32, #tpu.memory_space<vmem>>, vector<1x16xf32>,
      %swap3A_121 = vector.shape_cast %swap3A_120 : vector<1x16xf32> to vector<16xf32>
      %swap3A_122 = vector.shape_cast %broadcast_in_dim3A_117 : vector<16xf32> to vector<1x16xf32>
      tpu.vector_store %arg7[%swap3A_118, %swap3A_119], %swap3A_122 {strides = array<i32>} : memref<128x128xf32, #tpu.memory_space<vmem>>, vector<1x16xf32>,
    }
    %scan3A_5 = arith.constant 128 : i32
    %mul3A_6 = arith.constant 640 : i32
    %mul3A_7 = arith.muli %arg1, %mul3A_6 : i32
    %add3A_8 = arith.constant 0 : i32
    %add3A_9 = arith.addi %mul3A_7, %add3A_8 : i32
    "tpu.region"() ({
      %run_scoped3A_68 = tpu.sem_alloc : memref<!tpu.dma_semaphore, #tpu.memory_space<semaphore_mem>>
      %dma_start3A_69 = arith.constant 0 : i32
      %dma_start3A_70 = tpu.memref_slice %arg9[%add3A_9, %dma_start3A_69] : memref<10240x128xf32, #tpu.memory_space<vmem_shared>> -> memref<128x128xf32, #tpu.memory_space<vmem_shared>>
      %dma_start3A_71 = arith.constant 0 : i32
      %dma_start3A_72 = tpu.memref_slice %arg9[%add3A_9, %dma_start3A_71] : memref<10240x128xf32, #tpu.memory_space<vmem_shared>> -> memref<128x128xf32, #tpu.memory_space<vmem_shared>>
      tpu.enqueue_dma source(%arg7 : memref<128x128xf32, #tpu.memory_space<vmem>>) target(%dma_start3A_72 : memref<128x128xf32, #tpu.memory_space<vmem_shared>>) target_semaphore(%run_scoped3A_68 : memref<!tpu.dma_semaphore, #tpu.memory_space<semaphore_mem>>)
      %dma_wait3A_73 = arith.constant 0 : i32
      %dma_wait3A_74 = tpu.memref_slice %arg9[%add3A_9, %dma_wait3A_73] : memref<10240x128xf32, #tpu.memory_space<vmem_shared>> -> memref<128x128xf32, #tpu.memory_space<vmem_shared>>
      %dma_wait3A_75 = arith.constant 0 : i32
      %dma_wait3A_76 = tpu.memref_slice %arg9[%add3A_9, %dma_wait3A_75] : memref<10240x128xf32, #tpu.memory_space<vmem_shared>> -> memref<128x128xf32, #tpu.memory_space<vmem_shared>>
      tpu.wait_dma2 semaphore(%run_scoped3A_68 : memref<!tpu.dma_semaphore, #tpu.memory_space<semaphore_mem>>) src(%arg7 : memref<128x128xf32, #tpu.memory_space<vmem>>) dst(%dma_wait3A_76 : memref<128x128xf32, #tpu.memory_space<vmem_shared>>)
      tpu.yield
    }) : () -> ()
    %mul3A_10 = arith.constant 640 : i32
    %mul3A_11 = arith.muli %arg1, %mul3A_10 : i32
    %add3A_12 = arith.constant 128 : i32
    %add3A_13 = arith.addi %mul3A_11, %add3A_12 : i32
    "tpu.region"() ({
      %run_scoped3A_68 = tpu.sem_alloc : memref<!tpu.dma_semaphore, #tpu.memory_space<semaphore_mem>>
      %dma_start3A_69 = arith.constant 0 : i32
      %dma_start3A_70 = tpu.memref_slice %arg9[%add3A_13, %dma_start3A_69] : memref<10240x128xf32, #tpu.memory_space<vmem_shared>> -> memref<128x128xf32, #tpu.memory_space<vmem_shared>>
      %dma_start3A_71 = arith.constant 0 : i32
      %dma_start3A_72 = tpu.memref_slice %arg9[%add3A_13, %dma_start3A_71] : memref<10240x128xf32, #tpu.memory_space<vmem_shared>> -> memref<128x128xf32, #tpu.memory_space<vmem_shared>>
      tpu.enqueue_dma source(%arg7 : memref<128x128xf32, #tpu.memory_space<vmem>>) target(%dma_start3A_72 : memref<128x128xf32, #tpu.memory_space<vmem_shared>>) target_semaphore(%run_scoped3A_68 : memref<!tpu.dma_semaphore, #tpu.memory_space<semaphore_mem>>)
      %dma_wait3A_73 = arith.constant 0 : i32
      %dma_wait3A_74 = tpu.memref_slice %arg9[%add3A_13, %dma_wait3A_73] : memref<10240x128xf32, #tpu.memory_space<vmem_shared>> -> memref<128x128xf32, #tpu.memory_space<vmem_shared>>
      %dma_wait3A_75 = arith.constant 0 : i32
      %dma_wait3A_76 = tpu.memref_slice %arg9[%add3A_13, %dma_wait3A_75] : memref<10240x128xf32, #tpu.memory_space<vmem_shared>> -> memref<128x128xf32, #tpu.memory_space<vmem_shared>>
      tpu.wait_dma2 semaphore(%run_scoped3A_68 : memref<!tpu.dma_semaphore, #tpu.memory_space<semaphore_mem>>) src(%arg7 : memref<128x128xf32, #tpu.memory_space<vmem>>) dst(%dma_wait3A_76 : memref<128x128xf32, #tpu.memory_space<vmem_shared>>)
      tpu.yield
    }) : () -> ()
    %mul3A_14 = arith.constant 640 : i32
    %mul3A_15 = arith.muli %arg1, %mul3A_14 : i32
    %add3A_16 = arith.constant 256 : i32
    %add3A_17 = arith.addi %mul3A_15, %add3A_16 : i32
    "tpu.region"() ({
      %run_scoped3A_68 = tpu.sem_alloc : memref<!tpu.dma_semaphore, #tpu.memory_space<semaphore_mem>>
      %dma_start3A_69 = arith.constant 0 : i32
      %dma_start3A_70 = tpu.memref_slice %arg9[%add3A_17, %dma_start3A_69] : memref<10240x128xf32, #tpu.memory_space<vmem_shared>> -> memref<128x128xf32, #tpu.memory_space<vmem_shared>>
      %dma_start3A_71 = arith.constant 0 : i32
      %dma_start3A_72 = tpu.memref_slice %arg9[%add3A_17, %dma_start3A_71] : memref<10240x128xf32, #tpu.memory_space<vmem_shared>> -> memref<128x128xf32, #tpu.memory_space<vmem_shared>>
      tpu.enqueue_dma source(%arg7 : memref<128x128xf32, #tpu.memory_space<vmem>>) target(%dma_start3A_72 : memref<128x128xf32, #tpu.memory_space<vmem_shared>>) target_semaphore(%run_scoped3A_68 : memref<!tpu.dma_semaphore, #tpu.memory_space<semaphore_mem>>)
      %dma_wait3A_73 = arith.constant 0 : i32
      %dma_wait3A_74 = tpu.memref_slice %arg9[%add3A_17, %dma_wait3A_73] : memref<10240x128xf32, #tpu.memory_space<vmem_shared>> -> memref<128x128xf32, #tpu.memory_space<vmem_shared>>
      %dma_wait3A_75 = arith.constant 0 : i32
      %dma_wait3A_76 = tpu.memref_slice %arg9[%add3A_17, %dma_wait3A_75] : memref<10240x128xf32, #tpu.memory_space<vmem_shared>> -> memref<128x128xf32, #tpu.memory_space<vmem_shared>>
      tpu.wait_dma2 semaphore(%run_scoped3A_68 : memref<!tpu.dma_semaphore, #tpu.memory_space<semaphore_mem>>) src(%arg7 : memref<128x128xf32, #tpu.memory_space<vmem>>) dst(%dma_wait3A_76 : memref<128x128xf32, #tpu.memory_space<vmem_shared>>)
      tpu.yield
    }) : () -> ()
    %mul3A_18 = arith.constant 640 : i32
    %mul3A_19 = arith.muli %arg1, %mul3A_18 : i32
    %add3A_20 = arith.constant 384 : i32
    %add3A_21 = arith.addi %mul3A_19, %add3A_20 : i32
    "tpu.region"() ({
      %run_scoped3A_68 = tpu.sem_alloc : memref<!tpu.dma_semaphore, #tpu.memory_space<semaphore_mem>>
      %dma_start3A_69 = arith.constant 0 : i32
      %dma_start3A_70 = tpu.memref_slice %arg9[%add3A_21, %dma_start3A_69] : memref<10240x128xf32, #tpu.memory_space<vmem_shared>> -> memref<128x128xf32, #tpu.memory_space<vmem_shared>>
      %dma_start3A_71 = arith.constant 0 : i32
      %dma_start3A_72 = tpu.memref_slice %arg9[%add3A_21, %dma_start3A_71] : memref<10240x128xf32, #tpu.memory_space<vmem_shared>> -> memref<128x128xf32, #tpu.memory_space<vmem_shared>>
      tpu.enqueue_dma source(%arg7 : memref<128x128xf32, #tpu.memory_space<vmem>>) target(%dma_start3A_72 : memref<128x128xf32, #tpu.memory_space<vmem_shared>>) target_semaphore(%run_scoped3A_68 : memref<!tpu.dma_semaphore, #tpu.memory_space<semaphore_mem>>)
      %dma_wait3A_73 = arith.constant 0 : i32
      %dma_wait3A_74 = tpu.memref_slice %arg9[%add3A_21, %dma_wait3A_73] : memref<10240x128xf32, #tpu.memory_space<vmem_shared>> -> memref<128x128xf32, #tpu.memory_space<vmem_shared>>
      %dma_wait3A_75 = arith.constant 0 : i32
      %dma_wait3A_76 = tpu.memref_slice %arg9[%add3A_21, %dma_wait3A_75] : memref<10240x128xf32, #tpu.memory_space<vmem_shared>> -> memref<128x128xf32, #tpu.memory_space<vmem_shared>>
      tpu.wait_dma2 semaphore(%run_scoped3A_68 : memref<!tpu.dma_semaphore, #tpu.memory_space<semaphore_mem>>) src(%arg7 : memref<128x128xf32, #tpu.memory_space<vmem>>) dst(%dma_wait3A_76 : memref<128x128xf32, #tpu.memory_space<vmem_shared>>)
      tpu.yield
    }) : () -> ()
    %mul3A_22 = arith.constant 640 : i32
    %mul3A_23 = arith.muli %arg1, %mul3A_22 : i32
    %add3A_24 = arith.constant 512 : i32
    %add3A_25 = arith.addi %mul3A_23, %add3A_24 : i32
    "tpu.region"() ({
      %run_scoped3A_68 = tpu.sem_alloc : memref<!tpu.dma_semaphore, #tpu.memory_space<semaphore_mem>>
      %dma_start3A_69 = arith.constant 0 : i32
      %dma_start3A_70 = tpu.memref_slice %arg9[%add3A_25, %dma_start3A_69] : memref<10240x128xf32, #tpu.memory_space<vmem_shared>> -> memref<128x128xf32, #tpu.memory_space<vmem_shared>>
      %dma_start3A_71 = arith.constant 0 : i32
      %dma_start3A_72 = tpu.memref_slice %arg9[%add3A_25, %dma_start3A_71] : memref<10240x128xf32, #tpu.memory_space<vmem_shared>> -> memref<128x128xf32, #tpu.memory_space<vmem_shared>>
      tpu.enqueue_dma source(%arg7 : memref<128x128xf32, #tpu.memory_space<vmem>>) target(%dma_start3A_72 : memref<128x128xf32, #tpu.memory_space<vmem_shared>>) target_semaphore(%run_scoped3A_68 : memref<!tpu.dma_semaphore, #tpu.memory_space<semaphore_mem>>)
      %dma_wait3A_73 = arith.constant 0 : i32
      %dma_wait3A_74 = tpu.memref_slice %arg9[%add3A_25, %dma_wait3A_73] : memref<10240x128xf32, #tpu.memory_space<vmem_shared>> -> memref<128x128xf32, #tpu.memory_space<vmem_shared>>
      %dma_wait3A_75 = arith.constant 0 : i32
      %dma_wait3A_76 = tpu.memref_slice %arg9[%add3A_25, %dma_wait3A_75] : memref<10240x128xf32, #tpu.memory_space<vmem_shared>> -> memref<128x128xf32, #tpu.memory_space<vmem_shared>>
      tpu.wait_dma2 semaphore(%run_scoped3A_68 : memref<!tpu.dma_semaphore, #tpu.memory_space<semaphore_mem>>) src(%arg7 : memref<128x128xf32, #tpu.memory_space<vmem>>) dst(%dma_wait3A_76 : memref<128x128xf32, #tpu.memory_space<vmem_shared>>)
      tpu.yield
    }) : () -> ()
    %run_scoped3A = arith.constant 0 : i32
    "tpu.region"() ({
      %run_scoped3A_68 = tpu.sem_alloc : memref<!tpu.dma_semaphore, #tpu.memory_space<semaphore_mem>>
      %dma_start3A_69 = arith.constant 0 : i32
      %dma_start3A_70 = arith.constant 0 : i32
      %dma_start3A_71 = tpu.memref_slice %arg2[%add3A, %run_scoped3A, %dma_start3A_69, %dma_start3A_70] : memref<32x80x2x128xi32, #tpu.memory_space<hbm>> -> memref<1x1x2x128xi32, #tpu.memory_space<hbm>>
      %dma_start3A_72 = tpu.memref_squeeze %dma_start3A_71 : memref<1x1x2x128xi32, #tpu.memory_space<hbm>> -> memref<2x128xi32, #tpu.memory_space<hbm>>
      %dma_start3A_73 = arith.constant 0 : i32
      %dma_start3A_74 = arith.constant 0 : i32
      %dma_start3A_75 = tpu.memref_slice %arg2[%add3A, %run_scoped3A, %dma_start3A_73, %dma_start3A_74] : memref<32x80x2x128xi32, #tpu.memory_space<hbm>> -> memref<1x1x2x128xi32, #tpu.memory_space<hbm>>
      %dma_start3A_76 = tpu.memref_squeeze %dma_start3A_75 : memref<1x1x2x128xi32, #tpu.memory_space<hbm>> -> memref<2x128xi32, #tpu.memory_space<hbm>>
      tpu.enqueue_dma source(%dma_start3A_76 : memref<2x128xi32, #tpu.memory_space<hbm>>) target(%arg5 : memref<2x128xi32, #tpu.memory_space<vmem>>) target_semaphore(%run_scoped3A_68 : memref<!tpu.dma_semaphore, #tpu.memory_space<semaphore_mem>>)
      %dma_wait3A_77 = arith.constant 0 : i32
      %dma_wait3A_78 = arith.constant 0 : i32
      %dma_wait3A_79 = tpu.memref_slice %arg2[%add3A, %run_scoped3A, %dma_wait3A_77, %dma_wait3A_78] : memref<32x80x2x128xi32, #tpu.memory_space<hbm>> -> memref<1x1x2x128xi32, #tpu.memory_space<hbm>>
      %dma_wait3A_80 = tpu.memref_squeeze %dma_wait3A_79 : memref<1x1x2x128xi32, #tpu.memory_space<hbm>> -> memref<2x128xi32, #tpu.memory_space<hbm>>
      %dma_wait3A_81 = arith.constant 0 : i32
      %dma_wait3A_82 = arith.constant 0 : i32
      %dma_wait3A_83 = tpu.memref_slice %arg2[%add3A, %run_scoped3A, %dma_wait3A_81, %dma_wait3A_82] : memref<32x80x2x128xi32, #tpu.memory_space<hbm>> -> memref<1x1x2x128xi32, #tpu.memory_space<hbm>>
      %dma_wait3A_84 = tpu.memref_squeeze %dma_wait3A_83 : memref<1x1x2x128xi32, #tpu.memory_space<hbm>> -> memref<2x128xi32, #tpu.memory_space<hbm>>
      tpu.wait_dma2 semaphore(%run_scoped3A_68 : memref<!tpu.dma_semaphore, #tpu.memory_space<semaphore_mem>>) src(%dma_wait3A_84 : memref<2x128xi32, #tpu.memory_space<hbm>>) dst(%arg5 : memref<2x128xi32, #tpu.memory_space<vmem>>)
      tpu.yield
    }) : () -> ()
    %barrier3A = arith.constant 0 : index
    tpu.barrier barrier_id(%barrier3A)
    %dma_start3A = arith.constant 0 : i32
    %dma_start3A_26 = arith.constant 0 : i32
    %dma_start3A_27 = tpu.memref_slice %arg5[%dma_start3A, %dma_start3A_26] : memref<2x128xi32, #tpu.memory_space<vmem>> -> memref<1x128xi32, #tpu.memory_space<vmem>>
    %dma_start3A_28 = tpu.memref_squeeze %dma_start3A_27 : memref<1x128xi32, #tpu.memory_space<vmem>> -> memref<128xi32, #tpu.memory_space<vmem>>
    %dma_start3A_29 = arith.constant 0 : i32
    %dma_start3A_30 = arith.constant 0 : i32
    %dma_start3A_31 = tpu.memref_slice %arg3[%dma_start3A_29, %dma_start3A_30] : memref<10240x128xf32, #tpu.memory_space<hbm>> -> memref<10240x128xf32, #tpu.memory_space<hbm>>
    tpu.enqueue_indirect_dma source(%dma_start3A_31 : memref<10240x128xf32, #tpu.memory_space<hbm>>) target(%arg7 : memref<128x128xf32, #tpu.memory_space<vmem>>) offsets(%dma_start3A_28 : memref<128xi32, #tpu.memory_space<vmem>>) semaphore(%arg11 : memref<!tpu.dma_semaphore, #tpu.memory_space<semaphore_mem>>)
    %dma_start3A_32 = arith.constant 1 : i32
    %dma_start3A_33 = arith.constant 0 : i32
    %dma_start3A_34 = arith.constant 0 : i32
    %dma_start3A_35 = tpu.memref_slice %arg2[%add3A, %dma_start3A_32, %dma_start3A_33, %dma_start3A_34] : memref<32x80x2x128xi32, #tpu.memory_space<hbm>> -> memref<1x1x2x128xi32, #tpu.memory_space<hbm>>
    %dma_start3A_36 = tpu.memref_squeeze %dma_start3A_35 : memref<1x1x2x128xi32, #tpu.memory_space<hbm>> -> memref<2x128xi32, #tpu.memory_space<hbm>>
    %dma_start3A_37 = arith.constant 0 : i32
    %dma_start3A_38 = arith.constant 0 : i32
    %dma_start3A_39 = tpu.memref_slice %arg2[%add3A, %dma_start3A_32, %dma_start3A_37, %dma_start3A_38] : memref<32x80x2x128xi32, #tpu.memory_space<hbm>> -> memref<1x1x2x128xi32, #tpu.memory_space<hbm>>
    %dma_start3A_40 = tpu.memref_squeeze %dma_start3A_39 : memref<1x1x2x128xi32, #tpu.memory_space<hbm>> -> memref<2x128xi32, #tpu.memory_space<hbm>>
    tpu.enqueue_dma source(%dma_start3A_40 : memref<2x128xi32, #tpu.memory_space<hbm>>) target(%arg6 : memref<2x128xi32, #tpu.memory_space<vmem>>) target_semaphore(%arg10 : memref<!tpu.dma_semaphore, #tpu.memory_space<semaphore_mem>>)
    %scan3A_41 = arith.constant 0 : i32
    %scan3A_42 = arith.constant 0 : i32
    %scan3A_43 = arith.constant 39 : i32
    %scan3A_44 = arith.addi %scan3A_42, %scan3A_43 : i32
    %scan3A_45 = arith.constant 1 : i32
    scf.for %scan3A_68 = %scan3A_42 to %scan3A_44 step %scan3A_45  : i32 {
      %mul3A_69 = arith.constant 2 : i32
      %mul3A_70 = arith.muli %mul3A_69, %scan3A_68 : i32
      %add3A_71 = arith.constant 1 : i32
      %add3A_72 = arith.addi %mul3A_70, %add3A_71 : i32
      %dma_wait3A_73 = arith.constant 0 : i32
      %dma_wait3A_74 = arith.constant 0 : i32
      %dma_wait3A_75 = tpu.memref_slice %arg2[%add3A, %add3A_72, %dma_wait3A_73, %dma_wait3A_74] : memref<32x80x2x128xi32, #tpu.memory_space<hbm>> -> memref<1x1x2x128xi32, #tpu.memory_space<hbm>>
      %dma_wait3A_76 = tpu.memref_squeeze %dma_wait3A_75 : memref<1x1x2x128xi32, #tpu.memory_space<hbm>> -> memref<2x128xi32, #tpu.memory_space<hbm>>
      %dma_wait3A_77 = arith.constant 0 : i32
      %dma_wait3A_78 = arith.constant 0 : i32
      %dma_wait3A_79 = tpu.memref_slice %arg2[%add3A, %add3A_72, %dma_wait3A_77, %dma_wait3A_78] : memref<32x80x2x128xi32, #tpu.memory_space<hbm>> -> memref<1x1x2x128xi32, #tpu.memory_space<hbm>>
      %dma_wait3A_80 = tpu.memref_squeeze %dma_wait3A_79 : memref<1x1x2x128xi32, #tpu.memory_space<hbm>> -> memref<2x128xi32, #tpu.memory_space<hbm>>
      tpu.wait_dma2 semaphore(%arg10 : memref<!tpu.dma_semaphore, #tpu.memory_space<semaphore_mem>>) src(%dma_wait3A_80 : memref<2x128xi32, #tpu.memory_space<hbm>>) dst(%arg6 : memref<2x128xi32, #tpu.memory_space<vmem>>)
      %dma_start3A_81 = arith.constant 0 : i32
      %dma_start3A_82 = arith.constant 0 : i32
      %dma_start3A_83 = tpu.memref_slice %arg6[%dma_start3A_81, %dma_start3A_82] : memref<2x128xi32, #tpu.memory_space<vmem>> -> memref<1x128xi32, #tpu.memory_space<vmem>>
      %dma_start3A_84 = tpu.memref_squeeze %dma_start3A_83 : memref<1x128xi32, #tpu.memory_space<vmem>> -> memref<128xi32, #tpu.memory_space<vmem>>
      %dma_start3A_85 = arith.constant 0 : i32
      %dma_start3A_86 = arith.constant 0 : i32
      %dma_start3A_87 = tpu.memref_slice %arg3[%dma_start3A_85, %dma_start3A_86] : memref<10240x128xf32, #tpu.memory_space<hbm>> -> memref<10240x128xf32, #tpu.memory_space<hbm>>
      tpu.enqueue_indirect_dma source(%dma_start3A_87 : memref<10240x128xf32, #tpu.memory_space<hbm>>) target(%arg8 : memref<128x128xf32, #tpu.memory_space<vmem>>) offsets(%dma_start3A_84 : memref<128xi32, #tpu.memory_space<vmem>>) semaphore(%arg12 : memref<!tpu.dma_semaphore, #tpu.memory_space<semaphore_mem>>)
      %dma_wait3A_88 = arith.constant 0 : i32
      %dma_wait3A_89 = arith.constant 0 : i32
      %dma_wait3A_90 = tpu.memref_slice %arg5[%dma_wait3A_88, %dma_wait3A_89] : memref<2x128xi32, #tpu.memory_space<vmem>> -> memref<1x128xi32, #tpu.memory_space<vmem>>
      %dma_wait3A_91 = tpu.memref_squeeze %dma_wait3A_90 : memref<1x128xi32, #tpu.memory_space<vmem>> -> memref<128xi32, #tpu.memory_space<vmem>>
      %dma_wait3A_92 = arith.constant 0 : i32
      %dma_wait3A_93 = arith.constant 0 : i32
      %dma_wait3A_94 = tpu.memref_slice %arg3[%dma_wait3A_92, %dma_wait3A_93] : memref<10240x128xf32, #tpu.memory_space<hbm>> -> memref<10240x128xf32, #tpu.memory_space<hbm>>
      tpu.wait_indirect_dma semaphore(%arg11 : memref<!tpu.dma_semaphore, #tpu.memory_space<semaphore_mem>>) src(%dma_wait3A_94 : memref<10240x128xf32, #tpu.memory_space<hbm>>) dst(%arg7 : memref<128x128xf32, #tpu.memory_space<vmem>>)
      %run_scoped3A_95 = arith.constant 1 : i32
      "tpu.region"() ({
        %run_scoped3A_123 = tpu.sem_alloc : memref<!tpu.dma_semaphore, #tpu.memory_space<semaphore_mem>>
        %dma_start3A_124 = arith.constant 0 : i32
        %dma_start3A_125 = tpu.memref_slice %arg5[%run_scoped3A_95, %dma_start3A_124] : memref<2x128xi32, #tpu.memory_space<vmem>> -> memref<1x128xi32, #tpu.memory_space<vmem>>
        %dma_start3A_126 = tpu.memref_squeeze %dma_start3A_125 : memref<1x128xi32, #tpu.memory_space<vmem>> -> memref<128xi32, #tpu.memory_space<vmem>>
        %dma_start3A_127 = arith.constant 0 : i32
        %dma_start3A_128 = arith.constant 0 : i32
        %dma_start3A_129 = tpu.memref_slice %arg9[%dma_start3A_127, %dma_start3A_128] : memref<10240x128xf32, #tpu.memory_space<vmem_shared>> -> memref<10240x128xf32, #tpu.memory_space<vmem_shared>>
        tpu.enqueue_indirect_dma source(%arg7 : memref<128x128xf32, #tpu.memory_space<vmem>>) target(%dma_start3A_129 : memref<10240x128xf32, #tpu.memory_space<vmem_shared>>) offsets(%dma_start3A_126 : memref<128xi32, #tpu.memory_space<vmem>>) semaphore(%run_scoped3A_123 : memref<!tpu.dma_semaphore, #tpu.memory_space<semaphore_mem>>) {add = true}
        %dma_wait3A_130 = arith.constant 0 : i32
        %dma_wait3A_131 = tpu.memref_slice %arg5[%run_scoped3A_95, %dma_wait3A_130] : memref<2x128xi32, #tpu.memory_space<vmem>> -> memref<1x128xi32, #tpu.memory_space<vmem>>
        %dma_wait3A_132 = tpu.memref_squeeze %dma_wait3A_131 : memref<1x128xi32, #tpu.memory_space<vmem>> -> memref<128xi32, #tpu.memory_space<vmem>>
        %dma_wait3A_133 = arith.constant 0 : i32
        %dma_wait3A_134 = arith.constant 0 : i32
        %dma_wait3A_135 = tpu.memref_slice %arg9[%dma_wait3A_133, %dma_wait3A_134] : memref<10240x128xf32, #tpu.memory_space<vmem_shared>> -> memref<10240x128xf32, #tpu.memory_space<vmem_shared>>
        tpu.wait_indirect_dma semaphore(%run_scoped3A_123 : memref<!tpu.dma_semaphore, #tpu.memory_space<semaphore_mem>>) src(%arg7 : memref<128x128xf32, #tpu.memory_space<vmem>>) dst(%dma_wait3A_135 : memref<10240x128xf32, #tpu.memory_space<vmem_shared>>)
        tpu.yield
      }) : () -> ()
      %add3A_96 = arith.constant 2 : i32
      %add3A_97 = arith.addi %mul3A_70, %add3A_96 : i32
      "tpu.region"() ({
        %run_scoped3A_123 = tpu.sem_alloc : memref<!tpu.dma_semaphore, #tpu.memory_space<semaphore_mem>>
        %dma_start3A_124 = arith.constant 0 : i32
        %dma_start3A_125 = arith.constant 0 : i32
        %dma_start3A_126 = tpu.memref_slice %arg2[%add3A, %add3A_97, %dma_start3A_124, %dma_start3A_125] : memref<32x80x2x128xi32, #tpu.memory_space<hbm>> -> memref<1x1x2x128xi32, #tpu.memory_space<hbm>>
        %dma_start3A_127 = tpu.memref_squeeze %dma_start3A_126 : memref<1x1x2x128xi32, #tpu.memory_space<hbm>> -> memref<2x128xi32, #tpu.memory_space<hbm>>
        %dma_start3A_128 = arith.constant 0 : i32
        %dma_start3A_129 = arith.constant 0 : i32
        %dma_start3A_130 = tpu.memref_slice %arg2[%add3A, %add3A_97, %dma_start3A_128, %dma_start3A_129] : memref<32x80x2x128xi32, #tpu.memory_space<hbm>> -> memref<1x1x2x128xi32, #tpu.memory_space<hbm>>
        %dma_start3A_131 = tpu.memref_squeeze %dma_start3A_130 : memref<1x1x2x128xi32, #tpu.memory_space<hbm>> -> memref<2x128xi32, #tpu.memory_space<hbm>>
        tpu.enqueue_dma source(%dma_start3A_131 : memref<2x128xi32, #tpu.memory_space<hbm>>) target(%arg5 : memref<2x128xi32, #tpu.memory_space<vmem>>) target_semaphore(%run_scoped3A_123 : memref<!tpu.dma_semaphore, #tpu.memory_space<semaphore_mem>>)
        %dma_wait3A_132 = arith.constant 0 : i32
        %dma_wait3A_133 = arith.constant 0 : i32
        %dma_wait3A_134 = tpu.memref_slice %arg2[%add3A, %add3A_97, %dma_wait3A_132, %dma_wait3A_133] : memref<32x80x2x128xi32, #tpu.memory_space<hbm>> -> memref<1x1x2x128xi32, #tpu.memory_space<hbm>>
        %dma_wait3A_135 = tpu.memref_squeeze %dma_wait3A_134 : memref<1x1x2x128xi32, #tpu.memory_space<hbm>> -> memref<2x128xi32, #tpu.memory_space<hbm>>
        %dma_wait3A_136 = arith.constant 0 : i32
        %dma_wait3A_137 = arith.constant 0 : i32
        %dma_wait3A_138 = tpu.memref_slice %arg2[%add3A, %add3A_97, %dma_wait3A_136, %dma_wait3A_137] : memref<32x80x2x128xi32, #tpu.memory_space<hbm>> -> memref<1x1x2x128xi32, #tpu.memory_space<hbm>>
        %dma_wait3A_139 = tpu.memref_squeeze %dma_wait3A_138 : memref<1x1x2x128xi32, #tpu.memory_space<hbm>> -> memref<2x128xi32, #tpu.memory_space<hbm>>
        tpu.wait_dma2 semaphore(%run_scoped3A_123 : memref<!tpu.dma_semaphore, #tpu.memory_space<semaphore_mem>>) src(%dma_wait3A_139 : memref<2x128xi32, #tpu.memory_space<hbm>>) dst(%arg5 : memref<2x128xi32, #tpu.memory_space<vmem>>)
        tpu.yield
      }) : () -> ()
      %dma_start3A_98 = arith.constant 0 : i32
      %dma_start3A_99 = arith.constant 0 : i32
      %dma_start3A_100 = tpu.memref_slice %arg5[%dma_start3A_98, %dma_start3A_99] : memref<2x128xi32, #tpu.memory_space<vmem>> -> memref<1x128xi32, #tpu.memory_space<vmem>>
      %dma_start3A_101 = tpu.memref_squeeze %dma_start3A_100 : memref<1x128xi32, #tpu.memory_space<vmem>> -> memref<128xi32, #tpu.memory_space<vmem>>
      %dma_start3A_102 = arith.constant 0 : i32
      %dma_start3A_103 = arith.constant 0 : i32
      %dma_start3A_104 = tpu.memref_slice %arg3[%dma_start3A_102, %dma_start3A_103] : memref<10240x128xf32, #tpu.memory_space<hbm>> -> memref<10240x128xf32, #tpu.memory_space<hbm>>
      tpu.enqueue_indirect_dma source(%dma_start3A_104 : memref<10240x128xf32, #tpu.memory_space<hbm>>) target(%arg7 : memref<128x128xf32, #tpu.memory_space<vmem>>) offsets(%dma_start3A_101 : memref<128xi32, #tpu.memory_space<vmem>>) semaphore(%arg11 : memref<!tpu.dma_semaphore, #tpu.memory_space<semaphore_mem>>)
      %dma_wait3A_105 = arith.constant 0 : i32
      %dma_wait3A_106 = arith.constant 0 : i32
      %dma_wait3A_107 = tpu.memref_slice %arg6[%dma_wait3A_105, %dma_wait3A_106] : memref<2x128xi32, #tpu.memory_space<vmem>> -> memref<1x128xi32, #tpu.memory_space<vmem>>
      %dma_wait3A_108 = tpu.memref_squeeze %dma_wait3A_107 : memref<1x128xi32, #tpu.memory_space<vmem>> -> memref<128xi32, #tpu.memory_space<vmem>>
      %dma_wait3A_109 = arith.constant 0 : i32
      %dma_wait3A_110 = arith.constant 0 : i32
      %dma_wait3A_111 = tpu.memref_slice %arg3[%dma_wait3A_109, %dma_wait3A_110] : memref<10240x128xf32, #tpu.memory_space<hbm>> -> memref<10240x128xf32, #tpu.memory_space<hbm>>
      tpu.wait_indirect_dma semaphore(%arg12 : memref<!tpu.dma_semaphore, #tpu.memory_space<semaphore_mem>>) src(%dma_wait3A_111 : memref<10240x128xf32, #tpu.memory_space<hbm>>) dst(%arg8 : memref<128x128xf32, #tpu.memory_space<vmem>>)
      %run_scoped3A_112 = arith.constant 1 : i32
      "tpu.region"() ({
        %run_scoped3A_123 = tpu.sem_alloc : memref<!tpu.dma_semaphore, #tpu.memory_space<semaphore_mem>>
        %dma_start3A_124 = arith.constant 0 : i32
        %dma_start3A_125 = tpu.memref_slice %arg6[%run_scoped3A_112, %dma_start3A_124] : memref<2x128xi32, #tpu.memory_space<vmem>> -> memref<1x128xi32, #tpu.memory_space<vmem>>
        %dma_start3A_126 = tpu.memref_squeeze %dma_start3A_125 : memref<1x128xi32, #tpu.memory_space<vmem>> -> memref<128xi32, #tpu.memory_space<vmem>>
        %dma_start3A_127 = arith.constant 0 : i32
        %dma_start3A_128 = arith.constant 0 : i32
        %dma_start3A_129 = tpu.memref_slice %arg9[%dma_start3A_127, %dma_start3A_128] : memref<10240x128xf32, #tpu.memory_space<vmem_shared>> -> memref<10240x128xf32, #tpu.memory_space<vmem_shared>>
        tpu.enqueue_indirect_dma source(%arg8 : memref<128x128xf32, #tpu.memory_space<vmem>>) target(%dma_start3A_129 : memref<10240x128xf32, #tpu.memory_space<vmem_shared>>) offsets(%dma_start3A_126 : memref<128xi32, #tpu.memory_space<vmem>>) semaphore(%run_scoped3A_123 : memref<!tpu.dma_semaphore, #tpu.memory_space<semaphore_mem>>) {add = true}
        %dma_wait3A_130 = arith.constant 0 : i32
        %dma_wait3A_131 = tpu.memref_slice %arg6[%run_scoped3A_112, %dma_wait3A_130] : memref<2x128xi32, #tpu.memory_space<vmem>> -> memref<1x128xi32, #tpu.memory_space<vmem>>
        %dma_wait3A_132 = tpu.memref_squeeze %dma_wait3A_131 : memref<1x128xi32, #tpu.memory_space<vmem>> -> memref<128xi32, #tpu.memory_space<vmem>>
        %dma_wait3A_133 = arith.constant 0 : i32
        %dma_wait3A_134 = arith.constant 0 : i32
        %dma_wait3A_135 = tpu.memref_slice %arg9[%dma_wait3A_133, %dma_wait3A_134] : memref<10240x128xf32, #tpu.memory_space<vmem_shared>> -> memref<10240x128xf32, #tpu.memory_space<vmem_shared>>
        tpu.wait_indirect_dma semaphore(%run_scoped3A_123 : memref<!tpu.dma_semaphore, #tpu.memory_space<semaphore_mem>>) src(%arg8 : memref<128x128xf32, #tpu.memory_space<vmem>>) dst(%dma_wait3A_135 : memref<10240x128xf32, #tpu.memory_space<vmem_shared>>)
        tpu.yield
      }) : () -> ()
      %add3A_113 = arith.constant 3 : i32
      %add3A_114 = arith.addi %mul3A_70, %add3A_113 : i32
      %dma_start3A_115 = arith.constant 0 : i32
      %dma_start3A_116 = arith.constant 0 : i32
      %dma_start3A_117 = tpu.memref_slice %arg2[%add3A, %add3A_114, %dma_start3A_115, %dma_start3A_116] : memref<32x80x2x128xi32, #tpu.memory_space<hbm>> -> memref<1x1x2x128xi32, #tpu.memory_space<hbm>>
      %dma_start3A_118 = tpu.memref_squeeze %dma_start3A_117 : memref<1x1x2x128xi32, #tpu.memory_space<hbm>> -> memref<2x128xi32, #tpu.memory_space<hbm>>
      %dma_start3A_119 = arith.constant 0 : i32
      %dma_start3A_120 = arith.constant 0 : i32
      %dma_start3A_121 = tpu.memref_slice %arg2[%add3A, %add3A_114, %dma_start3A_119, %dma_start3A_120] : memref<32x80x2x128xi32, #tpu.memory_space<hbm>> -> memref<1x1x2x128xi32, #tpu.memory_space<hbm>>
      %dma_start3A_122 = tpu.memref_squeeze %dma_start3A_121 : memref<1x1x2x128xi32, #tpu.memory_space<hbm>> -> memref<2x128xi32, #tpu.memory_space<hbm>>
      tpu.enqueue_dma source(%dma_start3A_122 : memref<2x128xi32, #tpu.memory_space<hbm>>) target(%arg6 : memref<2x128xi32, #tpu.memory_space<vmem>>) target_semaphore(%arg10 : memref<!tpu.dma_semaphore, #tpu.memory_space<semaphore_mem>>)
    }
    %scan3A_46 = arith.constant 39 : i32
    %dma_wait3A = arith.constant 79 : i32
    %dma_wait3A_47 = arith.constant 0 : i32
    %dma_wait3A_48 = arith.constant 0 : i32
    %dma_wait3A_49 = tpu.memref_slice %arg2[%add3A, %dma_wait3A, %dma_wait3A_47, %dma_wait3A_48] : memref<32x80x2x128xi32, #tpu.memory_space<hbm>> -> memref<1x1x2x128xi32, #tpu.memory_space<hbm>>
    %dma_wait3A_50 = tpu.memref_squeeze %dma_wait3A_49 : memref<1x1x2x128xi32, #tpu.memory_space<hbm>> -> memref<2x128xi32, #tpu.memory_space<hbm>>
    %dma_wait3A_51 = arith.constant 0 : i32
    %dma_wait3A_52 = arith.constant 0 : i32
    %dma_wait3A_53 = tpu.memref_slice %arg2[%add3A, %dma_wait3A, %dma_wait3A_51, %dma_wait3A_52] : memref<32x80x2x128xi32, #tpu.memory_space<hbm>> -> memref<1x1x2x128xi32, #tpu.memory_space<hbm>>
    %dma_wait3A_54 = tpu.memref_squeeze %dma_wait3A_53 : memref<1x1x2x128xi32, #tpu.memory_space<hbm>> -> memref<2x128xi32, #tpu.memory_space<hbm>>
    tpu.wait_dma2 semaphore(%arg10 : memref<!tpu.dma_semaphore, #tpu.memory_space<semaphore_mem>>) src(%dma_wait3A_54 : memref<2x128xi32, #tpu.memory_space<hbm>>) dst(%arg6 : memref<2x128xi32, #tpu.memory_space<vmem>>)
    %dma_wait3A_55 = arith.constant 0 : i32
    %dma_wait3A_56 = arith.constant 0 : i32
    %dma_wait3A_57 = tpu.memref_slice %arg5[%dma_wait3A_55, %dma_wait3A_56] : memref<2x128xi32, #tpu.memory_space<vmem>> -> memref<1x128xi32, #tpu.memory_space<vmem>>
    %dma_wait3A_58 = tpu.memref_squeeze %dma_wait3A_57 : memref<1x128xi32, #tpu.memory_space<vmem>> -> memref<128xi32, #tpu.memory_space<vmem>>
    %dma_wait3A_59 = arith.constant 0 : i32
    %dma_wait3A_60 = arith.constant 0 : i32
    %dma_wait3A_61 = tpu.memref_slice %arg3[%dma_wait3A_59, %dma_wait3A_60] : memref<10240x128xf32, #tpu.memory_space<hbm>> -> memref<10240x128xf32, #tpu.memory_space<hbm>>
    tpu.wait_indirect_dma semaphore(%arg11 : memref<!tpu.dma_semaphore, #tpu.memory_space<semaphore_mem>>) src(%dma_wait3A_61 : memref<10240x128xf32, #tpu.memory_space<hbm>>) dst(%arg7 : memref<128x128xf32, #tpu.memory_space<vmem>>)
    %run_scoped3A_62 = arith.constant 1 : i32
    "tpu.region"() ({
      %run_scoped3A_68 = tpu.sem_alloc : memref<!tpu.dma_semaphore, #tpu.memory_space<semaphore_mem>>
      %dma_start3A_69 = arith.constant 0 : i32
      %dma_start3A_70 = tpu.memref_slice %arg5[%run_scoped3A_62, %dma_start3A_69] : memref<2x128xi32, #tpu.memory_space<vmem>> -> memref<1x128xi32, #tpu.memory_space<vmem>>
      %dma_start3A_71 = tpu.memref_squeeze %dma_start3A_70 : memref<1x128xi32, #tpu.memory_space<vmem>> -> memref<128xi32, #tpu.memory_space<vmem>>
      %dma_start3A_72 = arith.constant 0 : i32
      %dma_start3A_73 = arith.constant 0 : i32
      %dma_start3A_74 = tpu.memref_slice %arg9[%dma_start3A_72, %dma_start3A_73] : memref<10240x128xf32, #tpu.memory_space<vmem_shared>> -> memref<10240x128xf32, #tpu.memory_space<vmem_shared>>
      tpu.enqueue_indirect_dma source(%arg7 : memref<128x128xf32, #tpu.memory_space<vmem>>) target(%dma_start3A_74 : memref<10240x128xf32, #tpu.memory_space<vmem_shared>>) offsets(%dma_start3A_71 : memref<128xi32, #tpu.memory_space<vmem>>) semaphore(%run_scoped3A_68 : memref<!tpu.dma_semaphore, #tpu.memory_space<semaphore_mem>>) {add = true}
      %dma_wait3A_75 = arith.constant 0 : i32
      %dma_wait3A_76 = tpu.memref_slice %arg5[%run_scoped3A_62, %dma_wait3A_75] : memref<2x128xi32, #tpu.memory_space<vmem>> -> memref<1x128xi32, #tpu.memory_space<vmem>>
      %dma_wait3A_77 = tpu.memref_squeeze %dma_wait3A_76 : memref<1x128xi32, #tpu.memory_space<vmem>> -> memref<128xi32, #tpu.memory_space<vmem>>
      %dma_wait3A_78 = arith.constant 0 : i32
      %dma_wait3A_79 = arith.constant 0 : i32
      %dma_wait3A_80 = tpu.memref_slice %arg9[%dma_wait3A_78, %dma_wait3A_79] : memref<10240x128xf32, #tpu.memory_space<vmem_shared>> -> memref<10240x128xf32, #tpu.memory_space<vmem_shared>>
      tpu.wait_indirect_dma semaphore(%run_scoped3A_68 : memref<!tpu.dma_semaphore, #tpu.memory_space<semaphore_mem>>) src(%arg7 : memref<128x128xf32, #tpu.memory_space<vmem>>) dst(%dma_wait3A_80 : memref<10240x128xf32, #tpu.memory_space<vmem_shared>>)
      tpu.yield
    }) : () -> ()
    %barrier3A_63 = arith.constant 0 : index
    tpu.barrier barrier_id(%barrier3A_63)
    %mul3A_64 = arith.constant 640 : i32
    %mul3A_65 = arith.muli %arg1, %mul3A_64 : i32
    %mul3A_66 = arith.constant 640 : i32
    %mul3A_67 = arith.muli %arg1, %mul3A_66 : i32
    "tpu.region"() ({
      %run_scoped3A_68 = tpu.sem_alloc : memref<!tpu.dma_semaphore, #tpu.memory_space<semaphore_mem>>
      %dma_start3A_69 = arith.constant 0 : i32
      %dma_start3A_70 = tpu.memref_slice %arg4[%arg0, %mul3A_67, %dma_start3A_69] : memref<2x10240x128xf32, #tpu.memory_space<hbm>> -> memref<1x640x128xf32, #tpu.memory_space<hbm>>
      %dma_start3A_71 = tpu.memref_squeeze %dma_start3A_70 : memref<1x640x128xf32, #tpu.memory_space<hbm>> -> memref<640x128xf32, #tpu.memory_space<hbm>>
      %dma_start3A_72 = arith.constant 0 : i32
      %dma_start3A_73 = tpu.memref_slice %arg9[%mul3A_65, %dma_start3A_72] : memref<10240x128xf32, #tpu.memory_space<vmem_shared>> -> memref<640x128xf32, #tpu.memory_space<vmem_shared>>
      tpu.enqueue_dma source(%dma_start3A_73 : memref<640x128xf32, #tpu.memory_space<vmem_shared>>) target(%dma_start3A_71 : memref<640x128xf32, #tpu.memory_space<hbm>>) target_semaphore(%run_scoped3A_68 : memref<!tpu.dma_semaphore, #tpu.memory_space<semaphore_mem>>)
      %dma_wait3A_74 = arith.constant 0 : i32
      %dma_wait3A_75 = tpu.memref_slice %arg4[%arg0, %mul3A_67, %dma_wait3A_74] : memref<2x10240x128xf32, #tpu.memory_space<hbm>> -> memref<1x640x128xf32, #tpu.memory_space<hbm>>
      %dma_wait3A_76 = tpu.memref_squeeze %dma_wait3A_75 : memref<1x640x128xf32, #tpu.memory_space<hbm>> -> memref<640x128xf32, #tpu.memory_space<hbm>>
      %dma_wait3A_77 = arith.constant 0 : i32
      %dma_wait3A_78 = tpu.memref_slice %arg9[%mul3A_65, %dma_wait3A_77] : memref<10240x128xf32, #tpu.memory_space<vmem_shared>> -> memref<640x128xf32, #tpu.memory_space<vmem_shared>>
      tpu.wait_dma2 semaphore(%run_scoped3A_68 : memref<!tpu.dma_semaphore, #tpu.memory_space<semaphore_mem>>) src(%dma_wait3A_78 : memref<640x128xf32, #tpu.memory_space<vmem_shared>>) dst(%dma_wait3A_76 : memref<640x128xf32, #tpu.memory_space<hbm>>)
      tpu.yield
    }) : () -> ()
    return
  }
}

#map = affine_map<(d0, d1) -> (0, 0, 0)>
#map1 = affine_map<(d0, d1) -> (0, 0)>
#map2 = affine_map<(d0, d1) -> (0, 0, 0, 0)>
module attributes {stable_mosaic.version = 14 : i64} {
  func.func @_deg_sc(%arg0: i32, %arg1: i32, %arg2: memref<32x79x128xi32, #tpu.memory_space<hbm>>, %arg3: memref<32x79x128xi32, #tpu.memory_space<hbm>>, %arg4: memref<2x10240xf32, #tpu.memory_space<hbm>>, %arg5: memref<32x80x2x128xi32, #tpu.memory_space<hbm>>, %arg6: memref<79x128xi32, #tpu.memory_space<vmem>>, %arg7: memref<79x128xi32, #tpu.memory_space<vmem>>, %arg8: memref<128xf32, #tpu.memory_space<vmem>>, %arg9: memref<128xf32, #tpu.memory_space<vmem>>, %arg10: memref<10240xf32, #tpu.memory_space<vmem_shared>>, %arg11: memref<!tpu.dma_semaphore, #tpu.memory_space<semaphore_mem>>, %arg12: memref<!tpu.dma_semaphore, #tpu.memory_space<semaphore_mem>>) attributes {dimension_semantics = [#tpu.dimension_semantics<core_parallel>, #tpu.dimension_semantics<subcore_parallel>], iteration_bounds = array<i64: 2, 16>, scalar_prefetch = 0 : i64, scratch_operands = 7 : i64, tpu.core_type = #tpu.core_type<sc_vector_subcore>, window_params = [{transform_indices = #map}, {transform_indices = #map}, {transform_indices = #map1}, {transform_indices = #map2}]} {
    %mul3A = arith.constant 16 : i32
    %mul3A_0 = arith.muli %arg0, %mul3A : i32
    %add3A = arith.addi %mul3A_0, %arg1 : i32
    %broadcast_in_dim3A = arith.constant 1.000000e+00 : f32
    %broadcast_in_dim3A_1 = vector.broadcast %broadcast_in_dim3A : f32 to vector<16xf32>
    %swap3A = arith.constant 0 : index
    %swap3A_2 = tpu.vector_load %arg8[%swap3A] {strides = array<i32>} : memref<128xf32, #tpu.memory_space<vmem>>, vector<16xf32>,
    %swap3A_3 = vector.shape_cast %swap3A_2 : vector<16xf32> to vector<16xf32>
    %swap3A_4 = vector.shape_cast %broadcast_in_dim3A_1 : vector<16xf32> to vector<16xf32>
    tpu.vector_store %arg8[%swap3A], %swap3A_4 {strides = array<i32>} : memref<128xf32, #tpu.memory_space<vmem>>, vector<16xf32>,
    %broadcast_in_dim3A_5 = arith.constant 0.000000e+00 : f32
    %broadcast_in_dim3A_6 = vector.broadcast %broadcast_in_dim3A_5 : f32 to vector<16xf32>
    %swap3A_7 = arith.constant 0 : index
    %swap3A_8 = tpu.vector_load %arg9[%swap3A_7] {strides = array<i32>} : memref<128xf32, #tpu.memory_space<vmem>>, vector<16xf32>,
    %swap3A_9 = vector.shape_cast %swap3A_8 : vector<16xf32> to vector<16xf32>
    %swap3A_10 = vector.shape_cast %broadcast_in_dim3A_6 : vector<16xf32> to vector<16xf32>
    tpu.vector_store %arg9[%swap3A_7], %swap3A_10 {strides = array<i32>} : memref<128xf32, #tpu.memory_space<vmem>>, vector<16xf32>,
    %broadcast_in_dim3A_11 = arith.constant 1.000000e+00 : f32
    %broadcast_in_dim3A_12 = vector.broadcast %broadcast_in_dim3A_11 : f32 to vector<16xf32>
    %swap3A_13 = arith.constant 16 : index
    %swap3A_14 = tpu.vector_load %arg8[%swap3A_13] {strides = array<i32>} : memref<128xf32, #tpu.memory_space<vmem>>, vector<16xf32>,
    %swap3A_15 = vector.shape_cast %swap3A_14 : vector<16xf32> to vector<16xf32>
    %swap3A_16 = vector.shape_cast %broadcast_in_dim3A_12 : vector<16xf32> to vector<16xf32>
    tpu.vector_store %arg8[%swap3A_13], %swap3A_16 {strides = array<i32>} : memref<128xf32, #tpu.memory_space<vmem>>, vector<16xf32>,
    %broadcast_in_dim3A_17 = arith.constant 0.000000e+00 : f32
    %broadcast_in_dim3A_18 = vector.broadcast %broadcast_in_dim3A_17 : f32 to vector<16xf32>
    %swap3A_19 = arith.constant 16 : index
    %swap3A_20 = tpu.vector_load %arg9[%swap3A_19] {strides = array<i32>} : memref<128xf32, #tpu.memory_space<vmem>>, vector<16xf32>,
    %swap3A_21 = vector.shape_cast %swap3A_20 : vector<16xf32> to vector<16xf32>
    %swap3A_22 = vector.shape_cast %broadcast_in_dim3A_18 : vector<16xf32> to vector<16xf32>
    tpu.vector_store %arg9[%swap3A_19], %swap3A_22 {strides = array<i32>} : memref<128xf32, #tpu.memory_space<vmem>>, vector<16xf32>,
    %broadcast_in_dim3A_23 = arith.constant 1.000000e+00 : f32
    %broadcast_in_dim3A_24 = vector.broadcast %broadcast_in_dim3A_23 : f32 to vector<16xf32>
    %swap3A_25 = arith.constant 32 : index
    %swap3A_26 = tpu.vector_load %arg8[%swap3A_25] {strides = array<i32>} : memref<128xf32, #tpu.memory_space<vmem>>, vector<16xf32>,
    %swap3A_27 = vector.shape_cast %swap3A_26 : vector<16xf32> to vector<16xf32>
    %swap3A_28 = vector.shape_cast %broadcast_in_dim3A_24 : vector<16xf32> to vector<16xf32>
    tpu.vector_store %arg8[%swap3A_25], %swap3A_28 {strides = array<i32>} : memref<128xf32, #tpu.memory_space<vmem>>, vector<16xf32>,
    %broadcast_in_dim3A_29 = arith.constant 0.000000e+00 : f32
    %broadcast_in_dim3A_30 = vector.broadcast %broadcast_in_dim3A_29 : f32 to vector<16xf32>
    %swap3A_31 = arith.constant 32 : index
    %swap3A_32 = tpu.vector_load %arg9[%swap3A_31] {strides = array<i32>} : memref<128xf32, #tpu.memory_space<vmem>>, vector<16xf32>,
    %swap3A_33 = vector.shape_cast %swap3A_32 : vector<16xf32> to vector<16xf32>
    %swap3A_34 = vector.shape_cast %broadcast_in_dim3A_30 : vector<16xf32> to vector<16xf32>
    tpu.vector_store %arg9[%swap3A_31], %swap3A_34 {strides = array<i32>} : memref<128xf32, #tpu.memory_space<vmem>>, vector<16xf32>,
    %broadcast_in_dim3A_35 = arith.constant 1.000000e+00 : f32
    %broadcast_in_dim3A_36 = vector.broadcast %broadcast_in_dim3A_35 : f32 to vector<16xf32>
    %swap3A_37 = arith.constant 48 : index
    %swap3A_38 = tpu.vector_load %arg8[%swap3A_37] {strides = array<i32>} : memref<128xf32, #tpu.memory_space<vmem>>, vector<16xf32>,
    %swap3A_39 = vector.shape_cast %swap3A_38 : vector<16xf32> to vector<16xf32>
    %swap3A_40 = vector.shape_cast %broadcast_in_dim3A_36 : vector<16xf32> to vector<16xf32>
    tpu.vector_store %arg8[%swap3A_37], %swap3A_40 {strides = array<i32>} : memref<128xf32, #tpu.memory_space<vmem>>, vector<16xf32>,
    %broadcast_in_dim3A_41 = arith.constant 0.000000e+00 : f32
    %broadcast_in_dim3A_42 = vector.broadcast %broadcast_in_dim3A_41 : f32 to vector<16xf32>
    %swap3A_43 = arith.constant 48 : index
    %swap3A_44 = tpu.vector_load %arg9[%swap3A_43] {strides = array<i32>} : memref<128xf32, #tpu.memory_space<vmem>>, vector<16xf32>,
    %swap3A_45 = vector.shape_cast %swap3A_44 : vector<16xf32> to vector<16xf32>
    %swap3A_46 = vector.shape_cast %broadcast_in_dim3A_42 : vector<16xf32> to vector<16xf32>
    tpu.vector_store %arg9[%swap3A_43], %swap3A_46 {strides = array<i32>} : memref<128xf32, #tpu.memory_space<vmem>>, vector<16xf32>,
    %broadcast_in_dim3A_47 = arith.constant 1.000000e+00 : f32
    %broadcast_in_dim3A_48 = vector.broadcast %broadcast_in_dim3A_47 : f32 to vector<16xf32>
    %swap3A_49 = arith.constant 64 : index
    %swap3A_50 = tpu.vector_load %arg8[%swap3A_49] {strides = array<i32>} : memref<128xf32, #tpu.memory_space<vmem>>, vector<16xf32>,
    %swap3A_51 = vector.shape_cast %swap3A_50 : vector<16xf32> to vector<16xf32>
    %swap3A_52 = vector.shape_cast %broadcast_in_dim3A_48 : vector<16xf32> to vector<16xf32>
    tpu.vector_store %arg8[%swap3A_49], %swap3A_52 {strides = array<i32>} : memref<128xf32, #tpu.memory_space<vmem>>, vector<16xf32>,
    %broadcast_in_dim3A_53 = arith.constant 0.000000e+00 : f32
    %broadcast_in_dim3A_54 = vector.broadcast %broadcast_in_dim3A_53 : f32 to vector<16xf32>
    %swap3A_55 = arith.constant 64 : index
    %swap3A_56 = tpu.vector_load %arg9[%swap3A_55] {strides = array<i32>} : memref<128xf32, #tpu.memory_space<vmem>>, vector<16xf32>,
    %swap3A_57 = vector.shape_cast %swap3A_56 : vector<16xf32> to vector<16xf32>
    %swap3A_58 = vector.shape_cast %broadcast_in_dim3A_54 : vector<16xf32> to vector<16xf32>
    tpu.vector_store %arg9[%swap3A_55], %swap3A_58 {strides = array<i32>} : memref<128xf32, #tpu.memory_space<vmem>>, vector<16xf32>,
    %broadcast_in_dim3A_59 = arith.constant 1.000000e+00 : f32
    %broadcast_in_dim3A_60 = vector.broadcast %broadcast_in_dim3A_59 : f32 to vector<16xf32>
    %swap3A_61 = arith.constant 80 : index
    %swap3A_62 = tpu.vector_load %arg8[%swap3A_61] {strides = array<i32>} : memref<128xf32, #tpu.memory_space<vmem>>, vector<16xf32>,
    %swap3A_63 = vector.shape_cast %swap3A_62 : vector<16xf32> to vector<16xf32>
    %swap3A_64 = vector.shape_cast %broadcast_in_dim3A_60 : vector<16xf32> to vector<16xf32>
    tpu.vector_store %arg8[%swap3A_61], %swap3A_64 {strides = array<i32>} : memref<128xf32, #tpu.memory_space<vmem>>, vector<16xf32>,
    %broadcast_in_dim3A_65 = arith.constant 0.000000e+00 : f32
    %broadcast_in_dim3A_66 = vector.broadcast %broadcast_in_dim3A_65 : f32 to vector<16xf32>
    %swap3A_67 = arith.constant 80 : index
    %swap3A_68 = tpu.vector_load %arg9[%swap3A_67] {strides = array<i32>} : memref<128xf32, #tpu.memory_space<vmem>>, vector<16xf32>,
    %swap3A_69 = vector.shape_cast %swap3A_68 : vector<16xf32> to vector<16xf32>
    %swap3A_70 = vector.shape_cast %broadcast_in_dim3A_66 : vector<16xf32> to vector<16xf32>
    tpu.vector_store %arg9[%swap3A_67], %swap3A_70 {strides = array<i32>} : memref<128xf32, #tpu.memory_space<vmem>>, vector<16xf32>,
    %broadcast_in_dim3A_71 = arith.constant 1.000000e+00 : f32
    %broadcast_in_dim3A_72 = vector.broadcast %broadcast_in_dim3A_71 : f32 to vector<16xf32>
    %swap3A_73 = arith.constant 96 : index
    %swap3A_74 = tpu.vector_load %arg8[%swap3A_73] {strides = array<i32>} : memref<128xf32, #tpu.memory_space<vmem>>, vector<16xf32>,
    %swap3A_75 = vector.shape_cast %swap3A_74 : vector<16xf32> to vector<16xf32>
    %swap3A_76 = vector.shape_cast %broadcast_in_dim3A_72 : vector<16xf32> to vector<16xf32>
    tpu.vector_store %arg8[%swap3A_73], %swap3A_76 {strides = array<i32>} : memref<128xf32, #tpu.memory_space<vmem>>, vector<16xf32>,
    %broadcast_in_dim3A_77 = arith.constant 0.000000e+00 : f32
    %broadcast_in_dim3A_78 = vector.broadcast %broadcast_in_dim3A_77 : f32 to vector<16xf32>
    %swap3A_79 = arith.constant 96 : index
    %swap3A_80 = tpu.vector_load %arg9[%swap3A_79] {strides = array<i32>} : memref<128xf32, #tpu.memory_space<vmem>>, vector<16xf32>,
    %swap3A_81 = vector.shape_cast %swap3A_80 : vector<16xf32> to vector<16xf32>
    %swap3A_82 = vector.shape_cast %broadcast_in_dim3A_78 : vector<16xf32> to vector<16xf32>
    tpu.vector_store %arg9[%swap3A_79], %swap3A_82 {strides = array<i32>} : memref<128xf32, #tpu.memory_space<vmem>>, vector<16xf32>,
    %broadcast_in_dim3A_83 = arith.constant 1.000000e+00 : f32
    %broadcast_in_dim3A_84 = vector.broadcast %broadcast_in_dim3A_83 : f32 to vector<16xf32>
    %swap3A_85 = arith.constant 112 : index
    %swap3A_86 = tpu.vector_load %arg8[%swap3A_85] {strides = array<i32>} : memref<128xf32, #tpu.memory_space<vmem>>, vector<16xf32>,
    %swap3A_87 = vector.shape_cast %swap3A_86 : vector<16xf32> to vector<16xf32>
    %swap3A_88 = vector.shape_cast %broadcast_in_dim3A_84 : vector<16xf32> to vector<16xf32>
    tpu.vector_store %arg8[%swap3A_85], %swap3A_88 {strides = array<i32>} : memref<128xf32, #tpu.memory_space<vmem>>, vector<16xf32>,
    %broadcast_in_dim3A_89 = arith.constant 0.000000e+00 : f32
    %broadcast_in_dim3A_90 = vector.broadcast %broadcast_in_dim3A_89 : f32 to vector<16xf32>
    %swap3A_91 = arith.constant 112 : index
    %swap3A_92 = tpu.vector_load %arg9[%swap3A_91] {strides = array<i32>} : memref<128xf32, #tpu.memory_space<vmem>>, vector<16xf32>,
    %swap3A_93 = vector.shape_cast %swap3A_92 : vector<16xf32> to vector<16xf32>
    %swap3A_94 = vector.shape_cast %broadcast_in_dim3A_90 : vector<16xf32> to vector<16xf32>
    tpu.vector_store %arg9[%swap3A_91], %swap3A_94 {strides = array<i32>} : memref<128xf32, #tpu.memory_space<vmem>>, vector<16xf32>,
    %mul3A_95 = arith.constant 640 : i32
    %mul3A_96 = arith.muli %arg1, %mul3A_95 : i32
    %add3A_97 = arith.constant 0 : i32
    %add3A_98 = arith.addi %mul3A_96, %add3A_97 : i32
    "tpu.region"() ({
      %run_scoped3A = tpu.sem_alloc : memref<!tpu.dma_semaphore, #tpu.memory_space<semaphore_mem>>
      %dma_start3A_165 = tpu.memref_slice %arg10[%add3A_98] : memref<10240xf32, #tpu.memory_space<vmem_shared>> -> memref<128xf32, #tpu.memory_space<vmem_shared>>
      %dma_start3A_166 = tpu.memref_slice %arg10[%add3A_98] : memref<10240xf32, #tpu.memory_space<vmem_shared>> -> memref<128xf32, #tpu.memory_space<vmem_shared>>
      tpu.enqueue_dma source(%arg9 : memref<128xf32, #tpu.memory_space<vmem>>) target(%dma_start3A_166 : memref<128xf32, #tpu.memory_space<vmem_shared>>) target_semaphore(%run_scoped3A : memref<!tpu.dma_semaphore, #tpu.memory_space<semaphore_mem>>)
      %dma_wait3A_167 = tpu.memref_slice %arg10[%add3A_98] : memref<10240xf32, #tpu.memory_space<vmem_shared>> -> memref<128xf32, #tpu.memory_space<vmem_shared>>
      %dma_wait3A_168 = tpu.memref_slice %arg10[%add3A_98] : memref<10240xf32, #tpu.memory_space<vmem_shared>> -> memref<128xf32, #tpu.memory_space<vmem_shared>>
      tpu.wait_dma2 semaphore(%run_scoped3A : memref<!tpu.dma_semaphore, #tpu.memory_space<semaphore_mem>>) src(%arg9 : memref<128xf32, #tpu.memory_space<vmem>>) dst(%dma_wait3A_168 : memref<128xf32, #tpu.memory_space<vmem_shared>>)
      tpu.yield
    }) : () -> ()
    %mul3A_99 = arith.constant 640 : i32
    %mul3A_100 = arith.muli %arg1, %mul3A_99 : i32
    %add3A_101 = arith.constant 128 : i32
    %add3A_102 = arith.addi %mul3A_100, %add3A_101 : i32
    "tpu.region"() ({
      %run_scoped3A = tpu.sem_alloc : memref<!tpu.dma_semaphore, #tpu.memory_space<semaphore_mem>>
      %dma_start3A_165 = tpu.memref_slice %arg10[%add3A_102] : memref<10240xf32, #tpu.memory_space<vmem_shared>> -> memref<128xf32, #tpu.memory_space<vmem_shared>>
      %dma_start3A_166 = tpu.memref_slice %arg10[%add3A_102] : memref<10240xf32, #tpu.memory_space<vmem_shared>> -> memref<128xf32, #tpu.memory_space<vmem_shared>>
      tpu.enqueue_dma source(%arg9 : memref<128xf32, #tpu.memory_space<vmem>>) target(%dma_start3A_166 : memref<128xf32, #tpu.memory_space<vmem_shared>>) target_semaphore(%run_scoped3A : memref<!tpu.dma_semaphore, #tpu.memory_space<semaphore_mem>>)
      %dma_wait3A_167 = tpu.memref_slice %arg10[%add3A_102] : memref<10240xf32, #tpu.memory_space<vmem_shared>> -> memref<128xf32, #tpu.memory_space<vmem_shared>>
      %dma_wait3A_168 = tpu.memref_slice %arg10[%add3A_102] : memref<10240xf32, #tpu.memory_space<vmem_shared>> -> memref<128xf32, #tpu.memory_space<vmem_shared>>
      tpu.wait_dma2 semaphore(%run_scoped3A : memref<!tpu.dma_semaphore, #tpu.memory_space<semaphore_mem>>) src(%arg9 : memref<128xf32, #tpu.memory_space<vmem>>) dst(%dma_wait3A_168 : memref<128xf32, #tpu.memory_space<vmem_shared>>)
      tpu.yield
    }) : () -> ()
    %mul3A_103 = arith.constant 640 : i32
    %mul3A_104 = arith.muli %arg1, %mul3A_103 : i32
    %add3A_105 = arith.constant 256 : i32
    %add3A_106 = arith.addi %mul3A_104, %add3A_105 : i32
    "tpu.region"() ({
      %run_scoped3A = tpu.sem_alloc : memref<!tpu.dma_semaphore, #tpu.memory_space<semaphore_mem>>
      %dma_start3A_165 = tpu.memref_slice %arg10[%add3A_106] : memref<10240xf32, #tpu.memory_space<vmem_shared>> -> memref<128xf32, #tpu.memory_space<vmem_shared>>
      %dma_start3A_166 = tpu.memref_slice %arg10[%add3A_106] : memref<10240xf32, #tpu.memory_space<vmem_shared>> -> memref<128xf32, #tpu.memory_space<vmem_shared>>
      tpu.enqueue_dma source(%arg9 : memref<128xf32, #tpu.memory_space<vmem>>) target(%dma_start3A_166 : memref<128xf32, #tpu.memory_space<vmem_shared>>) target_semaphore(%run_scoped3A : memref<!tpu.dma_semaphore, #tpu.memory_space<semaphore_mem>>)
      %dma_wait3A_167 = tpu.memref_slice %arg10[%add3A_106] : memref<10240xf32, #tpu.memory_space<vmem_shared>> -> memref<128xf32, #tpu.memory_space<vmem_shared>>
      %dma_wait3A_168 = tpu.memref_slice %arg10[%add3A_106] : memref<10240xf32, #tpu.memory_space<vmem_shared>> -> memref<128xf32, #tpu.memory_space<vmem_shared>>
      tpu.wait_dma2 semaphore(%run_scoped3A : memref<!tpu.dma_semaphore, #tpu.memory_space<semaphore_mem>>) src(%arg9 : memref<128xf32, #tpu.memory_space<vmem>>) dst(%dma_wait3A_168 : memref<128xf32, #tpu.memory_space<vmem_shared>>)
      tpu.yield
    }) : () -> ()
    %mul3A_107 = arith.constant 640 : i32
    %mul3A_108 = arith.muli %arg1, %mul3A_107 : i32
    %add3A_109 = arith.constant 384 : i32
    %add3A_110 = arith.addi %mul3A_108, %add3A_109 : i32
    "tpu.region"() ({
      %run_scoped3A = tpu.sem_alloc : memref<!tpu.dma_semaphore, #tpu.memory_space<semaphore_mem>>
      %dma_start3A_165 = tpu.memref_slice %arg10[%add3A_110] : memref<10240xf32, #tpu.memory_space<vmem_shared>> -> memref<128xf32, #tpu.memory_space<vmem_shared>>
      %dma_start3A_166 = tpu.memref_slice %arg10[%add3A_110] : memref<10240xf32, #tpu.memory_space<vmem_shared>> -> memref<128xf32, #tpu.memory_space<vmem_shared>>
      tpu.enqueue_dma source(%arg9 : memref<128xf32, #tpu.memory_space<vmem>>) target(%dma_start3A_166 : memref<128xf32, #tpu.memory_space<vmem_shared>>) target_semaphore(%run_scoped3A : memref<!tpu.dma_semaphore, #tpu.memory_space<semaphore_mem>>)
      %dma_wait3A_167 = tpu.memref_slice %arg10[%add3A_110] : memref<10240xf32, #tpu.memory_space<vmem_shared>> -> memref<128xf32, #tpu.memory_space<vmem_shared>>
      %dma_wait3A_168 = tpu.memref_slice %arg10[%add3A_110] : memref<10240xf32, #tpu.memory_space<vmem_shared>> -> memref<128xf32, #tpu.memory_space<vmem_shared>>
      tpu.wait_dma2 semaphore(%run_scoped3A : memref<!tpu.dma_semaphore, #tpu.memory_space<semaphore_mem>>) src(%arg9 : memref<128xf32, #tpu.memory_space<vmem>>) dst(%dma_wait3A_168 : memref<128xf32, #tpu.memory_space<vmem_shared>>)
      tpu.yield
    }) : () -> ()
    %mul3A_111 = arith.constant 640 : i32
    %mul3A_112 = arith.muli %arg1, %mul3A_111 : i32
    %add3A_113 = arith.constant 512 : i32
    %add3A_114 = arith.addi %mul3A_112, %add3A_113 : i32
    "tpu.region"() ({
      %run_scoped3A = tpu.sem_alloc : memref<!tpu.dma_semaphore, #tpu.memory_space<semaphore_mem>>
      %dma_start3A_165 = tpu.memref_slice %arg10[%add3A_114] : memref<10240xf32, #tpu.memory_space<vmem_shared>> -> memref<128xf32, #tpu.memory_space<vmem_shared>>
      %dma_start3A_166 = tpu.memref_slice %arg10[%add3A_114] : memref<10240xf32, #tpu.memory_space<vmem_shared>> -> memref<128xf32, #tpu.memory_space<vmem_shared>>
      tpu.enqueue_dma source(%arg9 : memref<128xf32, #tpu.memory_space<vmem>>) target(%dma_start3A_166 : memref<128xf32, #tpu.memory_space<vmem_shared>>) target_semaphore(%run_scoped3A : memref<!tpu.dma_semaphore, #tpu.memory_space<semaphore_mem>>)
      %dma_wait3A_167 = tpu.memref_slice %arg10[%add3A_114] : memref<10240xf32, #tpu.memory_space<vmem_shared>> -> memref<128xf32, #tpu.memory_space<vmem_shared>>
      %dma_wait3A_168 = tpu.memref_slice %arg10[%add3A_114] : memref<10240xf32, #tpu.memory_space<vmem_shared>> -> memref<128xf32, #tpu.memory_space<vmem_shared>>
      tpu.wait_dma2 semaphore(%run_scoped3A : memref<!tpu.dma_semaphore, #tpu.memory_space<semaphore_mem>>) src(%arg9 : memref<128xf32, #tpu.memory_space<vmem>>) dst(%dma_wait3A_168 : memref<128xf32, #tpu.memory_space<vmem_shared>>)
      tpu.yield
    }) : () -> ()
    "tpu.region"() ({
      %run_scoped3A = tpu.sem_alloc : memref<!tpu.dma_semaphore, #tpu.memory_space<semaphore_mem>>
      %dma_start3A_165 = arith.constant 0 : i32
      %dma_start3A_166 = arith.constant 0 : i32
      %dma_start3A_167 = tpu.memref_slice %arg2[%add3A, %dma_start3A_165, %dma_start3A_166] : memref<32x79x128xi32, #tpu.memory_space<hbm>> -> memref<1x79x128xi32, #tpu.memory_space<hbm>>
      %dma_start3A_168 = tpu.memref_squeeze %dma_start3A_167 : memref<1x79x128xi32, #tpu.memory_space<hbm>> -> memref<79x128xi32, #tpu.memory_space<hbm>>
      %dma_start3A_169 = arith.constant 0 : i32
      %dma_start3A_170 = arith.constant 0 : i32
      %dma_start3A_171 = tpu.memref_slice %arg2[%add3A, %dma_start3A_169, %dma_start3A_170] : memref<32x79x128xi32, #tpu.memory_space<hbm>> -> memref<1x79x128xi32, #tpu.memory_space<hbm>>
      %dma_start3A_172 = tpu.memref_squeeze %dma_start3A_171 : memref<1x79x128xi32, #tpu.memory_space<hbm>> -> memref<79x128xi32, #tpu.memory_space<hbm>>
      tpu.enqueue_dma source(%dma_start3A_172 : memref<79x128xi32, #tpu.memory_space<hbm>>) target(%arg6 : memref<79x128xi32, #tpu.memory_space<vmem>>) target_semaphore(%run_scoped3A : memref<!tpu.dma_semaphore, #tpu.memory_space<semaphore_mem>>)
      %dma_wait3A_173 = arith.constant 0 : i32
      %dma_wait3A_174 = arith.constant 0 : i32
      %dma_wait3A_175 = tpu.memref_slice %arg2[%add3A, %dma_wait3A_173, %dma_wait3A_174] : memref<32x79x128xi32, #tpu.memory_space<hbm>> -> memref<1x79x128xi32, #tpu.memory_space<hbm>>
      %dma_wait3A_176 = tpu.memref_squeeze %dma_wait3A_175 : memref<1x79x128xi32, #tpu.memory_space<hbm>> -> memref<79x128xi32, #tpu.memory_space<hbm>>
      %dma_wait3A_177 = arith.constant 0 : i32
      %dma_wait3A_178 = arith.constant 0 : i32
      %dma_wait3A_179 = tpu.memref_slice %arg2[%add3A, %dma_wait3A_177, %dma_wait3A_178] : memref<32x79x128xi32, #tpu.memory_space<hbm>> -> memref<1x79x128xi32, #tpu.memory_space<hbm>>
      %dma_wait3A_180 = tpu.memref_squeeze %dma_wait3A_179 : memref<1x79x128xi32, #tpu.memory_space<hbm>> -> memref<79x128xi32, #tpu.memory_space<hbm>>
      tpu.wait_dma2 semaphore(%run_scoped3A : memref<!tpu.dma_semaphore, #tpu.memory_space<semaphore_mem>>) src(%dma_wait3A_180 : memref<79x128xi32, #tpu.memory_space<hbm>>) dst(%arg6 : memref<79x128xi32, #tpu.memory_space<vmem>>)
      tpu.yield
    }) : () -> ()
    "tpu.region"() ({
      %run_scoped3A = tpu.sem_alloc : memref<!tpu.dma_semaphore, #tpu.memory_space<semaphore_mem>>
      %dma_start3A_165 = arith.constant 0 : i32
      %dma_start3A_166 = arith.constant 0 : i32
      %dma_start3A_167 = tpu.memref_slice %arg3[%add3A, %dma_start3A_165, %dma_start3A_166] : memref<32x79x128xi32, #tpu.memory_space<hbm>> -> memref<1x79x128xi32, #tpu.memory_space<hbm>>
      %dma_start3A_168 = tpu.memref_squeeze %dma_start3A_167 : memref<1x79x128xi32, #tpu.memory_space<hbm>> -> memref<79x128xi32, #tpu.memory_space<hbm>>
      %dma_start3A_169 = arith.constant 0 : i32
      %dma_start3A_170 = arith.constant 0 : i32
      %dma_start3A_171 = tpu.memref_slice %arg3[%add3A, %dma_start3A_169, %dma_start3A_170] : memref<32x79x128xi32, #tpu.memory_space<hbm>> -> memref<1x79x128xi32, #tpu.memory_space<hbm>>
      %dma_start3A_172 = tpu.memref_squeeze %dma_start3A_171 : memref<1x79x128xi32, #tpu.memory_space<hbm>> -> memref<79x128xi32, #tpu.memory_space<hbm>>
      tpu.enqueue_dma source(%dma_start3A_172 : memref<79x128xi32, #tpu.memory_space<hbm>>) target(%arg7 : memref<79x128xi32, #tpu.memory_space<vmem>>) target_semaphore(%run_scoped3A : memref<!tpu.dma_semaphore, #tpu.memory_space<semaphore_mem>>)
      %dma_wait3A_173 = arith.constant 0 : i32
      %dma_wait3A_174 = arith.constant 0 : i32
      %dma_wait3A_175 = tpu.memref_slice %arg3[%add3A, %dma_wait3A_173, %dma_wait3A_174] : memref<32x79x128xi32, #tpu.memory_space<hbm>> -> memref<1x79x128xi32, #tpu.memory_space<hbm>>
      %dma_wait3A_176 = tpu.memref_squeeze %dma_wait3A_175 : memref<1x79x128xi32, #tpu.memory_space<hbm>> -> memref<79x128xi32, #tpu.memory_space<hbm>>
      %dma_wait3A_177 = arith.constant 0 : i32
      %dma_wait3A_178 = arith.constant 0 : i32
      %dma_wait3A_179 = tpu.memref_slice %arg3[%add3A, %dma_wait3A_177, %dma_wait3A_178] : memref<32x79x128xi32, #tpu.memory_space<hbm>> -> memref<1x79x128xi32, #tpu.memory_space<hbm>>
      %dma_wait3A_180 = tpu.memref_squeeze %dma_wait3A_179 : memref<1x79x128xi32, #tpu.memory_space<hbm>> -> memref<79x128xi32, #tpu.memory_space<hbm>>
      tpu.wait_dma2 semaphore(%run_scoped3A : memref<!tpu.dma_semaphore, #tpu.memory_space<semaphore_mem>>) src(%dma_wait3A_180 : memref<79x128xi32, #tpu.memory_space<hbm>>) dst(%arg7 : memref<79x128xi32, #tpu.memory_space<vmem>>)
      tpu.yield
    }) : () -> ()
    %dma_start3A = arith.constant 0 : i32
    %dma_start3A_115 = arith.constant 0 : i32
    %dma_start3A_116 = arith.constant 0 : i32
    %dma_start3A_117 = tpu.memref_slice %arg5[%add3A, %dma_start3A_115, %dma_start3A, %dma_start3A_116] : memref<32x80x2x128xi32, #tpu.memory_space<hbm>> -> memref<1x79x1x128xi32, #tpu.memory_space<hbm>>
    %dma_start3A_118 = tpu.memref_squeeze %dma_start3A_117 : memref<1x79x1x128xi32, #tpu.memory_space<hbm>> -> memref<79x128xi32, #tpu.memory_space<hbm>>
    %dma_start3A_119 = arith.constant 0 : i32
    %dma_start3A_120 = arith.constant 0 : i32
    %dma_start3A_121 = tpu.memref_slice %arg5[%add3A, %dma_start3A_119, %dma_start3A, %dma_start3A_120] : memref<32x80x2x128xi32, #tpu.memory_space<hbm>> -> memref<1x79x1x128xi32, #tpu.memory_space<hbm>>
    %dma_start3A_122 = tpu.memref_squeeze %dma_start3A_121 : memref<1x79x1x128xi32, #tpu.memory_space<hbm>> -> memref<79x128xi32, #tpu.memory_space<hbm>>
    tpu.enqueue_dma source(%arg7 : memref<79x128xi32, #tpu.memory_space<vmem>>) target(%dma_start3A_122 : memref<79x128xi32, #tpu.memory_space<hbm>>) target_semaphore(%arg12 : memref<!tpu.dma_semaphore, #tpu.memory_space<semaphore_mem>>)
    %dma_start3A_123 = arith.constant 1 : i32
    %dma_start3A_124 = arith.constant 0 : i32
    %dma_start3A_125 = arith.constant 0 : i32
    %dma_start3A_126 = tpu.memref_slice %arg5[%add3A, %dma_start3A_124, %dma_start3A_123, %dma_start3A_125] : memref<32x80x2x128xi32, #tpu.memory_space<hbm>> -> memref<1x79x1x128xi32, #tpu.memory_space<hbm>>
    %dma_start3A_127 = tpu.memref_squeeze %dma_start3A_126 : memref<1x79x1x128xi32, #tpu.memory_space<hbm>> -> memref<79x128xi32, #tpu.memory_space<hbm>>
    %dma_start3A_128 = arith.constant 0 : i32
    %dma_start3A_129 = arith.constant 0 : i32
    %dma_start3A_130 = tpu.memref_slice %arg5[%add3A, %dma_start3A_128, %dma_start3A_123, %dma_start3A_129] : memref<32x80x2x128xi32, #tpu.memory_space<hbm>> -> memref<1x79x1x128xi32, #tpu.memory_space<hbm>>
    %dma_start3A_131 = tpu.memref_squeeze %dma_start3A_130 : memref<1x79x1x128xi32, #tpu.memory_space<hbm>> -> memref<79x128xi32, #tpu.memory_space<hbm>>
    tpu.enqueue_dma source(%arg6 : memref<79x128xi32, #tpu.memory_space<vmem>>) target(%dma_start3A_131 : memref<79x128xi32, #tpu.memory_space<hbm>>) target_semaphore(%arg12 : memref<!tpu.dma_semaphore, #tpu.memory_space<semaphore_mem>>)
    %barrier3A = arith.constant 0 : index
    tpu.barrier barrier_id(%barrier3A)
    %scan3A = arith.constant 0 : i32
    %scan3A_132 = arith.constant 0 : i32
    %scan3A_133 = arith.constant 79 : i32
    %scan3A_134 = arith.addi %scan3A_132, %scan3A_133 : i32
    %scan3A_135 = arith.constant 1 : i32
    scf.for %scan3A_165 = %scan3A_132 to %scan3A_134 step %scan3A_135  : i32 {
      %dma_start3A_166 = arith.constant 0 : i32
      %dma_start3A_167 = tpu.memref_slice %arg6[%scan3A_165, %dma_start3A_166] : memref<79x128xi32, #tpu.memory_space<vmem>> -> memref<1x128xi32, #tpu.memory_space<vmem>>
      %dma_start3A_168 = tpu.memref_squeeze %dma_start3A_167 : memref<1x128xi32, #tpu.memory_space<vmem>> -> memref<128xi32, #tpu.memory_space<vmem>>
      %dma_start3A_169 = arith.constant 0 : i32
      %dma_start3A_170 = tpu.memref_slice %arg10[%dma_start3A_169] : memref<10240xf32, #tpu.memory_space<vmem_shared>> -> memref<10240xf32, #tpu.memory_space<vmem_shared>>
      tpu.enqueue_indirect_dma source(%arg8 : memref<128xf32, #tpu.memory_space<vmem>>) target(%dma_start3A_170 : memref<10240xf32, #tpu.memory_space<vmem_shared>>) offsets(%dma_start3A_168 : memref<128xi32, #tpu.memory_space<vmem>>) semaphore(%arg11 : memref<!tpu.dma_semaphore, #tpu.memory_space<semaphore_mem>>) {add = true}
    }
    %scan3A_136 = arith.constant 79 : i32
    %scan3A_137 = arith.constant 0 : i32
    %scan3A_138 = arith.constant 0 : i32
    %scan3A_139 = arith.constant 79 : i32
    %scan3A_140 = arith.addi %scan3A_138, %scan3A_139 : i32
    %scan3A_141 = arith.constant 1 : i32
    scf.for %scan3A_165 = %scan3A_138 to %scan3A_140 step %scan3A_141  : i32 {
      %dma_wait3A_166 = arith.constant 0 : i32
      %dma_wait3A_167 = tpu.memref_slice %arg6[%scan3A_165, %dma_wait3A_166] : memref<79x128xi32, #tpu.memory_space<vmem>> -> memref<1x128xi32, #tpu.memory_space<vmem>>
      %dma_wait3A_168 = tpu.memref_squeeze %dma_wait3A_167 : memref<1x128xi32, #tpu.memory_space<vmem>> -> memref<128xi32, #tpu.memory_space<vmem>>
      %dma_wait3A_169 = arith.constant 0 : i32
      %dma_wait3A_170 = tpu.memref_slice %arg10[%dma_wait3A_169] : memref<10240xf32, #tpu.memory_space<vmem_shared>> -> memref<10240xf32, #tpu.memory_space<vmem_shared>>
      tpu.wait_indirect_dma semaphore(%arg11 : memref<!tpu.dma_semaphore, #tpu.memory_space<semaphore_mem>>) src(%arg8 : memref<128xf32, #tpu.memory_space<vmem>>) dst(%dma_wait3A_170 : memref<10240xf32, #tpu.memory_space<vmem_shared>>)
    }
    %scan3A_142 = arith.constant 79 : i32
    %dma_wait3A = arith.constant 0 : i32
    %dma_wait3A_143 = arith.constant 0 : i32
    %dma_wait3A_144 = arith.constant 0 : i32
    %dma_wait3A_145 = tpu.memref_slice %arg5[%add3A, %dma_wait3A_143, %dma_wait3A, %dma_wait3A_144] : memref<32x80x2x128xi32, #tpu.memory_space<hbm>> -> memref<1x79x1x128xi32, #tpu.memory_space<hbm>>
    %dma_wait3A_146 = tpu.memref_squeeze %dma_wait3A_145 : memref<1x79x1x128xi32, #tpu.memory_space<hbm>> -> memref<79x128xi32, #tpu.memory_space<hbm>>
    %dma_wait3A_147 = arith.constant 0 : i32
    %dma_wait3A_148 = arith.constant 0 : i32
    %dma_wait3A_149 = tpu.memref_slice %arg5[%add3A, %dma_wait3A_147, %dma_wait3A, %dma_wait3A_148] : memref<32x80x2x128xi32, #tpu.memory_space<hbm>> -> memref<1x79x1x128xi32, #tpu.memory_space<hbm>>
    %dma_wait3A_150 = tpu.memref_squeeze %dma_wait3A_149 : memref<1x79x1x128xi32, #tpu.memory_space<hbm>> -> memref<79x128xi32, #tpu.memory_space<hbm>>
    tpu.wait_dma2 semaphore(%arg12 : memref<!tpu.dma_semaphore, #tpu.memory_space<semaphore_mem>>) src(%arg7 : memref<79x128xi32, #tpu.memory_space<vmem>>) dst(%dma_wait3A_150 : memref<79x128xi32, #tpu.memory_space<hbm>>)
    %dma_wait3A_151 = arith.constant 1 : i32
    %dma_wait3A_152 = arith.constant 0 : i32
    %dma_wait3A_153 = arith.constant 0 : i32
    %dma_wait3A_154 = tpu.memref_slice %arg5[%add3A, %dma_wait3A_152, %dma_wait3A_151, %dma_wait3A_153] : memref<32x80x2x128xi32, #tpu.memory_space<hbm>> -> memref<1x79x1x128xi32, #tpu.memory_space<hbm>>
    %dma_wait3A_155 = tpu.memref_squeeze %dma_wait3A_154 : memref<1x79x1x128xi32, #tpu.memory_space<hbm>> -> memref<79x128xi32, #tpu.memory_space<hbm>>
    %dma_wait3A_156 = arith.constant 0 : i32
    %dma_wait3A_157 = arith.constant 0 : i32
    %dma_wait3A_158 = tpu.memref_slice %arg5[%add3A, %dma_wait3A_156, %dma_wait3A_151, %dma_wait3A_157] : memref<32x80x2x128xi32, #tpu.memory_space<hbm>> -> memref<1x79x1x128xi32, #tpu.memory_space<hbm>>
    %dma_wait3A_159 = tpu.memref_squeeze %dma_wait3A_158 : memref<1x79x1x128xi32, #tpu.memory_space<hbm>> -> memref<79x128xi32, #tpu.memory_space<hbm>>
    tpu.wait_dma2 semaphore(%arg12 : memref<!tpu.dma_semaphore, #tpu.memory_space<semaphore_mem>>) src(%arg6 : memref<79x128xi32, #tpu.memory_space<vmem>>) dst(%dma_wait3A_159 : memref<79x128xi32, #tpu.memory_space<hbm>>)
    %barrier3A_160 = arith.constant 0 : index
    tpu.barrier barrier_id(%barrier3A_160)
    %mul3A_161 = arith.constant 640 : i32
    %mul3A_162 = arith.muli %arg1, %mul3A_161 : i32
    %mul3A_163 = arith.constant 640 : i32
    %mul3A_164 = arith.muli %arg1, %mul3A_163 : i32
    "tpu.region"() ({
      %run_scoped3A = tpu.sem_alloc : memref<!tpu.dma_semaphore, #tpu.memory_space<semaphore_mem>>
      %dma_start3A_165 = tpu.memref_slice %arg4[%arg0, %mul3A_164] : memref<2x10240xf32, #tpu.memory_space<hbm>> -> memref<1x640xf32, #tpu.memory_space<hbm>>
      %dma_start3A_166 = tpu.memref_squeeze %dma_start3A_165 : memref<1x640xf32, #tpu.memory_space<hbm>> -> memref<640xf32, #tpu.memory_space<hbm>>
      %dma_start3A_167 = tpu.memref_slice %arg10[%mul3A_162] : memref<10240xf32, #tpu.memory_space<vmem_shared>> -> memref<640xf32, #tpu.memory_space<vmem_shared>>
      tpu.enqueue_dma source(%dma_start3A_167 : memref<640xf32, #tpu.memory_space<vmem_shared>>) target(%dma_start3A_166 : memref<640xf32, #tpu.memory_space<hbm>>) target_semaphore(%run_scoped3A : memref<!tpu.dma_semaphore, #tpu.memory_space<semaphore_mem>>)
      %dma_wait3A_168 = tpu.memref_slice %arg4[%arg0, %mul3A_164] : memref<2x10240xf32, #tpu.memory_space<hbm>> -> memref<1x640xf32, #tpu.memory_space<hbm>>
      %dma_wait3A_169 = tpu.memref_squeeze %dma_wait3A_168 : memref<1x640xf32, #tpu.memory_space<hbm>> -> memref<640xf32, #tpu.memory_space<hbm>>
      %dma_wait3A_170 = tpu.memref_slice %arg10[%mul3A_162] : memref<10240xf32, #tpu.memory_space<vmem_shared>> -> memref<640xf32, #tpu.memory_space<vmem_shared>>
      tpu.wait_dma2 semaphore(%run_scoped3A : memref<!tpu.dma_semaphore, #tpu.memory_space<semaphore_mem>>) src(%dma_wait3A_170 : memref<640xf32, #tpu.memory_space<vmem_shared>>) dst(%dma_wait3A_169 : memref<640xf32, #tpu.memory_space<hbm>>)
      tpu.yield
    }) : () -> ()
    return
  }
}

#map = affine_map<(d0, d1) -> (0, 0, 0, 0)>
#map1 = affine_map<(d0, d1) -> (0, 0)>
#map2 = affine_map<(d0, d1) -> (0, 0, 0)>
module attributes {stable_mosaic.version = 14 : i64} {
  func.func @_agg16(%arg0: i32, %arg1: i32, %arg2: memref<32x80x2x128xi32, #tpu.memory_space<hbm>>, %arg3: memref<10240x16xf32, #tpu.memory_space<hbm>>, %arg4: memref<2x10240x16xf32, #tpu.memory_space<hbm>>, %arg5: memref<80x2x128xi32, #tpu.memory_space<vmem>>, %arg6: memref<128x16xf32, #tpu.memory_space<vmem>>, %arg7: memref<128x16xf32, #tpu.memory_space<vmem>>, %arg8: memref<128x16xf32, #tpu.memory_space<vmem>>, %arg9: memref<128x16xf32, #tpu.memory_space<vmem>>, %arg10: memref<128x16xf32, #tpu.memory_space<vmem>>, %arg11: memref<128x16xf32, #tpu.memory_space<vmem>>, %arg12: memref<128x16xf32, #tpu.memory_space<vmem>>, %arg13: memref<128x16xf32, #tpu.memory_space<vmem>>, %arg14: memref<10240x16xf32, #tpu.memory_space<vmem_shared>>, %arg15: memref<!tpu.dma_semaphore, #tpu.memory_space<semaphore_mem>>, %arg16: memref<!tpu.dma_semaphore, #tpu.memory_space<semaphore_mem>>, %arg17: memref<!tpu.dma_semaphore, #tpu.memory_space<semaphore_mem>>, %arg18: memref<!tpu.dma_semaphore, #tpu.memory_space<semaphore_mem>>, %arg19: memref<!tpu.dma_semaphore, #tpu.memory_space<semaphore_mem>>, %arg20: memref<!tpu.dma_semaphore, #tpu.memory_space<semaphore_mem>>, %arg21: memref<!tpu.dma_semaphore, #tpu.memory_space<semaphore_mem>>, %arg22: memref<!tpu.dma_semaphore, #tpu.memory_space<semaphore_mem>>, %arg23: memref<!tpu.dma_semaphore, #tpu.memory_space<semaphore_mem>>, %arg24: memref<!tpu.dma_semaphore, #tpu.memory_space<semaphore_mem>>, %arg25: memref<!tpu.dma_semaphore, #tpu.memory_space<semaphore_mem>>, %arg26: memref<!tpu.dma_semaphore, #tpu.memory_space<semaphore_mem>>, %arg27: memref<!tpu.dma_semaphore, #tpu.memory_space<semaphore_mem>>, %arg28: memref<!tpu.dma_semaphore, #tpu.memory_space<semaphore_mem>>, %arg29: memref<!tpu.dma_semaphore, #tpu.memory_space<semaphore_mem>>, %arg30: memref<!tpu.dma_semaphore, #tpu.memory_space<semaphore_mem>>) attributes {dimension_semantics = [#tpu.dimension_semantics<core_parallel>, #tpu.dimension_semantics<subcore_parallel>], iteration_bounds = array<i64: 2, 16>, scalar_prefetch = 0 : i64, scratch_operands = 26 : i64, tpu.core_type = #tpu.core_type<sc_vector_subcore>, window_params = [{transform_indices = #map}, {transform_indices = #map1}, {transform_indices = #map2}]} {
    %mul3A = arith.constant 16 : i32
    %mul3A_0 = arith.muli %arg0, %mul3A : i32
    %add3A = arith.addi %mul3A_0, %arg1 : i32
    %scan3A = arith.constant 0 : i32
    %scan3A_1 = arith.constant 0 : i32
    %scan3A_2 = arith.constant 128 : i32
    %scan3A_3 = arith.addi %scan3A_1, %scan3A_2 : i32
    %scan3A_4 = arith.constant 1 : i32
    scf.for %scan3A_99 = %scan3A_1 to %scan3A_3 step %scan3A_4  : i32 {
      %broadcast_in_dim3A = arith.constant 0.000000e+00 : f32
      %broadcast_in_dim3A_100 = vector.broadcast %broadcast_in_dim3A : f32 to vector<16xf32>
      %swap3A = arith.index_cast %scan3A_99 : i32 to index
      %swap3A_101 = arith.constant 0 : index
      %swap3A_102 = tpu.vector_load %arg6[%swap3A, %swap3A_101] {strides = array<i32>} : memref<128x16xf32, #tpu.memory_space<vmem>>, vector<1x16xf32>,
      %swap3A_103 = vector.shape_cast %swap3A_102 : vector<1x16xf32> to vector<16xf32>
      %swap3A_104 = vector.shape_cast %broadcast_in_dim3A_100 : vector<16xf32> to vector<1x16xf32>
      tpu.vector_store %arg6[%swap3A, %swap3A_101], %swap3A_104 {strides = array<i32>} : memref<128x16xf32, #tpu.memory_space<vmem>>, vector<1x16xf32>,
    }
    %scan3A_5 = arith.constant 128 : i32
    %mul3A_6 = arith.constant 640 : i32
    %mul3A_7 = arith.muli %arg1, %mul3A_6 : i32
    %add3A_8 = arith.constant 0 : i32
    %add3A_9 = arith.addi %mul3A_7, %add3A_8 : i32
    "tpu.region"() ({
      %run_scoped3A = tpu.sem_alloc : memref<!tpu.dma_semaphore, #tpu.memory_space<semaphore_mem>>
      %dma_start3A_99 = arith.constant 0 : i32
      %dma_start3A_100 = tpu.memref_slice %arg14[%add3A_9, %dma_start3A_99] : memref<10240x16xf32, #tpu.memory_space<vmem_shared>> -> memref<128x16xf32, #tpu.memory_space<vmem_shared>>
      %dma_start3A_101 = arith.constant 0 : i32
      %dma_start3A_102 = tpu.memref_slice %arg14[%add3A_9, %dma_start3A_101] : memref<10240x16xf32, #tpu.memory_space<vmem_shared>> -> memref<128x16xf32, #tpu.memory_space<vmem_shared>>
      tpu.enqueue_dma source(%arg6 : memref<128x16xf32, #tpu.memory_space<vmem>>) target(%dma_start3A_102 : memref<128x16xf32, #tpu.memory_space<vmem_shared>>) target_semaphore(%run_scoped3A : memref<!tpu.dma_semaphore, #tpu.memory_space<semaphore_mem>>)
      %dma_wait3A_103 = arith.constant 0 : i32
      %dma_wait3A_104 = tpu.memref_slice %arg14[%add3A_9, %dma_wait3A_103] : memref<10240x16xf32, #tpu.memory_space<vmem_shared>> -> memref<128x16xf32, #tpu.memory_space<vmem_shared>>
      %dma_wait3A_105 = arith.constant 0 : i32
      %dma_wait3A_106 = tpu.memref_slice %arg14[%add3A_9, %dma_wait3A_105] : memref<10240x16xf32, #tpu.memory_space<vmem_shared>> -> memref<128x16xf32, #tpu.memory_space<vmem_shared>>
      tpu.wait_dma2 semaphore(%run_scoped3A : memref<!tpu.dma_semaphore, #tpu.memory_space<semaphore_mem>>) src(%arg6 : memref<128x16xf32, #tpu.memory_space<vmem>>) dst(%dma_wait3A_106 : memref<128x16xf32, #tpu.memory_space<vmem_shared>>)
      tpu.yield
    }) : () -> ()
    %mul3A_10 = arith.constant 640 : i32
    %mul3A_11 = arith.muli %arg1, %mul3A_10 : i32
    %add3A_12 = arith.constant 128 : i32
    %add3A_13 = arith.addi %mul3A_11, %add3A_12 : i32
    "tpu.region"() ({
      %run_scoped3A = tpu.sem_alloc : memref<!tpu.dma_semaphore, #tpu.memory_space<semaphore_mem>>
      %dma_start3A_99 = arith.constant 0 : i32
      %dma_start3A_100 = tpu.memref_slice %arg14[%add3A_13, %dma_start3A_99] : memref<10240x16xf32, #tpu.memory_space<vmem_shared>> -> memref<128x16xf32, #tpu.memory_space<vmem_shared>>
      %dma_start3A_101 = arith.constant 0 : i32
      %dma_start3A_102 = tpu.memref_slice %arg14[%add3A_13, %dma_start3A_101] : memref<10240x16xf32, #tpu.memory_space<vmem_shared>> -> memref<128x16xf32, #tpu.memory_space<vmem_shared>>
      tpu.enqueue_dma source(%arg6 : memref<128x16xf32, #tpu.memory_space<vmem>>) target(%dma_start3A_102 : memref<128x16xf32, #tpu.memory_space<vmem_shared>>) target_semaphore(%run_scoped3A : memref<!tpu.dma_semaphore, #tpu.memory_space<semaphore_mem>>)
      %dma_wait3A_103 = arith.constant 0 : i32
      %dma_wait3A_104 = tpu.memref_slice %arg14[%add3A_13, %dma_wait3A_103] : memref<10240x16xf32, #tpu.memory_space<vmem_shared>> -> memref<128x16xf32, #tpu.memory_space<vmem_shared>>
      %dma_wait3A_105 = arith.constant 0 : i32
      %dma_wait3A_106 = tpu.memref_slice %arg14[%add3A_13, %dma_wait3A_105] : memref<10240x16xf32, #tpu.memory_space<vmem_shared>> -> memref<128x16xf32, #tpu.memory_space<vmem_shared>>
      tpu.wait_dma2 semaphore(%run_scoped3A : memref<!tpu.dma_semaphore, #tpu.memory_space<semaphore_mem>>) src(%arg6 : memref<128x16xf32, #tpu.memory_space<vmem>>) dst(%dma_wait3A_106 : memref<128x16xf32, #tpu.memory_space<vmem_shared>>)
      tpu.yield
    }) : () -> ()
    %mul3A_14 = arith.constant 640 : i32
    %mul3A_15 = arith.muli %arg1, %mul3A_14 : i32
    %add3A_16 = arith.constant 256 : i32
    %add3A_17 = arith.addi %mul3A_15, %add3A_16 : i32
    "tpu.region"() ({
      %run_scoped3A = tpu.sem_alloc : memref<!tpu.dma_semaphore, #tpu.memory_space<semaphore_mem>>
      %dma_start3A_99 = arith.constant 0 : i32
      %dma_start3A_100 = tpu.memref_slice %arg14[%add3A_17, %dma_start3A_99] : memref<10240x16xf32, #tpu.memory_space<vmem_shared>> -> memref<128x16xf32, #tpu.memory_space<vmem_shared>>
      %dma_start3A_101 = arith.constant 0 : i32
      %dma_start3A_102 = tpu.memref_slice %arg14[%add3A_17, %dma_start3A_101] : memref<10240x16xf32, #tpu.memory_space<vmem_shared>> -> memref<128x16xf32, #tpu.memory_space<vmem_shared>>
      tpu.enqueue_dma source(%arg6 : memref<128x16xf32, #tpu.memory_space<vmem>>) target(%dma_start3A_102 : memref<128x16xf32, #tpu.memory_space<vmem_shared>>) target_semaphore(%run_scoped3A : memref<!tpu.dma_semaphore, #tpu.memory_space<semaphore_mem>>)
      %dma_wait3A_103 = arith.constant 0 : i32
      %dma_wait3A_104 = tpu.memref_slice %arg14[%add3A_17, %dma_wait3A_103] : memref<10240x16xf32, #tpu.memory_space<vmem_shared>> -> memref<128x16xf32, #tpu.memory_space<vmem_shared>>
      %dma_wait3A_105 = arith.constant 0 : i32
      %dma_wait3A_106 = tpu.memref_slice %arg14[%add3A_17, %dma_wait3A_105] : memref<10240x16xf32, #tpu.memory_space<vmem_shared>> -> memref<128x16xf32, #tpu.memory_space<vmem_shared>>
      tpu.wait_dma2 semaphore(%run_scoped3A : memref<!tpu.dma_semaphore, #tpu.memory_space<semaphore_mem>>) src(%arg6 : memref<128x16xf32, #tpu.memory_space<vmem>>) dst(%dma_wait3A_106 : memref<128x16xf32, #tpu.memory_space<vmem_shared>>)
      tpu.yield
    }) : () -> ()
    %mul3A_18 = arith.constant 640 : i32
    %mul3A_19 = arith.muli %arg1, %mul3A_18 : i32
    %add3A_20 = arith.constant 384 : i32
    %add3A_21 = arith.addi %mul3A_19, %add3A_20 : i32
    "tpu.region"() ({
      %run_scoped3A = tpu.sem_alloc : memref<!tpu.dma_semaphore, #tpu.memory_space<semaphore_mem>>
      %dma_start3A_99 = arith.constant 0 : i32
      %dma_start3A_100 = tpu.memref_slice %arg14[%add3A_21, %dma_start3A_99] : memref<10240x16xf32, #tpu.memory_space<vmem_shared>> -> memref<128x16xf32, #tpu.memory_space<vmem_shared>>
      %dma_start3A_101 = arith.constant 0 : i32
      %dma_start3A_102 = tpu.memref_slice %arg14[%add3A_21, %dma_start3A_101] : memref<10240x16xf32, #tpu.memory_space<vmem_shared>> -> memref<128x16xf32, #tpu.memory_space<vmem_shared>>
      tpu.enqueue_dma source(%arg6 : memref<128x16xf32, #tpu.memory_space<vmem>>) target(%dma_start3A_102 : memref<128x16xf32, #tpu.memory_space<vmem_shared>>) target_semaphore(%run_scoped3A : memref<!tpu.dma_semaphore, #tpu.memory_space<semaphore_mem>>)
      %dma_wait3A_103 = arith.constant 0 : i32
      %dma_wait3A_104 = tpu.memref_slice %arg14[%add3A_21, %dma_wait3A_103] : memref<10240x16xf32, #tpu.memory_space<vmem_shared>> -> memref<128x16xf32, #tpu.memory_space<vmem_shared>>
      %dma_wait3A_105 = arith.constant 0 : i32
      %dma_wait3A_106 = tpu.memref_slice %arg14[%add3A_21, %dma_wait3A_105] : memref<10240x16xf32, #tpu.memory_space<vmem_shared>> -> memref<128x16xf32, #tpu.memory_space<vmem_shared>>
      tpu.wait_dma2 semaphore(%run_scoped3A : memref<!tpu.dma_semaphore, #tpu.memory_space<semaphore_mem>>) src(%arg6 : memref<128x16xf32, #tpu.memory_space<vmem>>) dst(%dma_wait3A_106 : memref<128x16xf32, #tpu.memory_space<vmem_shared>>)
      tpu.yield
    }) : () -> ()
    %mul3A_22 = arith.constant 640 : i32
    %mul3A_23 = arith.muli %arg1, %mul3A_22 : i32
    %add3A_24 = arith.constant 512 : i32
    %add3A_25 = arith.addi %mul3A_23, %add3A_24 : i32
    "tpu.region"() ({
      %run_scoped3A = tpu.sem_alloc : memref<!tpu.dma_semaphore, #tpu.memory_space<semaphore_mem>>
      %dma_start3A_99 = arith.constant 0 : i32
      %dma_start3A_100 = tpu.memref_slice %arg14[%add3A_25, %dma_start3A_99] : memref<10240x16xf32, #tpu.memory_space<vmem_shared>> -> memref<128x16xf32, #tpu.memory_space<vmem_shared>>
      %dma_start3A_101 = arith.constant 0 : i32
      %dma_start3A_102 = tpu.memref_slice %arg14[%add3A_25, %dma_start3A_101] : memref<10240x16xf32, #tpu.memory_space<vmem_shared>> -> memref<128x16xf32, #tpu.memory_space<vmem_shared>>
      tpu.enqueue_dma source(%arg6 : memref<128x16xf32, #tpu.memory_space<vmem>>) target(%dma_start3A_102 : memref<128x16xf32, #tpu.memory_space<vmem_shared>>) target_semaphore(%run_scoped3A : memref<!tpu.dma_semaphore, #tpu.memory_space<semaphore_mem>>)
      %dma_wait3A_103 = arith.constant 0 : i32
      %dma_wait3A_104 = tpu.memref_slice %arg14[%add3A_25, %dma_wait3A_103] : memref<10240x16xf32, #tpu.memory_space<vmem_shared>> -> memref<128x16xf32, #tpu.memory_space<vmem_shared>>
      %dma_wait3A_105 = arith.constant 0 : i32
      %dma_wait3A_106 = tpu.memref_slice %arg14[%add3A_25, %dma_wait3A_105] : memref<10240x16xf32, #tpu.memory_space<vmem_shared>> -> memref<128x16xf32, #tpu.memory_space<vmem_shared>>
      tpu.wait_dma2 semaphore(%run_scoped3A : memref<!tpu.dma_semaphore, #tpu.memory_space<semaphore_mem>>) src(%arg6 : memref<128x16xf32, #tpu.memory_space<vmem>>) dst(%dma_wait3A_106 : memref<128x16xf32, #tpu.memory_space<vmem_shared>>)
      tpu.yield
    }) : () -> ()
    "tpu.region"() ({
      %run_scoped3A = tpu.sem_alloc : memref<!tpu.dma_semaphore, #tpu.memory_space<semaphore_mem>>
      %dma_start3A_99 = arith.constant 0 : i32
      %dma_start3A_100 = arith.constant 0 : i32
      %dma_start3A_101 = arith.constant 0 : i32
      %dma_start3A_102 = tpu.memref_slice %arg2[%add3A, %dma_start3A_99, %dma_start3A_100, %dma_start3A_101] : memref<32x80x2x128xi32, #tpu.memory_space<hbm>> -> memref<1x80x2x128xi32, #tpu.memory_space<hbm>>
      %dma_start3A_103 = tpu.memref_squeeze %dma_start3A_102 : memref<1x80x2x128xi32, #tpu.memory_space<hbm>> -> memref<80x2x128xi32, #tpu.memory_space<hbm>>
      %dma_start3A_104 = arith.constant 0 : i32
      %dma_start3A_105 = arith.constant 0 : i32
      %dma_start3A_106 = arith.constant 0 : i32
      %dma_start3A_107 = tpu.memref_slice %arg2[%add3A, %dma_start3A_104, %dma_start3A_105, %dma_start3A_106] : memref<32x80x2x128xi32, #tpu.memory_space<hbm>> -> memref<1x80x2x128xi32, #tpu.memory_space<hbm>>
      %dma_start3A_108 = tpu.memref_squeeze %dma_start3A_107 : memref<1x80x2x128xi32, #tpu.memory_space<hbm>> -> memref<80x2x128xi32, #tpu.memory_space<hbm>>
      tpu.enqueue_dma source(%dma_start3A_108 : memref<80x2x128xi32, #tpu.memory_space<hbm>>) target(%arg5 : memref<80x2x128xi32, #tpu.memory_space<vmem>>) target_semaphore(%run_scoped3A : memref<!tpu.dma_semaphore, #tpu.memory_space<semaphore_mem>>)
      %dma_wait3A_109 = arith.constant 0 : i32
      %dma_wait3A_110 = arith.constant 0 : i32
      %dma_wait3A_111 = arith.constant 0 : i32
      %dma_wait3A_112 = tpu.memref_slice %arg2[%add3A, %dma_wait3A_109, %dma_wait3A_110, %dma_wait3A_111] : memref<32x80x2x128xi32, #tpu.memory_space<hbm>> -> memref<1x80x2x128xi32, #tpu.memory_space<hbm>>
      %dma_wait3A_113 = tpu.memref_squeeze %dma_wait3A_112 : memref<1x80x2x128xi32, #tpu.memory_space<hbm>> -> memref<80x2x128xi32, #tpu.memory_space<hbm>>
      %dma_wait3A_114 = arith.constant 0 : i32
      %dma_wait3A_115 = arith.constant 0 : i32
      %dma_wait3A_116 = arith.constant 0 : i32
      %dma_wait3A_117 = tpu.memref_slice %arg2[%add3A, %dma_wait3A_114, %dma_wait3A_115, %dma_wait3A_116] : memref<32x80x2x128xi32, #tpu.memory_space<hbm>> -> memref<1x80x2x128xi32, #tpu.memory_space<hbm>>
      %dma_wait3A_118 = tpu.memref_squeeze %dma_wait3A_117 : memref<1x80x2x128xi32, #tpu.memory_space<hbm>> -> memref<80x2x128xi32, #tpu.memory_space<hbm>>
      tpu.wait_dma2 semaphore(%run_scoped3A : memref<!tpu.dma_semaphore, #tpu.memory_space<semaphore_mem>>) src(%dma_wait3A_118 : memref<80x2x128xi32, #tpu.memory_space<hbm>>) dst(%arg5 : memref<80x2x128xi32, #tpu.memory_space<vmem>>)
      tpu.yield
    }) : () -> ()
    %barrier3A = arith.constant 0 : index
    tpu.barrier barrier_id(%barrier3A)
    %dma_start3A = arith.constant 0 : i32
    %dma_start3A_26 = arith.constant 0 : i32
    %dma_start3A_27 = arith.constant 0 : i32
    %dma_start3A_28 = tpu.memref_slice %arg5[%dma_start3A, %dma_start3A_26, %dma_start3A_27] : memref<80x2x128xi32, #tpu.memory_space<vmem>> -> memref<1x1x128xi32, #tpu.memory_space<vmem>>
    %dma_start3A_29 = tpu.memref_squeeze %dma_start3A_28 : memref<1x1x128xi32, #tpu.memory_space<vmem>> -> memref<128xi32, #tpu.memory_space<vmem>>
    %dma_start3A_30 = arith.constant 0 : i32
    %dma_start3A_31 = arith.constant 0 : i32
    %dma_start3A_32 = tpu.memref_slice %arg3[%dma_start3A_30, %dma_start3A_31] : memref<10240x16xf32, #tpu.memory_space<hbm>> -> memref<10240x16xf32, #tpu.memory_space<hbm>>
    tpu.enqueue_indirect_dma source(%dma_start3A_32 : memref<10240x16xf32, #tpu.memory_space<hbm>>) target(%arg6 : memref<128x16xf32, #tpu.memory_space<vmem>>) offsets(%dma_start3A_29 : memref<128xi32, #tpu.memory_space<vmem>>) semaphore(%arg15 : memref<!tpu.dma_semaphore, #tpu.memory_space<semaphore_mem>>)
    %dma_start3A_33 = arith.constant 1 : i32
    %dma_start3A_34 = arith.constant 0 : i32
    %dma_start3A_35 = arith.constant 0 : i32
    %dma_start3A_36 = tpu.memref_slice %arg5[%dma_start3A_33, %dma_start3A_34, %dma_start3A_35] : memref<80x2x128xi32, #tpu.memory_space<vmem>> -> memref<1x1x128xi32, #tpu.memory_space<vmem>>
    %dma_start3A_37 = tpu.memref_squeeze %dma_start3A_36 : memref<1x1x128xi32, #tpu.memory_space<vmem>> -> memref<128xi32, #tpu.memory_space<vmem>>
    %dma_start3A_38 = arith.constant 0 : i32
    %dma_start3A_39 = arith.constant 0 : i32
    %dma_start3A_40 = tpu.memref_slice %arg3[%dma_start3A_38, %dma_start3A_39] : memref<10240x16xf32, #tpu.memory_space<hbm>> -> memref<10240x16xf32, #tpu.memory_space<hbm>>
    tpu.enqueue_indirect_dma source(%dma_start3A_40 : memref<10240x16xf32, #tpu.memory_space<hbm>>) target(%arg7 : memref<128x16xf32, #tpu.memory_space<vmem>>) offsets(%dma_start3A_37 : memref<128xi32, #tpu.memory_space<vmem>>) semaphore(%arg16 : memref<!tpu.dma_semaphore, #tpu.memory_space<semaphore_mem>>)
    %dma_start3A_41 = arith.constant 2 : i32
    %dma_start3A_42 = arith.constant 0 : i32
    %dma_start3A_43 = arith.constant 0 : i32
    %dma_start3A_44 = tpu.memref_slice %arg5[%dma_start3A_41, %dma_start3A_42, %dma_start3A_43] : memref<80x2x128xi32, #tpu.memory_space<vmem>> -> memref<1x1x128xi32, #tpu.memory_space<vmem>>
    %dma_start3A_45 = tpu.memref_squeeze %dma_start3A_44 : memref<1x1x128xi32, #tpu.memory_space<vmem>> -> memref<128xi32, #tpu.memory_space<vmem>>
    %dma_start3A_46 = arith.constant 0 : i32
    %dma_start3A_47 = arith.constant 0 : i32
    %dma_start3A_48 = tpu.memref_slice %arg3[%dma_start3A_46, %dma_start3A_47] : memref<10240x16xf32, #tpu.memory_space<hbm>> -> memref<10240x16xf32, #tpu.memory_space<hbm>>
    tpu.enqueue_indirect_dma source(%dma_start3A_48 : memref<10240x16xf32, #tpu.memory_space<hbm>>) target(%arg8 : memref<128x16xf32, #tpu.memory_space<vmem>>) offsets(%dma_start3A_45 : memref<128xi32, #tpu.memory_space<vmem>>) semaphore(%arg17 : memref<!tpu.dma_semaphore, #tpu.memory_space<semaphore_mem>>)
    %dma_start3A_49 = arith.constant 3 : i32
    %dma_start3A_50 = arith.constant 0 : i32
    %dma_start3A_51 = arith.constant 0 : i32
    %dma_start3A_52 = tpu.memref_slice %arg5[%dma_start3A_49, %dma_start3A_50, %dma_start3A_51] : memref<80x2x128xi32, #tpu.memory_space<vmem>> -> memref<1x1x128xi32, #tpu.memory_space<vmem>>
    %dma_start3A_53 = tpu.memref_squeeze %dma_start3A_52 : memref<1x1x128xi32, #tpu.memory_space<vmem>> -> memref<128xi32, #tpu.memory_space<vmem>>
    %dma_start3A_54 = arith.constant 0 : i32
    %dma_start3A_55 = arith.constant 0 : i32
    %dma_start3A_56 = tpu.memref_slice %arg3[%dma_start3A_54, %dma_start3A_55] : memref<10240x16xf32, #tpu.memory_space<hbm>> -> memref<10240x16xf32, #tpu.memory_space<hbm>>
    tpu.enqueue_indirect_dma source(%dma_start3A_56 : memref<10240x16xf32, #tpu.memory_space<hbm>>) target(%arg9 : memref<128x16xf32, #tpu.memory_space<vmem>>) offsets(%dma_start3A_53 : memref<128xi32, #tpu.memory_space<vmem>>) semaphore(%arg18 : memref<!tpu.dma_semaphore, #tpu.memory_space<semaphore_mem>>)
    %scan3A_57 = arith.constant 0 : i32
    %scan3A_58 = arith.constant 0 : i32
    %scan3A_59 = arith.constant 10 : i32
    %scan3A_60 = arith.addi %scan3A_58, %scan3A_59 : i32
    %scan3A_61 = arith.constant 1 : i32
    scf.for %scan3A_99 = %scan3A_58 to %scan3A_60 step %scan3A_61  : i32 {
      %mul3A_100 = arith.constant 8 : i32
      %mul3A_101 = arith.muli %mul3A_100, %scan3A_99 : i32
      %add3A_102 = arith.constant 0 : i32
      %add3A_103 = arith.addi %mul3A_101, %add3A_102 : i32
      %lt3A = arith.constant 79 : i32
      %lt3A_104 = arith.cmpi slt, %add3A_103, %lt3A : i32
      %convert_element_type3A = arith.extui %lt3A_104 : i1 to i32
      %cond3A = arith.constant 0 : i32
      %cond3A_105 = arith.cmpi ne, %convert_element_type3A, %cond3A : i32
      scf.if %cond3A_105 {
        %dma_wait3A_169 = arith.constant 0 : i32
        %dma_wait3A_170 = arith.constant 0 : i32
        %dma_wait3A_171 = tpu.memref_slice %arg5[%add3A_103, %dma_wait3A_169, %dma_wait3A_170] : memref<80x2x128xi32, #tpu.memory_space<vmem>> -> memref<1x1x128xi32, #tpu.memory_space<vmem>>
        %dma_wait3A_172 = tpu.memref_squeeze %dma_wait3A_171 : memref<1x1x128xi32, #tpu.memory_space<vmem>> -> memref<128xi32, #tpu.memory_space<vmem>>
        %dma_wait3A_173 = arith.constant 0 : i32
        %dma_wait3A_174 = arith.constant 0 : i32
        %dma_wait3A_175 = tpu.memref_slice %arg3[%dma_wait3A_173, %dma_wait3A_174] : memref<10240x16xf32, #tpu.memory_space<hbm>> -> memref<10240x16xf32, #tpu.memory_space<hbm>>
        tpu.wait_indirect_dma semaphore(%arg15 : memref<!tpu.dma_semaphore, #tpu.memory_space<semaphore_mem>>) src(%dma_wait3A_175 : memref<10240x16xf32, #tpu.memory_space<hbm>>) dst(%arg6 : memref<128x16xf32, #tpu.memory_space<vmem>>)
        %dma_start3A_176 = arith.constant 1 : i32
        %dma_start3A_177 = arith.constant 0 : i32
        %dma_start3A_178 = tpu.memref_slice %arg5[%add3A_103, %dma_start3A_176, %dma_start3A_177] : memref<80x2x128xi32, #tpu.memory_space<vmem>> -> memref<1x1x128xi32, #tpu.memory_space<vmem>>
        %dma_start3A_179 = tpu.memref_squeeze %dma_start3A_178 : memref<1x1x128xi32, #tpu.memory_space<vmem>> -> memref<128xi32, #tpu.memory_space<vmem>>
        %dma_start3A_180 = arith.constant 0 : i32
        %dma_start3A_181 = arith.constant 0 : i32
        %dma_start3A_182 = tpu.memref_slice %arg14[%dma_start3A_180, %dma_start3A_181] : memref<10240x16xf32, #tpu.memory_space<vmem_shared>> -> memref<10240x16xf32, #tpu.memory_space<vmem_shared>>
        tpu.enqueue_indirect_dma source(%arg6 : memref<128x16xf32, #tpu.memory_space<vmem>>) target(%dma_start3A_182 : memref<10240x16xf32, #tpu.memory_space<vmem_shared>>) offsets(%dma_start3A_179 : memref<128xi32, #tpu.memory_space<vmem>>) semaphore(%arg23 : memref<!tpu.dma_semaphore, #tpu.memory_space<semaphore_mem>>) {add = true}
        %ge3A = arith.constant 4 : i32
        %ge3A_183 = arith.cmpi sge, %add3A_103, %ge3A : i32
        %convert_element_type3A_184 = arith.extui %ge3A_183 : i1 to i32
        %cond3A_185 = arith.constant 0 : i32
        %cond3A_186 = arith.cmpi ne, %convert_element_type3A_184, %cond3A_185 : i32
        scf.if %cond3A_186 {
          %sub3A = arith.constant 4 : i32
          %sub3A_194 = arith.subi %add3A_103, %sub3A : i32
          %dma_wait3A_195 = arith.constant 1 : i32
          %dma_wait3A_196 = arith.constant 0 : i32
          %dma_wait3A_197 = tpu.memref_slice %arg5[%sub3A_194, %dma_wait3A_195, %dma_wait3A_196] : memref<80x2x128xi32, #tpu.memory_space<vmem>> -> memref<1x1x128xi32, #tpu.memory_space<vmem>>
          %dma_wait3A_198 = tpu.memref_squeeze %dma_wait3A_197 : memref<1x1x128xi32, #tpu.memory_space<vmem>> -> memref<128xi32, #tpu.memory_space<vmem>>
          %dma_wait3A_199 = arith.constant 0 : i32
          %dma_wait3A_200 = arith.constant 0 : i32
          %dma_wait3A_201 = tpu.memref_slice %arg14[%dma_wait3A_199, %dma_wait3A_200] : memref<10240x16xf32, #tpu.memory_space<vmem_shared>> -> memref<10240x16xf32, #tpu.memory_space<vmem_shared>>
          tpu.wait_indirect_dma semaphore(%arg27 : memref<!tpu.dma_semaphore, #tpu.memory_space<semaphore_mem>>) src(%arg10 : memref<128x16xf32, #tpu.memory_space<vmem>>) dst(%dma_wait3A_201 : memref<10240x16xf32, #tpu.memory_space<vmem_shared>>)
        } else {
        }
        %add3A_187 = arith.constant 4 : i32
        %add3A_188 = arith.addi %add3A_103, %add3A_187 : i32
        %lt3A_189 = arith.constant 79 : i32
        %lt3A_190 = arith.cmpi slt, %add3A_188, %lt3A_189 : i32
        %convert_element_type3A_191 = arith.extui %lt3A_190 : i1 to i32
        %cond3A_192 = arith.constant 0 : i32
        %cond3A_193 = arith.cmpi ne, %convert_element_type3A_191, %cond3A_192 : i32
        scf.if %cond3A_193 {
          %add3A_194 = arith.constant 4 : i32
          %add3A_195 = arith.addi %add3A_103, %add3A_194 : i32
          %dma_start3A_196 = arith.constant 0 : i32
          %dma_start3A_197 = arith.constant 0 : i32
          %dma_start3A_198 = tpu.memref_slice %arg5[%add3A_195, %dma_start3A_196, %dma_start3A_197] : memref<80x2x128xi32, #tpu.memory_space<vmem>> -> memref<1x1x128xi32, #tpu.memory_space<vmem>>
          %dma_start3A_199 = tpu.memref_squeeze %dma_start3A_198 : memref<1x1x128xi32, #tpu.memory_space<vmem>> -> memref<128xi32, #tpu.memory_space<vmem>>
          %dma_start3A_200 = arith.constant 0 : i32
          %dma_start3A_201 = arith.constant 0 : i32
          %dma_start3A_202 = tpu.memref_slice %arg3[%dma_start3A_200, %dma_start3A_201] : memref<10240x16xf32, #tpu.memory_space<hbm>> -> memref<10240x16xf32, #tpu.memory_space<hbm>>
          tpu.enqueue_indirect_dma source(%dma_start3A_202 : memref<10240x16xf32, #tpu.memory_space<hbm>>) target(%arg10 : memref<128x16xf32, #tpu.memory_space<vmem>>) offsets(%dma_start3A_199 : memref<128xi32, #tpu.memory_space<vmem>>) semaphore(%arg19 : memref<!tpu.dma_semaphore, #tpu.memory_space<semaphore_mem>>)
        } else {
        }
      } else {
      }
      %mul3A_106 = arith.constant 8 : i32
      %mul3A_107 = arith.muli %mul3A_106, %scan3A_99 : i32
      %add3A_108 = arith.constant 1 : i32
      %add3A_109 = arith.addi %mul3A_107, %add3A_108 : i32
      %lt3A_110 = arith.constant 79 : i32
      %lt3A_111 = arith.cmpi slt, %add3A_109, %lt3A_110 : i32
      %convert_element_type3A_112 = arith.extui %lt3A_111 : i1 to i32
      %cond3A_113 = arith.constant 0 : i32
      %cond3A_114 = arith.cmpi ne, %convert_element_type3A_112, %cond3A_113 : i32
      scf.if %cond3A_114 {
        %dma_wait3A_169 = arith.constant 0 : i32
        %dma_wait3A_170 = arith.constant 0 : i32
        %dma_wait3A_171 = tpu.memref_slice %arg5[%add3A_109, %dma_wait3A_169, %dma_wait3A_170] : memref<80x2x128xi32, #tpu.memory_space<vmem>> -> memref<1x1x128xi32, #tpu.memory_space<vmem>>
        %dma_wait3A_172 = tpu.memref_squeeze %dma_wait3A_171 : memref<1x1x128xi32, #tpu.memory_space<vmem>> -> memref<128xi32, #tpu.memory_space<vmem>>
        %dma_wait3A_173 = arith.constant 0 : i32
        %dma_wait3A_174 = arith.constant 0 : i32
        %dma_wait3A_175 = tpu.memref_slice %arg3[%dma_wait3A_173, %dma_wait3A_174] : memref<10240x16xf32, #tpu.memory_space<hbm>> -> memref<10240x16xf32, #tpu.memory_space<hbm>>
        tpu.wait_indirect_dma semaphore(%arg16 : memref<!tpu.dma_semaphore, #tpu.memory_space<semaphore_mem>>) src(%dma_wait3A_175 : memref<10240x16xf32, #tpu.memory_space<hbm>>) dst(%arg7 : memref<128x16xf32, #tpu.memory_space<vmem>>)
        %dma_start3A_176 = arith.constant 1 : i32
        %dma_start3A_177 = arith.constant 0 : i32
        %dma_start3A_178 = tpu.memref_slice %arg5[%add3A_109, %dma_start3A_176, %dma_start3A_177] : memref<80x2x128xi32, #tpu.memory_space<vmem>> -> memref<1x1x128xi32, #tpu.memory_space<vmem>>
        %dma_start3A_179 = tpu.memref_squeeze %dma_start3A_178 : memref<1x1x128xi32, #tpu.memory_space<vmem>> -> memref<128xi32, #tpu.memory_space<vmem>>
        %dma_start3A_180 = arith.constant 0 : i32
        %dma_start3A_181 = arith.constant 0 : i32
        %dma_start3A_182 = tpu.memref_slice %arg14[%dma_start3A_180, %dma_start3A_181] : memref<10240x16xf32, #tpu.memory_space<vmem_shared>> -> memref<10240x16xf32, #tpu.memory_space<vmem_shared>>
        tpu.enqueue_indirect_dma source(%arg7 : memref<128x16xf32, #tpu.memory_space<vmem>>) target(%dma_start3A_182 : memref<10240x16xf32, #tpu.memory_space<vmem_shared>>) offsets(%dma_start3A_179 : memref<128xi32, #tpu.memory_space<vmem>>) semaphore(%arg24 : memref<!tpu.dma_semaphore, #tpu.memory_space<semaphore_mem>>) {add = true}
        %ge3A = arith.constant 4 : i32
        %ge3A_183 = arith.cmpi sge, %add3A_109, %ge3A : i32
        %convert_element_type3A_184 = arith.extui %ge3A_183 : i1 to i32
        %cond3A_185 = arith.constant 0 : i32
        %cond3A_186 = arith.cmpi ne, %convert_element_type3A_184, %cond3A_185 : i32
        scf.if %cond3A_186 {
          %sub3A = arith.constant 4 : i32
          %sub3A_194 = arith.subi %add3A_109, %sub3A : i32
          %dma_wait3A_195 = arith.constant 1 : i32
          %dma_wait3A_196 = arith.constant 0 : i32
          %dma_wait3A_197 = tpu.memref_slice %arg5[%sub3A_194, %dma_wait3A_195, %dma_wait3A_196] : memref<80x2x128xi32, #tpu.memory_space<vmem>> -> memref<1x1x128xi32, #tpu.memory_space<vmem>>
          %dma_wait3A_198 = tpu.memref_squeeze %dma_wait3A_197 : memref<1x1x128xi32, #tpu.memory_space<vmem>> -> memref<128xi32, #tpu.memory_space<vmem>>
          %dma_wait3A_199 = arith.constant 0 : i32
          %dma_wait3A_200 = arith.constant 0 : i32
          %dma_wait3A_201 = tpu.memref_slice %arg14[%dma_wait3A_199, %dma_wait3A_200] : memref<10240x16xf32, #tpu.memory_space<vmem_shared>> -> memref<10240x16xf32, #tpu.memory_space<vmem_shared>>
          tpu.wait_indirect_dma semaphore(%arg28 : memref<!tpu.dma_semaphore, #tpu.memory_space<semaphore_mem>>) src(%arg11 : memref<128x16xf32, #tpu.memory_space<vmem>>) dst(%dma_wait3A_201 : memref<10240x16xf32, #tpu.memory_space<vmem_shared>>)
        } else {
        }
        %add3A_187 = arith.constant 4 : i32
        %add3A_188 = arith.addi %add3A_109, %add3A_187 : i32
        %lt3A_189 = arith.constant 79 : i32
        %lt3A_190 = arith.cmpi slt, %add3A_188, %lt3A_189 : i32
        %convert_element_type3A_191 = arith.extui %lt3A_190 : i1 to i32
        %cond3A_192 = arith.constant 0 : i32
        %cond3A_193 = arith.cmpi ne, %convert_element_type3A_191, %cond3A_192 : i32
        scf.if %cond3A_193 {
          %add3A_194 = arith.constant 4 : i32
          %add3A_195 = arith.addi %add3A_109, %add3A_194 : i32
          %dma_start3A_196 = arith.constant 0 : i32
          %dma_start3A_197 = arith.constant 0 : i32
          %dma_start3A_198 = tpu.memref_slice %arg5[%add3A_195, %dma_start3A_196, %dma_start3A_197] : memref<80x2x128xi32, #tpu.memory_space<vmem>> -> memref<1x1x128xi32, #tpu.memory_space<vmem>>
          %dma_start3A_199 = tpu.memref_squeeze %dma_start3A_198 : memref<1x1x128xi32, #tpu.memory_space<vmem>> -> memref<128xi32, #tpu.memory_space<vmem>>
          %dma_start3A_200 = arith.constant 0 : i32
          %dma_start3A_201 = arith.constant 0 : i32
          %dma_start3A_202 = tpu.memref_slice %arg3[%dma_start3A_200, %dma_start3A_201] : memref<10240x16xf32, #tpu.memory_space<hbm>> -> memref<10240x16xf32, #tpu.memory_space<hbm>>
          tpu.enqueue_indirect_dma source(%dma_start3A_202 : memref<10240x16xf32, #tpu.memory_space<hbm>>) target(%arg11 : memref<128x16xf32, #tpu.memory_space<vmem>>) offsets(%dma_start3A_199 : memref<128xi32, #tpu.memory_space<vmem>>) semaphore(%arg20 : memref<!tpu.dma_semaphore, #tpu.memory_space<semaphore_mem>>)
        } else {
        }
      } else {
      }
      %mul3A_115 = arith.constant 8 : i32
      %mul3A_116 = arith.muli %mul3A_115, %scan3A_99 : i32
      %add3A_117 = arith.constant 2 : i32
      %add3A_118 = arith.addi %mul3A_116, %add3A_117 : i32
      %lt3A_119 = arith.constant 79 : i32
      %lt3A_120 = arith.cmpi slt, %add3A_118, %lt3A_119 : i32
      %convert_element_type3A_121 = arith.extui %lt3A_120 : i1 to i32
      %cond3A_122 = arith.constant 0 : i32
      %cond3A_123 = arith.cmpi ne, %convert_element_type3A_121, %cond3A_122 : i32
      scf.if %cond3A_123 {
        %dma_wait3A_169 = arith.constant 0 : i32
        %dma_wait3A_170 = arith.constant 0 : i32
        %dma_wait3A_171 = tpu.memref_slice %arg5[%add3A_118, %dma_wait3A_169, %dma_wait3A_170] : memref<80x2x128xi32, #tpu.memory_space<vmem>> -> memref<1x1x128xi32, #tpu.memory_space<vmem>>
        %dma_wait3A_172 = tpu.memref_squeeze %dma_wait3A_171 : memref<1x1x128xi32, #tpu.memory_space<vmem>> -> memref<128xi32, #tpu.memory_space<vmem>>
        %dma_wait3A_173 = arith.constant 0 : i32
        %dma_wait3A_174 = arith.constant 0 : i32
        %dma_wait3A_175 = tpu.memref_slice %arg3[%dma_wait3A_173, %dma_wait3A_174] : memref<10240x16xf32, #tpu.memory_space<hbm>> -> memref<10240x16xf32, #tpu.memory_space<hbm>>
        tpu.wait_indirect_dma semaphore(%arg17 : memref<!tpu.dma_semaphore, #tpu.memory_space<semaphore_mem>>) src(%dma_wait3A_175 : memref<10240x16xf32, #tpu.memory_space<hbm>>) dst(%arg8 : memref<128x16xf32, #tpu.memory_space<vmem>>)
        %dma_start3A_176 = arith.constant 1 : i32
        %dma_start3A_177 = arith.constant 0 : i32
        %dma_start3A_178 = tpu.memref_slice %arg5[%add3A_118, %dma_start3A_176, %dma_start3A_177] : memref<80x2x128xi32, #tpu.memory_space<vmem>> -> memref<1x1x128xi32, #tpu.memory_space<vmem>>
        %dma_start3A_179 = tpu.memref_squeeze %dma_start3A_178 : memref<1x1x128xi32, #tpu.memory_space<vmem>> -> memref<128xi32, #tpu.memory_space<vmem>>
        %dma_start3A_180 = arith.constant 0 : i32
        %dma_start3A_181 = arith.constant 0 : i32
        %dma_start3A_182 = tpu.memref_slice %arg14[%dma_start3A_180, %dma_start3A_181] : memref<10240x16xf32, #tpu.memory_space<vmem_shared>> -> memref<10240x16xf32, #tpu.memory_space<vmem_shared>>
        tpu.enqueue_indirect_dma source(%arg8 : memref<128x16xf32, #tpu.memory_space<vmem>>) target(%dma_start3A_182 : memref<10240x16xf32, #tpu.memory_space<vmem_shared>>) offsets(%dma_start3A_179 : memref<128xi32, #tpu.memory_space<vmem>>) semaphore(%arg25 : memref<!tpu.dma_semaphore, #tpu.memory_space<semaphore_mem>>) {add = true}
        %ge3A = arith.constant 4 : i32
        %ge3A_183 = arith.cmpi sge, %add3A_118, %ge3A : i32
        %convert_element_type3A_184 = arith.extui %ge3A_183 : i1 to i32
        %cond3A_185 = arith.constant 0 : i32
        %cond3A_186 = arith.cmpi ne, %convert_element_type3A_184, %cond3A_185 : i32
        scf.if %cond3A_186 {
          %sub3A = arith.constant 4 : i32
          %sub3A_194 = arith.subi %add3A_118, %sub3A : i32
          %dma_wait3A_195 = arith.constant 1 : i32
          %dma_wait3A_196 = arith.constant 0 : i32
          %dma_wait3A_197 = tpu.memref_slice %arg5[%sub3A_194, %dma_wait3A_195, %dma_wait3A_196] : memref<80x2x128xi32, #tpu.memory_space<vmem>> -> memref<1x1x128xi32, #tpu.memory_space<vmem>>
          %dma_wait3A_198 = tpu.memref_squeeze %dma_wait3A_197 : memref<1x1x128xi32, #tpu.memory_space<vmem>> -> memref<128xi32, #tpu.memory_space<vmem>>
          %dma_wait3A_199 = arith.constant 0 : i32
          %dma_wait3A_200 = arith.constant 0 : i32
          %dma_wait3A_201 = tpu.memref_slice %arg14[%dma_wait3A_199, %dma_wait3A_200] : memref<10240x16xf32, #tpu.memory_space<vmem_shared>> -> memref<10240x16xf32, #tpu.memory_space<vmem_shared>>
          tpu.wait_indirect_dma semaphore(%arg29 : memref<!tpu.dma_semaphore, #tpu.memory_space<semaphore_mem>>) src(%arg12 : memref<128x16xf32, #tpu.memory_space<vmem>>) dst(%dma_wait3A_201 : memref<10240x16xf32, #tpu.memory_space<vmem_shared>>)
        } else {
        }
        %add3A_187 = arith.constant 4 : i32
        %add3A_188 = arith.addi %add3A_118, %add3A_187 : i32
        %lt3A_189 = arith.constant 79 : i32
        %lt3A_190 = arith.cmpi slt, %add3A_188, %lt3A_189 : i32
        %convert_element_type3A_191 = arith.extui %lt3A_190 : i1 to i32
        %cond3A_192 = arith.constant 0 : i32
        %cond3A_193 = arith.cmpi ne, %convert_element_type3A_191, %cond3A_192 : i32
        scf.if %cond3A_193 {
          %add3A_194 = arith.constant 4 : i32
          %add3A_195 = arith.addi %add3A_118, %add3A_194 : i32
          %dma_start3A_196 = arith.constant 0 : i32
          %dma_start3A_197 = arith.constant 0 : i32
          %dma_start3A_198 = tpu.memref_slice %arg5[%add3A_195, %dma_start3A_196, %dma_start3A_197] : memref<80x2x128xi32, #tpu.memory_space<vmem>> -> memref<1x1x128xi32, #tpu.memory_space<vmem>>
          %dma_start3A_199 = tpu.memref_squeeze %dma_start3A_198 : memref<1x1x128xi32, #tpu.memory_space<vmem>> -> memref<128xi32, #tpu.memory_space<vmem>>
          %dma_start3A_200 = arith.constant 0 : i32
          %dma_start3A_201 = arith.constant 0 : i32
          %dma_start3A_202 = tpu.memref_slice %arg3[%dma_start3A_200, %dma_start3A_201] : memref<10240x16xf32, #tpu.memory_space<hbm>> -> memref<10240x16xf32, #tpu.memory_space<hbm>>
          tpu.enqueue_indirect_dma source(%dma_start3A_202 : memref<10240x16xf32, #tpu.memory_space<hbm>>) target(%arg12 : memref<128x16xf32, #tpu.memory_space<vmem>>) offsets(%dma_start3A_199 : memref<128xi32, #tpu.memory_space<vmem>>) semaphore(%arg21 : memref<!tpu.dma_semaphore, #tpu.memory_space<semaphore_mem>>)
        } else {
        }
      } else {
      }
      %mul3A_124 = arith.constant 8 : i32
      %mul3A_125 = arith.muli %mul3A_124, %scan3A_99 : i32
      %add3A_126 = arith.constant 3 : i32
      %add3A_127 = arith.addi %mul3A_125, %add3A_126 : i32
      %lt3A_128 = arith.constant 79 : i32
      %lt3A_129 = arith.cmpi slt, %add3A_127, %lt3A_128 : i32
      %convert_element_type3A_130 = arith.extui %lt3A_129 : i1 to i32
      %cond3A_131 = arith.constant 0 : i32
      %cond3A_132 = arith.cmpi ne, %convert_element_type3A_130, %cond3A_131 : i32
      scf.if %cond3A_132 {
        %dma_wait3A_169 = arith.constant 0 : i32
        %dma_wait3A_170 = arith.constant 0 : i32
        %dma_wait3A_171 = tpu.memref_slice %arg5[%add3A_127, %dma_wait3A_169, %dma_wait3A_170] : memref<80x2x128xi32, #tpu.memory_space<vmem>> -> memref<1x1x128xi32, #tpu.memory_space<vmem>>
        %dma_wait3A_172 = tpu.memref_squeeze %dma_wait3A_171 : memref<1x1x128xi32, #tpu.memory_space<vmem>> -> memref<128xi32, #tpu.memory_space<vmem>>
        %dma_wait3A_173 = arith.constant 0 : i32
        %dma_wait3A_174 = arith.constant 0 : i32
        %dma_wait3A_175 = tpu.memref_slice %arg3[%dma_wait3A_173, %dma_wait3A_174] : memref<10240x16xf32, #tpu.memory_space<hbm>> -> memref<10240x16xf32, #tpu.memory_space<hbm>>
        tpu.wait_indirect_dma semaphore(%arg18 : memref<!tpu.dma_semaphore, #tpu.memory_space<semaphore_mem>>) src(%dma_wait3A_175 : memref<10240x16xf32, #tpu.memory_space<hbm>>) dst(%arg9 : memref<128x16xf32, #tpu.memory_space<vmem>>)
        %dma_start3A_176 = arith.constant 1 : i32
        %dma_start3A_177 = arith.constant 0 : i32
        %dma_start3A_178 = tpu.memref_slice %arg5[%add3A_127, %dma_start3A_176, %dma_start3A_177] : memref<80x2x128xi32, #tpu.memory_space<vmem>> -> memref<1x1x128xi32, #tpu.memory_space<vmem>>
        %dma_start3A_179 = tpu.memref_squeeze %dma_start3A_178 : memref<1x1x128xi32, #tpu.memory_space<vmem>> -> memref<128xi32, #tpu.memory_space<vmem>>
        %dma_start3A_180 = arith.constant 0 : i32
        %dma_start3A_181 = arith.constant 0 : i32
        %dma_start3A_182 = tpu.memref_slice %arg14[%dma_start3A_180, %dma_start3A_181] : memref<10240x16xf32, #tpu.memory_space<vmem_shared>> -> memref<10240x16xf32, #tpu.memory_space<vmem_shared>>
        tpu.enqueue_indirect_dma source(%arg9 : memref<128x16xf32, #tpu.memory_space<vmem>>) target(%dma_start3A_182 : memref<10240x16xf32, #tpu.memory_space<vmem_shared>>) offsets(%dma_start3A_179 : memref<128xi32, #tpu.memory_space<vmem>>) semaphore(%arg26 : memref<!tpu.dma_semaphore, #tpu.memory_space<semaphore_mem>>) {add = true}
        %ge3A = arith.constant 4 : i32
        %ge3A_183 = arith.cmpi sge, %add3A_127, %ge3A : i32
        %convert_element_type3A_184 = arith.extui %ge3A_183 : i1 to i32
        %cond3A_185 = arith.constant 0 : i32
        %cond3A_186 = arith.cmpi ne, %convert_element_type3A_184, %cond3A_185 : i32
        scf.if %cond3A_186 {
          %sub3A = arith.constant 4 : i32
          %sub3A_194 = arith.subi %add3A_127, %sub3A : i32
          %dma_wait3A_195 = arith.constant 1 : i32
          %dma_wait3A_196 = arith.constant 0 : i32
          %dma_wait3A_197 = tpu.memref_slice %arg5[%sub3A_194, %dma_wait3A_195, %dma_wait3A_196] : memref<80x2x128xi32, #tpu.memory_space<vmem>> -> memref<1x1x128xi32, #tpu.memory_space<vmem>>
          %dma_wait3A_198 = tpu.memref_squeeze %dma_wait3A_197 : memref<1x1x128xi32, #tpu.memory_space<vmem>> -> memref<128xi32, #tpu.memory_space<vmem>>
          %dma_wait3A_199 = arith.constant 0 : i32
          %dma_wait3A_200 = arith.constant 0 : i32
          %dma_wait3A_201 = tpu.memref_slice %arg14[%dma_wait3A_199, %dma_wait3A_200] : memref<10240x16xf32, #tpu.memory_space<vmem_shared>> -> memref<10240x16xf32, #tpu.memory_space<vmem_shared>>
          tpu.wait_indirect_dma semaphore(%arg30 : memref<!tpu.dma_semaphore, #tpu.memory_space<semaphore_mem>>) src(%arg13 : memref<128x16xf32, #tpu.memory_space<vmem>>) dst(%dma_wait3A_201 : memref<10240x16xf32, #tpu.memory_space<vmem_shared>>)
        } else {
        }
        %add3A_187 = arith.constant 4 : i32
        %add3A_188 = arith.addi %add3A_127, %add3A_187 : i32
        %lt3A_189 = arith.constant 79 : i32
        %lt3A_190 = arith.cmpi slt, %add3A_188, %lt3A_189 : i32
        %convert_element_type3A_191 = arith.extui %lt3A_190 : i1 to i32
        %cond3A_192 = arith.constant 0 : i32
        %cond3A_193 = arith.cmpi ne, %convert_element_type3A_191, %cond3A_192 : i32
        scf.if %cond3A_193 {
          %add3A_194 = arith.constant 4 : i32
          %add3A_195 = arith.addi %add3A_127, %add3A_194 : i32
          %dma_start3A_196 = arith.constant 0 : i32
          %dma_start3A_197 = arith.constant 0 : i32
          %dma_start3A_198 = tpu.memref_slice %arg5[%add3A_195, %dma_start3A_196, %dma_start3A_197] : memref<80x2x128xi32, #tpu.memory_space<vmem>> -> memref<1x1x128xi32, #tpu.memory_space<vmem>>
          %dma_start3A_199 = tpu.memref_squeeze %dma_start3A_198 : memref<1x1x128xi32, #tpu.memory_space<vmem>> -> memref<128xi32, #tpu.memory_space<vmem>>
          %dma_start3A_200 = arith.constant 0 : i32
          %dma_start3A_201 = arith.constant 0 : i32
          %dma_start3A_202 = tpu.memref_slice %arg3[%dma_start3A_200, %dma_start3A_201] : memref<10240x16xf32, #tpu.memory_space<hbm>> -> memref<10240x16xf32, #tpu.memory_space<hbm>>
          tpu.enqueue_indirect_dma source(%dma_start3A_202 : memref<10240x16xf32, #tpu.memory_space<hbm>>) target(%arg13 : memref<128x16xf32, #tpu.memory_space<vmem>>) offsets(%dma_start3A_199 : memref<128xi32, #tpu.memory_space<vmem>>) semaphore(%arg22 : memref<!tpu.dma_semaphore, #tpu.memory_space<semaphore_mem>>)
        } else {
        }
      } else {
      }
      %mul3A_133 = arith.constant 8 : i32
      %mul3A_134 = arith.muli %mul3A_133, %scan3A_99 : i32
      %add3A_135 = arith.constant 4 : i32
      %add3A_136 = arith.addi %mul3A_134, %add3A_135 : i32
      %lt3A_137 = arith.constant 79 : i32
      %lt3A_138 = arith.cmpi slt, %add3A_136, %lt3A_137 : i32
      %convert_element_type3A_139 = arith.extui %lt3A_138 : i1 to i32
      %cond3A_140 = arith.constant 0 : i32
      %cond3A_141 = arith.cmpi ne, %convert_element_type3A_139, %cond3A_140 : i32
      scf.if %cond3A_141 {
        %dma_wait3A_169 = arith.constant 0 : i32
        %dma_wait3A_170 = arith.constant 0 : i32
        %dma_wait3A_171 = tpu.memref_slice %arg5[%add3A_136, %dma_wait3A_169, %dma_wait3A_170] : memref<80x2x128xi32, #tpu.memory_space<vmem>> -> memref<1x1x128xi32, #tpu.memory_space<vmem>>
        %dma_wait3A_172 = tpu.memref_squeeze %dma_wait3A_171 : memref<1x1x128xi32, #tpu.memory_space<vmem>> -> memref<128xi32, #tpu.memory_space<vmem>>
        %dma_wait3A_173 = arith.constant 0 : i32
        %dma_wait3A_174 = arith.constant 0 : i32
        %dma_wait3A_175 = tpu.memref_slice %arg3[%dma_wait3A_173, %dma_wait3A_174] : memref<10240x16xf32, #tpu.memory_space<hbm>> -> memref<10240x16xf32, #tpu.memory_space<hbm>>
        tpu.wait_indirect_dma semaphore(%arg19 : memref<!tpu.dma_semaphore, #tpu.memory_space<semaphore_mem>>) src(%dma_wait3A_175 : memref<10240x16xf32, #tpu.memory_space<hbm>>) dst(%arg10 : memref<128x16xf32, #tpu.memory_space<vmem>>)
        %dma_start3A_176 = arith.constant 1 : i32
        %dma_start3A_177 = arith.constant 0 : i32
        %dma_start3A_178 = tpu.memref_slice %arg5[%add3A_136, %dma_start3A_176, %dma_start3A_177] : memref<80x2x128xi32, #tpu.memory_space<vmem>> -> memref<1x1x128xi32, #tpu.memory_space<vmem>>
        %dma_start3A_179 = tpu.memref_squeeze %dma_start3A_178 : memref<1x1x128xi32, #tpu.memory_space<vmem>> -> memref<128xi32, #tpu.memory_space<vmem>>
        %dma_start3A_180 = arith.constant 0 : i32
        %dma_start3A_181 = arith.constant 0 : i32
        %dma_start3A_182 = tpu.memref_slice %arg14[%dma_start3A_180, %dma_start3A_181] : memref<10240x16xf32, #tpu.memory_space<vmem_shared>> -> memref<10240x16xf32, #tpu.memory_space<vmem_shared>>
        tpu.enqueue_indirect_dma source(%arg10 : memref<128x16xf32, #tpu.memory_space<vmem>>) target(%dma_start3A_182 : memref<10240x16xf32, #tpu.memory_space<vmem_shared>>) offsets(%dma_start3A_179 : memref<128xi32, #tpu.memory_space<vmem>>) semaphore(%arg27 : memref<!tpu.dma_semaphore, #tpu.memory_space<semaphore_mem>>) {add = true}
        %ge3A = arith.constant 4 : i32
        %ge3A_183 = arith.cmpi sge, %add3A_136, %ge3A : i32
        %convert_element_type3A_184 = arith.extui %ge3A_183 : i1 to i32
        %cond3A_185 = arith.constant 0 : i32
        %cond3A_186 = arith.cmpi ne, %convert_element_type3A_184, %cond3A_185 : i32
        scf.if %cond3A_186 {
          %sub3A = arith.constant 4 : i32
          %sub3A_194 = arith.subi %add3A_136, %sub3A : i32
          %dma_wait3A_195 = arith.constant 1 : i32
          %dma_wait3A_196 = arith.constant 0 : i32
          %dma_wait3A_197 = tpu.memref_slice %arg5[%sub3A_194, %dma_wait3A_195, %dma_wait3A_196] : memref<80x2x128xi32, #tpu.memory_space<vmem>> -> memref<1x1x128xi32, #tpu.memory_space<vmem>>
          %dma_wait3A_198 = tpu.memref_squeeze %dma_wait3A_197 : memref<1x1x128xi32, #tpu.memory_space<vmem>> -> memref<128xi32, #tpu.memory_space<vmem>>
          %dma_wait3A_199 = arith.constant 0 : i32
          %dma_wait3A_200 = arith.constant 0 : i32
          %dma_wait3A_201 = tpu.memref_slice %arg14[%dma_wait3A_199, %dma_wait3A_200] : memref<10240x16xf32, #tpu.memory_space<vmem_shared>> -> memref<10240x16xf32, #tpu.memory_space<vmem_shared>>
          tpu.wait_indirect_dma semaphore(%arg23 : memref<!tpu.dma_semaphore, #tpu.memory_space<semaphore_mem>>) src(%arg6 : memref<128x16xf32, #tpu.memory_space<vmem>>) dst(%dma_wait3A_201 : memref<10240x16xf32, #tpu.memory_space<vmem_shared>>)
        } else {
        }
        %add3A_187 = arith.constant 4 : i32
        %add3A_188 = arith.addi %add3A_136, %add3A_187 : i32
        %lt3A_189 = arith.constant 79 : i32
        %lt3A_190 = arith.cmpi slt, %add3A_188, %lt3A_189 : i32
        %convert_element_type3A_191 = arith.extui %lt3A_190 : i1 to i32
        %cond3A_192 = arith.constant 0 : i32
        %cond3A_193 = arith.cmpi ne, %convert_element_type3A_191, %cond3A_192 : i32
        scf.if %cond3A_193 {
          %add3A_194 = arith.constant 4 : i32
          %add3A_195 = arith.addi %add3A_136, %add3A_194 : i32
          %dma_start3A_196 = arith.constant 0 : i32
          %dma_start3A_197 = arith.constant 0 : i32
          %dma_start3A_198 = tpu.memref_slice %arg5[%add3A_195, %dma_start3A_196, %dma_start3A_197] : memref<80x2x128xi32, #tpu.memory_space<vmem>> -> memref<1x1x128xi32, #tpu.memory_space<vmem>>
          %dma_start3A_199 = tpu.memref_squeeze %dma_start3A_198 : memref<1x1x128xi32, #tpu.memory_space<vmem>> -> memref<128xi32, #tpu.memory_space<vmem>>
          %dma_start3A_200 = arith.constant 0 : i32
          %dma_start3A_201 = arith.constant 0 : i32
          %dma_start3A_202 = tpu.memref_slice %arg3[%dma_start3A_200, %dma_start3A_201] : memref<10240x16xf32, #tpu.memory_space<hbm>> -> memref<10240x16xf32, #tpu.memory_space<hbm>>
          tpu.enqueue_indirect_dma source(%dma_start3A_202 : memref<10240x16xf32, #tpu.memory_space<hbm>>) target(%arg6 : memref<128x16xf32, #tpu.memory_space<vmem>>) offsets(%dma_start3A_199 : memref<128xi32, #tpu.memory_space<vmem>>) semaphore(%arg15 : memref<!tpu.dma_semaphore, #tpu.memory_space<semaphore_mem>>)
        } else {
        }
      } else {
      }
      %mul3A_142 = arith.constant 8 : i32
      %mul3A_143 = arith.muli %mul3A_142, %scan3A_99 : i32
      %add3A_144 = arith.constant 5 : i32
      %add3A_145 = arith.addi %mul3A_143, %add3A_144 : i32
      %lt3A_146 = arith.constant 79 : i32
      %lt3A_147 = arith.cmpi slt, %add3A_145, %lt3A_146 : i32
      %convert_element_type3A_148 = arith.extui %lt3A_147 : i1 to i32
      %cond3A_149 = arith.constant 0 : i32
      %cond3A_150 = arith.cmpi ne, %convert_element_type3A_148, %cond3A_149 : i32
      scf.if %cond3A_150 {
        %dma_wait3A_169 = arith.constant 0 : i32
        %dma_wait3A_170 = arith.constant 0 : i32
        %dma_wait3A_171 = tpu.memref_slice %arg5[%add3A_145, %dma_wait3A_169, %dma_wait3A_170] : memref<80x2x128xi32, #tpu.memory_space<vmem>> -> memref<1x1x128xi32, #tpu.memory_space<vmem>>
        %dma_wait3A_172 = tpu.memref_squeeze %dma_wait3A_171 : memref<1x1x128xi32, #tpu.memory_space<vmem>> -> memref<128xi32, #tpu.memory_space<vmem>>
        %dma_wait3A_173 = arith.constant 0 : i32
        %dma_wait3A_174 = arith.constant 0 : i32
        %dma_wait3A_175 = tpu.memref_slice %arg3[%dma_wait3A_173, %dma_wait3A_174] : memref<10240x16xf32, #tpu.memory_space<hbm>> -> memref<10240x16xf32, #tpu.memory_space<hbm>>
        tpu.wait_indirect_dma semaphore(%arg20 : memref<!tpu.dma_semaphore, #tpu.memory_space<semaphore_mem>>) src(%dma_wait3A_175 : memref<10240x16xf32, #tpu.memory_space<hbm>>) dst(%arg11 : memref<128x16xf32, #tpu.memory_space<vmem>>)
        %dma_start3A_176 = arith.constant 1 : i32
        %dma_start3A_177 = arith.constant 0 : i32
        %dma_start3A_178 = tpu.memref_slice %arg5[%add3A_145, %dma_start3A_176, %dma_start3A_177] : memref<80x2x128xi32, #tpu.memory_space<vmem>> -> memref<1x1x128xi32, #tpu.memory_space<vmem>>
        %dma_start3A_179 = tpu.memref_squeeze %dma_start3A_178 : memref<1x1x128xi32, #tpu.memory_space<vmem>> -> memref<128xi32, #tpu.memory_space<vmem>>
        %dma_start3A_180 = arith.constant 0 : i32
        %dma_start3A_181 = arith.constant 0 : i32
        %dma_start3A_182 = tpu.memref_slice %arg14[%dma_start3A_180, %dma_start3A_181] : memref<10240x16xf32, #tpu.memory_space<vmem_shared>> -> memref<10240x16xf32, #tpu.memory_space<vmem_shared>>
        tpu.enqueue_indirect_dma source(%arg11 : memref<128x16xf32, #tpu.memory_space<vmem>>) target(%dma_start3A_182 : memref<10240x16xf32, #tpu.memory_space<vmem_shared>>) offsets(%dma_start3A_179 : memref<128xi32, #tpu.memory_space<vmem>>) semaphore(%arg28 : memref<!tpu.dma_semaphore, #tpu.memory_space<semaphore_mem>>) {add = true}
        %ge3A = arith.constant 4 : i32
        %ge3A_183 = arith.cmpi sge, %add3A_145, %ge3A : i32
        %convert_element_type3A_184 = arith.extui %ge3A_183 : i1 to i32
        %cond3A_185 = arith.constant 0 : i32
        %cond3A_186 = arith.cmpi ne, %convert_element_type3A_184, %cond3A_185 : i32
        scf.if %cond3A_186 {
          %sub3A = arith.constant 4 : i32
          %sub3A_194 = arith.subi %add3A_145, %sub3A : i32
          %dma_wait3A_195 = arith.constant 1 : i32
          %dma_wait3A_196 = arith.constant 0 : i32
          %dma_wait3A_197 = tpu.memref_slice %arg5[%sub3A_194, %dma_wait3A_195, %dma_wait3A_196] : memref<80x2x128xi32, #tpu.memory_space<vmem>> -> memref<1x1x128xi32, #tpu.memory_space<vmem>>
          %dma_wait3A_198 = tpu.memref_squeeze %dma_wait3A_197 : memref<1x1x128xi32, #tpu.memory_space<vmem>> -> memref<128xi32, #tpu.memory_space<vmem>>
          %dma_wait3A_199 = arith.constant 0 : i32
          %dma_wait3A_200 = arith.constant 0 : i32
          %dma_wait3A_201 = tpu.memref_slice %arg14[%dma_wait3A_199, %dma_wait3A_200] : memref<10240x16xf32, #tpu.memory_space<vmem_shared>> -> memref<10240x16xf32, #tpu.memory_space<vmem_shared>>
          tpu.wait_indirect_dma semaphore(%arg24 : memref<!tpu.dma_semaphore, #tpu.memory_space<semaphore_mem>>) src(%arg7 : memref<128x16xf32, #tpu.memory_space<vmem>>) dst(%dma_wait3A_201 : memref<10240x16xf32, #tpu.memory_space<vmem_shared>>)
        } else {
        }
        %add3A_187 = arith.constant 4 : i32
        %add3A_188 = arith.addi %add3A_145, %add3A_187 : i32
        %lt3A_189 = arith.constant 79 : i32
        %lt3A_190 = arith.cmpi slt, %add3A_188, %lt3A_189 : i32
        %convert_element_type3A_191 = arith.extui %lt3A_190 : i1 to i32
        %cond3A_192 = arith.constant 0 : i32
        %cond3A_193 = arith.cmpi ne, %convert_element_type3A_191, %cond3A_192 : i32
        scf.if %cond3A_193 {
          %add3A_194 = arith.constant 4 : i32
          %add3A_195 = arith.addi %add3A_145, %add3A_194 : i32
          %dma_start3A_196 = arith.constant 0 : i32
          %dma_start3A_197 = arith.constant 0 : i32
          %dma_start3A_198 = tpu.memref_slice %arg5[%add3A_195, %dma_start3A_196, %dma_start3A_197] : memref<80x2x128xi32, #tpu.memory_space<vmem>> -> memref<1x1x128xi32, #tpu.memory_space<vmem>>
          %dma_start3A_199 = tpu.memref_squeeze %dma_start3A_198 : memref<1x1x128xi32, #tpu.memory_space<vmem>> -> memref<128xi32, #tpu.memory_space<vmem>>
          %dma_start3A_200 = arith.constant 0 : i32
          %dma_start3A_201 = arith.constant 0 : i32
          %dma_start3A_202 = tpu.memref_slice %arg3[%dma_start3A_200, %dma_start3A_201] : memref<10240x16xf32, #tpu.memory_space<hbm>> -> memref<10240x16xf32, #tpu.memory_space<hbm>>
          tpu.enqueue_indirect_dma source(%dma_start3A_202 : memref<10240x16xf32, #tpu.memory_space<hbm>>) target(%arg7 : memref<128x16xf32, #tpu.memory_space<vmem>>) offsets(%dma_start3A_199 : memref<128xi32, #tpu.memory_space<vmem>>) semaphore(%arg16 : memref<!tpu.dma_semaphore, #tpu.memory_space<semaphore_mem>>)
        } else {
        }
      } else {
      }
      %mul3A_151 = arith.constant 8 : i32
      %mul3A_152 = arith.muli %mul3A_151, %scan3A_99 : i32
      %add3A_153 = arith.constant 6 : i32
      %add3A_154 = arith.addi %mul3A_152, %add3A_153 : i32
      %lt3A_155 = arith.constant 79 : i32
      %lt3A_156 = arith.cmpi slt, %add3A_154, %lt3A_155 : i32
      %convert_element_type3A_157 = arith.extui %lt3A_156 : i1 to i32
      %cond3A_158 = arith.constant 0 : i32
      %cond3A_159 = arith.cmpi ne, %convert_element_type3A_157, %cond3A_158 : i32
      scf.if %cond3A_159 {
        %dma_wait3A_169 = arith.constant 0 : i32
        %dma_wait3A_170 = arith.constant 0 : i32
        %dma_wait3A_171 = tpu.memref_slice %arg5[%add3A_154, %dma_wait3A_169, %dma_wait3A_170] : memref<80x2x128xi32, #tpu.memory_space<vmem>> -> memref<1x1x128xi32, #tpu.memory_space<vmem>>
        %dma_wait3A_172 = tpu.memref_squeeze %dma_wait3A_171 : memref<1x1x128xi32, #tpu.memory_space<vmem>> -> memref<128xi32, #tpu.memory_space<vmem>>
        %dma_wait3A_173 = arith.constant 0 : i32
        %dma_wait3A_174 = arith.constant 0 : i32
        %dma_wait3A_175 = tpu.memref_slice %arg3[%dma_wait3A_173, %dma_wait3A_174] : memref<10240x16xf32, #tpu.memory_space<hbm>> -> memref<10240x16xf32, #tpu.memory_space<hbm>>
        tpu.wait_indirect_dma semaphore(%arg21 : memref<!tpu.dma_semaphore, #tpu.memory_space<semaphore_mem>>) src(%dma_wait3A_175 : memref<10240x16xf32, #tpu.memory_space<hbm>>) dst(%arg12 : memref<128x16xf32, #tpu.memory_space<vmem>>)
        %dma_start3A_176 = arith.constant 1 : i32
        %dma_start3A_177 = arith.constant 0 : i32
        %dma_start3A_178 = tpu.memref_slice %arg5[%add3A_154, %dma_start3A_176, %dma_start3A_177] : memref<80x2x128xi32, #tpu.memory_space<vmem>> -> memref<1x1x128xi32, #tpu.memory_space<vmem>>
        %dma_start3A_179 = tpu.memref_squeeze %dma_start3A_178 : memref<1x1x128xi32, #tpu.memory_space<vmem>> -> memref<128xi32, #tpu.memory_space<vmem>>
        %dma_start3A_180 = arith.constant 0 : i32
        %dma_start3A_181 = arith.constant 0 : i32
        %dma_start3A_182 = tpu.memref_slice %arg14[%dma_start3A_180, %dma_start3A_181] : memref<10240x16xf32, #tpu.memory_space<vmem_shared>> -> memref<10240x16xf32, #tpu.memory_space<vmem_shared>>
        tpu.enqueue_indirect_dma source(%arg12 : memref<128x16xf32, #tpu.memory_space<vmem>>) target(%dma_start3A_182 : memref<10240x16xf32, #tpu.memory_space<vmem_shared>>) offsets(%dma_start3A_179 : memref<128xi32, #tpu.memory_space<vmem>>) semaphore(%arg29 : memref<!tpu.dma_semaphore, #tpu.memory_space<semaphore_mem>>) {add = true}
        %ge3A = arith.constant 4 : i32
        %ge3A_183 = arith.cmpi sge, %add3A_154, %ge3A : i32
        %convert_element_type3A_184 = arith.extui %ge3A_183 : i1 to i32
        %cond3A_185 = arith.constant 0 : i32
        %cond3A_186 = arith.cmpi ne, %convert_element_type3A_184, %cond3A_185 : i32
        scf.if %cond3A_186 {
          %sub3A = arith.constant 4 : i32
          %sub3A_194 = arith.subi %add3A_154, %sub3A : i32
          %dma_wait3A_195 = arith.constant 1 : i32
          %dma_wait3A_196 = arith.constant 0 : i32
          %dma_wait3A_197 = tpu.memref_slice %arg5[%sub3A_194, %dma_wait3A_195, %dma_wait3A_196] : memref<80x2x128xi32, #tpu.memory_space<vmem>> -> memref<1x1x128xi32, #tpu.memory_space<vmem>>
          %dma_wait3A_198 = tpu.memref_squeeze %dma_wait3A_197 : memref<1x1x128xi32, #tpu.memory_space<vmem>> -> memref<128xi32, #tpu.memory_space<vmem>>
          %dma_wait3A_199 = arith.constant 0 : i32
          %dma_wait3A_200 = arith.constant 0 : i32
          %dma_wait3A_201 = tpu.memref_slice %arg14[%dma_wait3A_199, %dma_wait3A_200] : memref<10240x16xf32, #tpu.memory_space<vmem_shared>> -> memref<10240x16xf32, #tpu.memory_space<vmem_shared>>
          tpu.wait_indirect_dma semaphore(%arg25 : memref<!tpu.dma_semaphore, #tpu.memory_space<semaphore_mem>>) src(%arg8 : memref<128x16xf32, #tpu.memory_space<vmem>>) dst(%dma_wait3A_201 : memref<10240x16xf32, #tpu.memory_space<vmem_shared>>)
        } else {
        }
        %add3A_187 = arith.constant 4 : i32
        %add3A_188 = arith.addi %add3A_154, %add3A_187 : i32
        %lt3A_189 = arith.constant 79 : i32
        %lt3A_190 = arith.cmpi slt, %add3A_188, %lt3A_189 : i32
        %convert_element_type3A_191 = arith.extui %lt3A_190 : i1 to i32
        %cond3A_192 = arith.constant 0 : i32
        %cond3A_193 = arith.cmpi ne, %convert_element_type3A_191, %cond3A_192 : i32
        scf.if %cond3A_193 {
          %add3A_194 = arith.constant 4 : i32
          %add3A_195 = arith.addi %add3A_154, %add3A_194 : i32
          %dma_start3A_196 = arith.constant 0 : i32
          %dma_start3A_197 = arith.constant 0 : i32
          %dma_start3A_198 = tpu.memref_slice %arg5[%add3A_195, %dma_start3A_196, %dma_start3A_197] : memref<80x2x128xi32, #tpu.memory_space<vmem>> -> memref<1x1x128xi32, #tpu.memory_space<vmem>>
          %dma_start3A_199 = tpu.memref_squeeze %dma_start3A_198 : memref<1x1x128xi32, #tpu.memory_space<vmem>> -> memref<128xi32, #tpu.memory_space<vmem>>
          %dma_start3A_200 = arith.constant 0 : i32
          %dma_start3A_201 = arith.constant 0 : i32
          %dma_start3A_202 = tpu.memref_slice %arg3[%dma_start3A_200, %dma_start3A_201] : memref<10240x16xf32, #tpu.memory_space<hbm>> -> memref<10240x16xf32, #tpu.memory_space<hbm>>
          tpu.enqueue_indirect_dma source(%dma_start3A_202 : memref<10240x16xf32, #tpu.memory_space<hbm>>) target(%arg8 : memref<128x16xf32, #tpu.memory_space<vmem>>) offsets(%dma_start3A_199 : memref<128xi32, #tpu.memory_space<vmem>>) semaphore(%arg17 : memref<!tpu.dma_semaphore, #tpu.memory_space<semaphore_mem>>)
        } else {
        }
      } else {
      }
      %mul3A_160 = arith.constant 8 : i32
      %mul3A_161 = arith.muli %mul3A_160, %scan3A_99 : i32
      %add3A_162 = arith.constant 7 : i32
      %add3A_163 = arith.addi %mul3A_161, %add3A_162 : i32
      %lt3A_164 = arith.constant 79 : i32
      %lt3A_165 = arith.cmpi slt, %add3A_163, %lt3A_164 : i32
      %convert_element_type3A_166 = arith.extui %lt3A_165 : i1 to i32
      %cond3A_167 = arith.constant 0 : i32
      %cond3A_168 = arith.cmpi ne, %convert_element_type3A_166, %cond3A_167 : i32
      scf.if %cond3A_168 {
        %dma_wait3A_169 = arith.constant 0 : i32
        %dma_wait3A_170 = arith.constant 0 : i32
        %dma_wait3A_171 = tpu.memref_slice %arg5[%add3A_163, %dma_wait3A_169, %dma_wait3A_170] : memref<80x2x128xi32, #tpu.memory_space<vmem>> -> memref<1x1x128xi32, #tpu.memory_space<vmem>>
        %dma_wait3A_172 = tpu.memref_squeeze %dma_wait3A_171 : memref<1x1x128xi32, #tpu.memory_space<vmem>> -> memref<128xi32, #tpu.memory_space<vmem>>
        %dma_wait3A_173 = arith.constant 0 : i32
        %dma_wait3A_174 = arith.constant 0 : i32
        %dma_wait3A_175 = tpu.memref_slice %arg3[%dma_wait3A_173, %dma_wait3A_174] : memref<10240x16xf32, #tpu.memory_space<hbm>> -> memref<10240x16xf32, #tpu.memory_space<hbm>>
        tpu.wait_indirect_dma semaphore(%arg22 : memref<!tpu.dma_semaphore, #tpu.memory_space<semaphore_mem>>) src(%dma_wait3A_175 : memref<10240x16xf32, #tpu.memory_space<hbm>>) dst(%arg13 : memref<128x16xf32, #tpu.memory_space<vmem>>)
        %dma_start3A_176 = arith.constant 1 : i32
        %dma_start3A_177 = arith.constant 0 : i32
        %dma_start3A_178 = tpu.memref_slice %arg5[%add3A_163, %dma_start3A_176, %dma_start3A_177] : memref<80x2x128xi32, #tpu.memory_space<vmem>> -> memref<1x1x128xi32, #tpu.memory_space<vmem>>
        %dma_start3A_179 = tpu.memref_squeeze %dma_start3A_178 : memref<1x1x128xi32, #tpu.memory_space<vmem>> -> memref<128xi32, #tpu.memory_space<vmem>>
        %dma_start3A_180 = arith.constant 0 : i32
        %dma_start3A_181 = arith.constant 0 : i32
        %dma_start3A_182 = tpu.memref_slice %arg14[%dma_start3A_180, %dma_start3A_181] : memref<10240x16xf32, #tpu.memory_space<vmem_shared>> -> memref<10240x16xf32, #tpu.memory_space<vmem_shared>>
        tpu.enqueue_indirect_dma source(%arg13 : memref<128x16xf32, #tpu.memory_space<vmem>>) target(%dma_start3A_182 : memref<10240x16xf32, #tpu.memory_space<vmem_shared>>) offsets(%dma_start3A_179 : memref<128xi32, #tpu.memory_space<vmem>>) semaphore(%arg30 : memref<!tpu.dma_semaphore, #tpu.memory_space<semaphore_mem>>) {add = true}
        %ge3A = arith.constant 4 : i32
        %ge3A_183 = arith.cmpi sge, %add3A_163, %ge3A : i32
        %convert_element_type3A_184 = arith.extui %ge3A_183 : i1 to i32
        %cond3A_185 = arith.constant 0 : i32
        %cond3A_186 = arith.cmpi ne, %convert_element_type3A_184, %cond3A_185 : i32
        scf.if %cond3A_186 {
          %sub3A = arith.constant 4 : i32
          %sub3A_194 = arith.subi %add3A_163, %sub3A : i32
          %dma_wait3A_195 = arith.constant 1 : i32
          %dma_wait3A_196 = arith.constant 0 : i32
          %dma_wait3A_197 = tpu.memref_slice %arg5[%sub3A_194, %dma_wait3A_195, %dma_wait3A_196] : memref<80x2x128xi32, #tpu.memory_space<vmem>> -> memref<1x1x128xi32, #tpu.memory_space<vmem>>
          %dma_wait3A_198 = tpu.memref_squeeze %dma_wait3A_197 : memref<1x1x128xi32, #tpu.memory_space<vmem>> -> memref<128xi32, #tpu.memory_space<vmem>>
          %dma_wait3A_199 = arith.constant 0 : i32
          %dma_wait3A_200 = arith.constant 0 : i32
          %dma_wait3A_201 = tpu.memref_slice %arg14[%dma_wait3A_199, %dma_wait3A_200] : memref<10240x16xf32, #tpu.memory_space<vmem_shared>> -> memref<10240x16xf32, #tpu.memory_space<vmem_shared>>
          tpu.wait_indirect_dma semaphore(%arg26 : memref<!tpu.dma_semaphore, #tpu.memory_space<semaphore_mem>>) src(%arg9 : memref<128x16xf32, #tpu.memory_space<vmem>>) dst(%dma_wait3A_201 : memref<10240x16xf32, #tpu.memory_space<vmem_shared>>)
        } else {
        }
        %add3A_187 = arith.constant 4 : i32
        %add3A_188 = arith.addi %add3A_163, %add3A_187 : i32
        %lt3A_189 = arith.constant 79 : i32
        %lt3A_190 = arith.cmpi slt, %add3A_188, %lt3A_189 : i32
        %convert_element_type3A_191 = arith.extui %lt3A_190 : i1 to i32
        %cond3A_192 = arith.constant 0 : i32
        %cond3A_193 = arith.cmpi ne, %convert_element_type3A_191, %cond3A_192 : i32
        scf.if %cond3A_193 {
          %add3A_194 = arith.constant 4 : i32
          %add3A_195 = arith.addi %add3A_163, %add3A_194 : i32
          %dma_start3A_196 = arith.constant 0 : i32
          %dma_start3A_197 = arith.constant 0 : i32
          %dma_start3A_198 = tpu.memref_slice %arg5[%add3A_195, %dma_start3A_196, %dma_start3A_197] : memref<80x2x128xi32, #tpu.memory_space<vmem>> -> memref<1x1x128xi32, #tpu.memory_space<vmem>>
          %dma_start3A_199 = tpu.memref_squeeze %dma_start3A_198 : memref<1x1x128xi32, #tpu.memory_space<vmem>> -> memref<128xi32, #tpu.memory_space<vmem>>
          %dma_start3A_200 = arith.constant 0 : i32
          %dma_start3A_201 = arith.constant 0 : i32
          %dma_start3A_202 = tpu.memref_slice %arg3[%dma_start3A_200, %dma_start3A_201] : memref<10240x16xf32, #tpu.memory_space<hbm>> -> memref<10240x16xf32, #tpu.memory_space<hbm>>
          tpu.enqueue_indirect_dma source(%dma_start3A_202 : memref<10240x16xf32, #tpu.memory_space<hbm>>) target(%arg9 : memref<128x16xf32, #tpu.memory_space<vmem>>) offsets(%dma_start3A_199 : memref<128xi32, #tpu.memory_space<vmem>>) semaphore(%arg18 : memref<!tpu.dma_semaphore, #tpu.memory_space<semaphore_mem>>)
        } else {
        }
      } else {
      }
    }
    %scan3A_62 = arith.constant 10 : i32
    %dma_wait3A = arith.constant 75 : i32
    %dma_wait3A_63 = arith.constant 1 : i32
    %dma_wait3A_64 = arith.constant 0 : i32
    %dma_wait3A_65 = tpu.memref_slice %arg5[%dma_wait3A, %dma_wait3A_63, %dma_wait3A_64] : memref<80x2x128xi32, #tpu.memory_space<vmem>> -> memref<1x1x128xi32, #tpu.memory_space<vmem>>
    %dma_wait3A_66 = tpu.memref_squeeze %dma_wait3A_65 : memref<1x1x128xi32, #tpu.memory_space<vmem>> -> memref<128xi32, #tpu.memory_space<vmem>>
    %dma_wait3A_67 = arith.constant 0 : i32
    %dma_wait3A_68 = arith.constant 0 : i32
    %dma_wait3A_69 = tpu.memref_slice %arg14[%dma_wait3A_67, %dma_wait3A_68] : memref<10240x16xf32, #tpu.memory_space<vmem_shared>> -> memref<10240x16xf32, #tpu.memory_space<vmem_shared>>
    tpu.wait_indirect_dma semaphore(%arg26 : memref<!tpu.dma_semaphore, #tpu.memory_space<semaphore_mem>>) src(%arg9 : memref<128x16xf32, #tpu.memory_space<vmem>>) dst(%dma_wait3A_69 : memref<10240x16xf32, #tpu.memory_space<vmem_shared>>)
    %dma_wait3A_70 = arith.constant 76 : i32
    %dma_wait3A_71 = arith.constant 1 : i32
    %dma_wait3A_72 = arith.constant 0 : i32
    %dma_wait3A_73 = tpu.memref_slice %arg5[%dma_wait3A_70, %dma_wait3A_71, %dma_wait3A_72] : memref<80x2x128xi32, #tpu.memory_space<vmem>> -> memref<1x1x128xi32, #tpu.memory_space<vmem>>
    %dma_wait3A_74 = tpu.memref_squeeze %dma_wait3A_73 : memref<1x1x128xi32, #tpu.memory_space<vmem>> -> memref<128xi32, #tpu.memory_space<vmem>>
    %dma_wait3A_75 = arith.constant 0 : i32
    %dma_wait3A_76 = arith.constant 0 : i32
    %dma_wait3A_77 = tpu.memref_slice %arg14[%dma_wait3A_75, %dma_wait3A_76] : memref<10240x16xf32, #tpu.memory_space<vmem_shared>> -> memref<10240x16xf32, #tpu.memory_space<vmem_shared>>
    tpu.wait_indirect_dma semaphore(%arg27 : memref<!tpu.dma_semaphore, #tpu.memory_space<semaphore_mem>>) src(%arg10 : memref<128x16xf32, #tpu.memory_space<vmem>>) dst(%dma_wait3A_77 : memref<10240x16xf32, #tpu.memory_space<vmem_shared>>)
    %dma_wait3A_78 = arith.constant 77 : i32
    %dma_wait3A_79 = arith.constant 1 : i32
    %dma_wait3A_80 = arith.constant 0 : i32
    %dma_wait3A_81 = tpu.memref_slice %arg5[%dma_wait3A_78, %dma_wait3A_79, %dma_wait3A_80] : memref<80x2x128xi32, #tpu.memory_space<vmem>> -> memref<1x1x128xi32, #tpu.memory_space<vmem>>
    %dma_wait3A_82 = tpu.memref_squeeze %dma_wait3A_81 : memref<1x1x128xi32, #tpu.memory_space<vmem>> -> memref<128xi32, #tpu.memory_space<vmem>>
    %dma_wait3A_83 = arith.constant 0 : i32
    %dma_wait3A_84 = arith.constant 0 : i32
    %dma_wait3A_85 = tpu.memref_slice %arg14[%dma_wait3A_83, %dma_wait3A_84] : memref<10240x16xf32, #tpu.memory_space<vmem_shared>> -> memref<10240x16xf32, #tpu.memory_space<vmem_shared>>
    tpu.wait_indirect_dma semaphore(%arg28 : memref<!tpu.dma_semaphore, #tpu.memory_space<semaphore_mem>>) src(%arg11 : memref<128x16xf32, #tpu.memory_space<vmem>>) dst(%dma_wait3A_85 : memref<10240x16xf32, #tpu.memory_space<vmem_shared>>)
    %dma_wait3A_86 = arith.constant 78 : i32
    %dma_wait3A_87 = arith.constant 1 : i32
    %dma_wait3A_88 = arith.constant 0 : i32
    %dma_wait3A_89 = tpu.memref_slice %arg5[%dma_wait3A_86, %dma_wait3A_87, %dma_wait3A_88] : memref<80x2x128xi32, #tpu.memory_space<vmem>> -> memref<1x1x128xi32, #tpu.memory_space<vmem>>
    %dma_wait3A_90 = tpu.memref_squeeze %dma_wait3A_89 : memref<1x1x128xi32, #tpu.memory_space<vmem>> -> memref<128xi32, #tpu.memory_space<vmem>>
    %dma_wait3A_91 = arith.constant 0 : i32
    %dma_wait3A_92 = arith.constant 0 : i32
    %dma_wait3A_93 = tpu.memref_slice %arg14[%dma_wait3A_91, %dma_wait3A_92] : memref<10240x16xf32, #tpu.memory_space<vmem_shared>> -> memref<10240x16xf32, #tpu.memory_space<vmem_shared>>
    tpu.wait_indirect_dma semaphore(%arg29 : memref<!tpu.dma_semaphore, #tpu.memory_space<semaphore_mem>>) src(%arg12 : memref<128x16xf32, #tpu.memory_space<vmem>>) dst(%dma_wait3A_93 : memref<10240x16xf32, #tpu.memory_space<vmem_shared>>)
    %barrier3A_94 = arith.constant 0 : index
    tpu.barrier barrier_id(%barrier3A_94)
    %mul3A_95 = arith.constant 640 : i32
    %mul3A_96 = arith.muli %arg1, %mul3A_95 : i32
    %mul3A_97 = arith.constant 640 : i32
    %mul3A_98 = arith.muli %arg1, %mul3A_97 : i32
    "tpu.region"() ({
      %run_scoped3A = tpu.sem_alloc : memref<!tpu.dma_semaphore, #tpu.memory_space<semaphore_mem>>
      %dma_start3A_99 = arith.constant 0 : i32
      %dma_start3A_100 = tpu.memref_slice %arg4[%arg0, %mul3A_98, %dma_start3A_99] : memref<2x10240x16xf32, #tpu.memory_space<hbm>> -> memref<1x640x16xf32, #tpu.memory_space<hbm>>
      %dma_start3A_101 = tpu.memref_squeeze %dma_start3A_100 : memref<1x640x16xf32, #tpu.memory_space<hbm>> -> memref<640x16xf32, #tpu.memory_space<hbm>>
      %dma_start3A_102 = arith.constant 0 : i32
      %dma_start3A_103 = tpu.memref_slice %arg14[%mul3A_96, %dma_start3A_102] : memref<10240x16xf32, #tpu.memory_space<vmem_shared>> -> memref<640x16xf32, #tpu.memory_space<vmem_shared>>
      tpu.enqueue_dma source(%dma_start3A_103 : memref<640x16xf32, #tpu.memory_space<vmem_shared>>) target(%dma_start3A_101 : memref<640x16xf32, #tpu.memory_space<hbm>>) target_semaphore(%run_scoped3A : memref<!tpu.dma_semaphore, #tpu.memory_space<semaphore_mem>>)
      %dma_wait3A_104 = arith.constant 0 : i32
      %dma_wait3A_105 = tpu.memref_slice %arg4[%arg0, %mul3A_98, %dma_wait3A_104] : memref<2x10240x16xf32, #tpu.memory_space<hbm>> -> memref<1x640x16xf32, #tpu.memory_space<hbm>>
      %dma_wait3A_106 = tpu.memref_squeeze %dma_wait3A_105 : memref<1x640x16xf32, #tpu.memory_space<hbm>> -> memref<640x16xf32, #tpu.memory_space<hbm>>
      %dma_wait3A_107 = arith.constant 0 : i32
      %dma_wait3A_108 = tpu.memref_slice %arg14[%mul3A_96, %dma_wait3A_107] : memref<10240x16xf32, #tpu.memory_space<vmem_shared>> -> memref<640x16xf32, #tpu.memory_space<vmem_shared>>
      tpu.wait_dma2 semaphore(%run_scoped3A : memref<!tpu.dma_semaphore, #tpu.memory_space<semaphore_mem>>) src(%dma_wait3A_108 : memref<640x16xf32, #tpu.memory_space<vmem_shared>>) dst(%dma_wait3A_106 : memref<640x16xf32, #tpu.memory_space<hbm>>)
      tpu.yield
    }) : () -> ()
    return
  }
}

module attributes {stable_mosaic.version = 14 : i64} {
  func.func @_prep_body(%arg0: i32, %arg1: memref<2x1024x1xf32, #tpu.memory_space<vmem>>, %arg2: memref<1024x32xf32, #tpu.memory_space<vmem>>, %arg3: memref<1024x96xf32, #tpu.memory_space<vmem>>, %arg4: memref<1024x1xf32, #tpu.memory_space<vmem>>, %arg5: memref<1024x128xf32, #tpu.memory_space<vmem>>) attributes {dimension_semantics = [#tpu.dimension_semantics<arbitrary>], iteration_bounds = array<i64: 10>, scalar_prefetch = 0 : i64, scratch_operands = 0 : i64, tpu.core_type = #tpu.core_type<tc>, window_params = [{transform_indices = @transform_0, window_bounds = array<i64: 2, 1024, 1>}, {transform_indices = @transform_1, window_bounds = array<i64: 1024, 32>}, {transform_indices = @transform_2, window_bounds = array<i64: 1024, 96>}, {transform_indices = @transform_3, window_bounds = array<i64: 1024, 1>}, {transform_indices = @transform_4, window_bounds = array<i64: 1024, 128>}]} {
    %mul3A = arith.constant 1024 : i32
    %mul3A_0 = arith.muli %arg0, %mul3A : i32
    %iota3A = tpu.iota {dimensions = array<i32: 0>} : vector<1024x1xi32>
    %add3A = vector.broadcast %mul3A_0 : i32 to vector<1024x1xi32>
    %add3A_1 = arith.addi %add3A, %iota3A : vector<1024x1xi32>
    %lt3A = arith.constant 10000 : i32
    %lt3A_2 = vector.broadcast %lt3A : i32 to vector<1024x1xi32>
    %lt3A_3 = arith.cmpi slt, %add3A_1, %lt3A_2 : vector<1024x1xi32>
    %convert_element_type3A = arith.extui %lt3A_3 : vector<1024x1xi1> to vector<1024x1xi32>
    %convert_element_type3A_4 = arith.sitofp %convert_element_type3A : vector<1024x1xi32> to vector<1024x1xf32>
    %get3A = arith.constant 0 : index
    %get3A_5 = arith.constant 0 : index
    %get3A_6 = arith.constant 0 : index
    %get3A_7 = vector.load %arg1[%get3A, %get3A_5, %get3A_6] : memref<2x1024x1xf32, #tpu.memory_space<vmem>>, vector<1x1024x1xf32>
    %get3A_8 = vector.shape_cast %get3A_7 : vector<1x1024x1xf32> to vector<1024x1xf32>
    %get3A_9 = arith.constant 1 : index
    %get3A_10 = arith.constant 0 : index
    %get3A_11 = arith.constant 0 : index
    %get3A_12 = vector.load %arg1[%get3A_9, %get3A_10, %get3A_11] : memref<2x1024x1xf32, #tpu.memory_space<vmem>>, vector<1x1024x1xf32>
    %get3A_13 = vector.shape_cast %get3A_12 : vector<1x1024x1xf32> to vector<1024x1xf32>
    %add3A_14 = arith.addf %get3A_8, %get3A_13 : vector<1024x1xf32>
    %add3A_15 = arith.constant 1.000000e+00 : f32
    %add3A_16 = vector.broadcast %add3A_15 : f32 to vector<1024x1xf32>
    %add3A_17 = arith.addf %add3A_14, %add3A_16 : vector<1024x1xf32>
    %rsqrt3A = math.rsqrt %add3A_17 : vector<1024x1xf32>
    %swap3A = arith.constant 0 : index
    %swap3A_18 = arith.constant 0 : index
    %swap3A_19 = vector.load %arg4[%swap3A, %swap3A_18] : memref<1024x1xf32, #tpu.memory_space<vmem>>, vector<1024x1xf32>
    tpu.vector_store %arg4[%swap3A, %swap3A_18], %rsqrt3A {strides = array<i32>} : memref<1024x1xf32, #tpu.memory_space<vmem>>, vector<1024x1xf32>,
    %mul3A_20 = arith.mulf %rsqrt3A, %convert_element_type3A_4 : vector<1024x1xf32>
    %get3A_21 = arith.constant 0 : index
    %get3A_22 = arith.constant 0 : index
    %get3A_23 = vector.load %arg2[%get3A_21, %get3A_22] : memref<1024x32xf32, #tpu.memory_space<vmem>>, vector<1024x32xf32>
    %mul3A_24 = vector.broadcast %mul3A_20 : vector<1024x1xf32> to vector<1024x32xf32>
    %mul3A_25 = arith.mulf %get3A_23, %mul3A_24 : vector<1024x32xf32>
    %get3A_26 = arith.constant 0 : index
    %get3A_27 = arith.constant 0 : index
    %get3A_28 = vector.load %arg3[%get3A_26, %get3A_27] : memref<1024x96xf32, #tpu.memory_space<vmem>>, vector<1024x96xf32>
    %mul3A_29 = vector.broadcast %mul3A_20 : vector<1024x1xf32> to vector<1024x96xf32>
    %mul3A_30 = arith.mulf %get3A_28, %mul3A_29 : vector<1024x96xf32>
    %concatenate3A = tpu.concatenate %mul3A_25, %mul3A_30 in 1 : vector<1024x32xf32>, vector<1024x96xf32> -> vector<1024x128xf32>
    %swap3A_31 = arith.constant 0 : index
    %swap3A_32 = arith.constant 0 : index
    %swap3A_33 = vector.load %arg5[%swap3A_31, %swap3A_32] : memref<1024x128xf32, #tpu.memory_space<vmem>>, vector<1024x128xf32>
    tpu.vector_store %arg5[%swap3A_31, %swap3A_32], %concatenate3A {strides = array<i32>} : memref<1024x128xf32, #tpu.memory_space<vmem>>, vector<1024x128xf32>,
    return
  }
  func.func @transform_0(%arg0: i32) -> (i32, i32, i32) {
    %c0_i32 = arith.constant 0 : i32
    %c0_i32_0 = arith.constant 0 : i32
    %c0_i32_1 = arith.constant 0 : i32
    return %c0_i32, %arg0, %c0_i32_0 : i32, i32, i32
  }
  func.func @transform_1(%arg0: i32) -> (i32, i32) {
    %c0_i32 = arith.constant 0 : i32
    %c0_i32_0 = arith.constant 0 : i32
    return %arg0, %c0_i32 : i32, i32
  }
  func.func @transform_2(%arg0: i32) -> (i32, i32) {
    %c0_i32 = arith.constant 0 : i32
    %c0_i32_0 = arith.constant 0 : i32
    return %arg0, %c0_i32 : i32, i32
  }
  func.func @transform_3(%arg0: i32) -> (i32, i32) {
    %c0_i32 = arith.constant 0 : i32
    %c0_i32_0 = arith.constant 0 : i32
    return %arg0, %c0_i32 : i32, i32
  }
  func.func @transform_4(%arg0: i32) -> (i32, i32) {
    %c0_i32 = arith.constant 0 : i32
    %c0_i32_0 = arith.constant 0 : i32
    return %arg0, %c0_i32 : i32, i32
  }
}

module attributes {stable_mosaic.version = 14 : i64} {
  func.func @_mlp_body(%arg0: i32, %arg1: memref<2x1024x128xf32, #tpu.memory_space<vmem>>, %arg2: memref<1024x128xf32, #tpu.memory_space<vmem>>, %arg3: memref<1024x1xf32, #tpu.memory_space<vmem>>, %arg4: memref<128x512xf32, #tpu.memory_space<vmem>>, %arg5: memref<1x512xf32, #tpu.memory_space<vmem>>, %arg6: memref<512x128xf32, #tpu.memory_space<vmem>>, %arg7: memref<1024x16xf32, #tpu.memory_space<vmem>>) attributes {dimension_semantics = [#tpu.dimension_semantics<arbitrary>], iteration_bounds = array<i64: 10>, scalar_prefetch = 0 : i64, scratch_operands = 0 : i64, tpu.core_type = #tpu.core_type<tc>, window_params = [{transform_indices = @transform_0, window_bounds = array<i64: 2, 1024, 128>}, {transform_indices = @transform_1, window_bounds = array<i64: 1024, 128>}, {transform_indices = @transform_2, window_bounds = array<i64: 1024, 1>}, {pipeline_mode = #tpu.pipeline_mode<synchronous>, transform_indices = @transform_3, window_bounds = array<i64: 128, 512>}, {pipeline_mode = #tpu.pipeline_mode<synchronous>, transform_indices = @transform_4, window_bounds = array<i64: 1, 512>}, {pipeline_mode = #tpu.pipeline_mode<synchronous>, transform_indices = @transform_5, window_bounds = array<i64: 512, 128>}, {transform_indices = @transform_6, window_bounds = array<i64: 1024, 16>}]} {
    %get3A = arith.constant 0 : index
    %get3A_0 = arith.constant 0 : index
    %get3A_1 = vector.load %arg3[%get3A, %get3A_0] : memref<1024x1xf32, #tpu.memory_space<vmem>>, vector<1024x1xf32>
    %get3A_2 = arith.constant 0 : index
    %get3A_3 = arith.constant 0 : index
    %get3A_4 = arith.constant 0 : index
    %get3A_5 = vector.load %arg1[%get3A_2, %get3A_3, %get3A_4] : memref<2x1024x128xf32, #tpu.memory_space<vmem>>, vector<1x1024x128xf32>
    %get3A_6 = vector.shape_cast %get3A_5 : vector<1x1024x128xf32> to vector<1024x128xf32>
    %get3A_7 = arith.constant 1 : index
    %get3A_8 = arith.constant 0 : index
    %get3A_9 = arith.constant 0 : index
    %get3A_10 = vector.load %arg1[%get3A_7, %get3A_8, %get3A_9] : memref<2x1024x128xf32, #tpu.memory_space<vmem>>, vector<1x1024x128xf32>
    %get3A_11 = vector.shape_cast %get3A_10 : vector<1x1024x128xf32> to vector<1024x128xf32>
    %add3A = arith.addf %get3A_6, %get3A_11 : vector<1024x128xf32>
    %get3A_12 = arith.constant 0 : index
    %get3A_13 = arith.constant 0 : index
    %get3A_14 = vector.load %arg2[%get3A_12, %get3A_13] : memref<1024x128xf32, #tpu.memory_space<vmem>>, vector<1024x128xf32>
    %add3A_15 = arith.addf %add3A, %get3A_14 : vector<1024x128xf32>
    %mul3A = vector.broadcast %get3A_1 : vector<1024x1xf32> to vector<1024x128xf32>
    %mul3A_16 = arith.mulf %add3A_15, %mul3A : vector<1024x128xf32>
    %get3A_17 = arith.constant 0 : index
    %get3A_18 = arith.constant 0 : index
    %get3A_19 = vector.load %arg4[%get3A_17, %get3A_18] : memref<128x512xf32, #tpu.memory_space<vmem>>, vector<128x512xf32>
    %dot_general3A = arith.constant dense<0.000000e+00> : vector<1024x512xf32>
    %dot_general3A_20 = tpu.matmul %mul3A_16, %get3A_19, %dot_general3A {dimension_numbers = #tpu.dot_dimension_numbers<[1], [0], [0], [1], [0, 0, 1, 1], [], []>, transpose_lhs_hint = false} : vector<1024x128xf32>, vector<128x512xf32>, vector<1024x512xf32> -> vector<1024x512xf32>
    %get3A_21 = arith.constant 0 : index
    %get3A_22 = arith.constant 0 : index
    %get3A_23 = vector.load %arg5[%get3A_21, %get3A_22] : memref<1x512xf32, #tpu.memory_space<vmem>>, vector<1x512xf32>
    %add3A_24 = vector.broadcast %get3A_23 : vector<1x512xf32> to vector<1024x512xf32>
    %add3A_25 = arith.addf %dot_general3A_20, %add3A_24 : vector<1024x512xf32>
    %max3A = arith.constant 0.000000e+00 : f32
    %max3A_26 = vector.broadcast %max3A : f32 to vector<1024x512xf32>
    %max3A_27 = arith.maximumf %add3A_25, %max3A_26 : vector<1024x512xf32>
    %get3A_28 = arith.constant 0 : index
    %get3A_29 = arith.constant 0 : index
    %get3A_30 = vector.load %arg6[%get3A_28, %get3A_29] : memref<512x128xf32, #tpu.memory_space<vmem>>, vector<512x128xf32>
    %dot_general3A_31 = arith.constant dense<0.000000e+00> : vector<1024x128xf32>
    %dot_general3A_32 = tpu.matmul %max3A_27, %get3A_30, %dot_general3A_31 {dimension_numbers = #tpu.dot_dimension_numbers<[1], [0], [0], [1], [0, 0, 1, 1], [], []>, transpose_lhs_hint = false} : vector<1024x512xf32>, vector<512x128xf32>, vector<1024x128xf32> -> vector<1024x128xf32>
    %slice3A = vector.extract_strided_slice %dot_general3A_32 {offsets = [0, 0], sizes = [1024, 16], strides = [1, 1]} : vector<1024x128xf32> to vector<1024x16xf32>
    %mul3A_33 = vector.broadcast %get3A_1 : vector<1024x1xf32> to vector<1024x16xf32>
    %mul3A_34 = arith.mulf %slice3A, %mul3A_33 : vector<1024x16xf32>
    %swap3A = arith.constant 0 : index
    %swap3A_35 = arith.constant 0 : index
    %swap3A_36 = vector.load %arg7[%swap3A, %swap3A_35] : memref<1024x16xf32, #tpu.memory_space<vmem>>, vector<1024x16xf32>
    tpu.vector_store %arg7[%swap3A, %swap3A_35], %mul3A_34 {strides = array<i32>} : memref<1024x16xf32, #tpu.memory_space<vmem>>, vector<1024x16xf32>,
    return
  }
  func.func @transform_0(%arg0: i32) -> (i32, i32, i32) {
    %c0_i32 = arith.constant 0 : i32
    %c0_i32_0 = arith.constant 0 : i32
    %c0_i32_1 = arith.constant 0 : i32
    return %c0_i32, %arg0, %c0_i32_0 : i32, i32, i32
  }
  func.func @transform_1(%arg0: i32) -> (i32, i32) {
    %c0_i32 = arith.constant 0 : i32
    %c0_i32_0 = arith.constant 0 : i32
    return %arg0, %c0_i32 : i32, i32
  }
  func.func @transform_2(%arg0: i32) -> (i32, i32) {
    %c0_i32 = arith.constant 0 : i32
    %c0_i32_0 = arith.constant 0 : i32
    return %arg0, %c0_i32 : i32, i32
  }
  func.func @transform_3(%arg0: i32) -> (i32, i32) {
    %c0_i32 = arith.constant 0 : i32
    %c0_i32_0 = arith.constant 0 : i32
    %c0_i32_1 = arith.constant 0 : i32
    return %c0_i32, %c0_i32_0 : i32, i32
  }
  func.func @transform_4(%arg0: i32) -> (i32, i32) {
    %c0_i32 = arith.constant 0 : i32
    %c0_i32_0 = arith.constant 0 : i32
    %c0_i32_1 = arith.constant 0 : i32
    return %c0_i32, %c0_i32_0 : i32, i32
  }
  func.func @transform_5(%arg0: i32) -> (i32, i32) {
    %c0_i32 = arith.constant 0 : i32
    %c0_i32_0 = arith.constant 0 : i32
    %c0_i32_1 = arith.constant 0 : i32
    return %c0_i32, %c0_i32_0 : i32, i32
  }
  func.func @transform_6(%arg0: i32) -> (i32, i32) {
    %c0_i32 = arith.constant 0 : i32
    %c0_i32_0 = arith.constant 0 : i32
    return %arg0, %c0_i32 : i32, i32
  }
}

module attributes {stable_mosaic.version = 14 : i64} {
  func.func @_fin_body(%arg0: i32, %arg1: memref<2x1024x16xf32, #tpu.memory_space<vmem>>, %arg2: memref<1024x16xf32, #tpu.memory_space<vmem>>, %arg3: memref<1024x1xf32, #tpu.memory_space<vmem>>, %arg4: memref<1x16xf32, #tpu.memory_space<vmem>>, %arg5: memref<1024x2xf32, #tpu.memory_space<vmem>>) attributes {dimension_semantics = [#tpu.dimension_semantics<arbitrary>], iteration_bounds = array<i64: 10>, scalar_prefetch = 0 : i64, scratch_operands = 0 : i64, tpu.core_type = #tpu.core_type<tc>, window_params = [{transform_indices = @transform_0, window_bounds = array<i64: 2, 1024, 16>}, {transform_indices = @transform_1, window_bounds = array<i64: 1024, 16>}, {transform_indices = @transform_2, window_bounds = array<i64: 1024, 1>}, {pipeline_mode = #tpu.pipeline_mode<synchronous>, transform_indices = @transform_3, window_bounds = array<i64: 1, 16>}, {transform_indices = @transform_4, window_bounds = array<i64: 1024, 2>}]} {
    %get3A = arith.constant 0 : index
    %get3A_0 = arith.constant 0 : index
    %get3A_1 = arith.constant 0 : index
    %get3A_2 = vector.load %arg1[%get3A, %get3A_0, %get3A_1] : memref<2x1024x16xf32, #tpu.memory_space<vmem>>, vector<1x1024x16xf32>
    %get3A_3 = vector.shape_cast %get3A_2 : vector<1x1024x16xf32> to vector<1024x16xf32>
    %get3A_4 = arith.constant 1 : index
    %get3A_5 = arith.constant 0 : index
    %get3A_6 = arith.constant 0 : index
    %get3A_7 = vector.load %arg1[%get3A_4, %get3A_5, %get3A_6] : memref<2x1024x16xf32, #tpu.memory_space<vmem>>, vector<1x1024x16xf32>
    %get3A_8 = vector.shape_cast %get3A_7 : vector<1x1024x16xf32> to vector<1024x16xf32>
    %add3A = arith.addf %get3A_3, %get3A_8 : vector<1024x16xf32>
    %get3A_9 = arith.constant 0 : index
    %get3A_10 = arith.constant 0 : index
    %get3A_11 = vector.load %arg2[%get3A_9, %get3A_10] : memref<1024x16xf32, #tpu.memory_space<vmem>>, vector<1024x16xf32>
    %add3A_12 = arith.addf %add3A, %get3A_11 : vector<1024x16xf32>
    %get3A_13 = arith.constant 0 : index
    %get3A_14 = arith.constant 0 : index
    %get3A_15 = vector.load %arg3[%get3A_13, %get3A_14] : memref<1024x1xf32, #tpu.memory_space<vmem>>, vector<1024x1xf32>
    %mul3A = vector.broadcast %get3A_15 : vector<1024x1xf32> to vector<1024x16xf32>
    %mul3A_16 = arith.mulf %add3A_12, %mul3A : vector<1024x16xf32>
    %get3A_17 = arith.constant 0 : index
    %get3A_18 = arith.constant 0 : index
    %get3A_19 = vector.load %arg4[%get3A_17, %get3A_18] : memref<1x16xf32, #tpu.memory_space<vmem>>, vector<1x16xf32>
    %add3A_20 = vector.broadcast %get3A_19 : vector<1x16xf32> to vector<1024x16xf32>
    %add3A_21 = arith.addf %mul3A_16, %add3A_20 : vector<1024x16xf32>
    %reduce_max3A = arith.constant dense<0xFF800000> : vector<1024xf32>
    %reduce_max3A_22 = vector.multi_reduction <maximumf>, %add3A_21, %reduce_max3A [1] : vector<1024x16xf32> to vector<1024xf32>
    %broadcast_in_dim3A = vector.shape_cast %reduce_max3A_22 : vector<1024xf32> to vector<1024x1xf32>
    %sub3A = vector.broadcast %broadcast_in_dim3A : vector<1024x1xf32> to vector<1024x16xf32>
    %sub3A_23 = arith.subf %add3A_21, %sub3A : vector<1024x16xf32>
    %exp3A = math.exp %sub3A_23 : vector<1024x16xf32>
    %reduce_sum3A = arith.constant dense<0.000000e+00> : vector<1024xf32>
    %reduce_sum3A_24 = vector.multi_reduction <add>, %exp3A, %reduce_sum3A [1] : vector<1024x16xf32> to vector<1024xf32>
    %broadcast_in_dim3A_25 = vector.shape_cast %reduce_sum3A_24 : vector<1024xf32> to vector<1024x1xf32>
    %div3A = vector.broadcast %broadcast_in_dim3A_25 : vector<1024x1xf32> to vector<1024x16xf32>
    %div3A_26 = arith.divf %exp3A, %div3A : vector<1024x16xf32>
    %slice3A = vector.extract_strided_slice %div3A_26 {offsets = [0, 0], sizes = [1024, 2], strides = [1, 1]} : vector<1024x16xf32> to vector<1024x2xf32>
    %swap3A = arith.constant 0 : index
    %swap3A_27 = arith.constant 0 : index
    %swap3A_28 = vector.load %arg5[%swap3A, %swap3A_27] : memref<1024x2xf32, #tpu.memory_space<vmem>>, vector<1024x2xf32>
    tpu.vector_store %arg5[%swap3A, %swap3A_27], %slice3A {strides = array<i32>} : memref<1024x2xf32, #tpu.memory_space<vmem>>, vector<1024x2xf32>,
    return
  }
  func.func @transform_0(%arg0: i32) -> (i32, i32, i32) {
    %c0_i32 = arith.constant 0 : i32
    %c0_i32_0 = arith.constant 0 : i32
    %c0_i32_1 = arith.constant 0 : i32
    return %c0_i32, %arg0, %c0_i32_0 : i32, i32, i32
  }
  func.func @transform_1(%arg0: i32) -> (i32, i32) {
    %c0_i32 = arith.constant 0 : i32
    %c0_i32_0 = arith.constant 0 : i32
    return %arg0, %c0_i32 : i32, i32
  }
  func.func @transform_2(%arg0: i32) -> (i32, i32) {
    %c0_i32 = arith.constant 0 : i32
    %c0_i32_0 = arith.constant 0 : i32
    return %arg0, %c0_i32 : i32, i32
  }
  func.func @transform_3(%arg0: i32) -> (i32, i32) {
    %c0_i32 = arith.constant 0 : i32
    %c0_i32_0 = arith.constant 0 : i32
    %c0_i32_1 = arith.constant 0 : i32
    return %c0_i32, %c0_i32_0 : i32, i32
  }
  func.func @transform_4(%arg0: i32) -> (i32, i32) {
    %c0_i32 = arith.constant 0 : i32
    %c0_i32_0 = arith.constant 0 : i32
    return %arg0, %c0_i32 : i32, i32
  }
}

</mosaic_0001>

<sc_bundles>
// kernel: kernel.11.cloned.1.call-start
scs
__scs_entry_jumppad:
0x0: {  	(pc) =	sbr.rel $0x88, $3  }
0x1: {  	(tag) =	ssettag $0x0;
	lr =	simm.s32 $0x1  }
0x2: {  	[smem:$0x3F9A] =	sst lr;
	_ =	strace $0xD0000000  }
0x3: {  	_ = 	snop  }
0x4: {  	_ = 	snop  }
0x5: {  	_ = 	snop  }
0x6: {  	_ = 	snop  }
0x7: {  	_ = 	snop  }
__scs_overlays_trampoline_lowered:
0x8: {  	[smem:$0x3FA9] =	sst s0  }
0x9: {  	[smem:$0x3FAA] =	sst s1  }
0xa: {  	[smem:$0x3FAB] =	sst s2  }
0xb: {  	[smem:$0x3FAC] =	sst s3  }
0xc: {  	[smem:$0x3FAD] =	sst s4  }
0xd: {  	[smem:$0x3FAE] =	sst s5  }
0xe: {  	[smem:$0x3FAF] =	sst s6  }
0xf: {  	[smem:$0x3FB0] =	sst s7  }
0x10: {  	[smem:$0x3FB1] =	sst s8  }
0x11: {  	[smem:$0x3FB2] =	sst s9;
	s0 =	simm.s32 @!p0 $0x0  }
0x12: {  	s1 =	sld [smem:$0x3F98];
	s0 =	simm.s32 @p0 $0x1  }
0x13: {  	[smem:$0x3FB3] =	sst s0;
	s0 =	simm.s32 @!p1 $0x0  }
0x14: {  	s2 =	sld [smem:$0x3F97];
	s0 =	simm.s32 @p1 $0x1  }
0x15: {  	[smem:$0x3FB4] =	sst s0;
	s0 =	simm.s32 @!p2 $0x0  }
0x16: {  	s3 =	sld [smem:$0x3FDB];
	s0 =	simm.s32 @p2 $0x1  }
0x17: {  	s4 =	simm.s32 $0x1BF5;
	[smem:$0x3FB6] =	sst s0  }
0x18: {  	s0 =	sld [smem:$0x3F99];
	_ =	swait.ge [sflag:s4], $0x0  }
0x19: {  	s7 =	sld [smem:$0x3F9A]  }
0x1a: {  	s8 =	sadd.s32 $0xFFFFE003, lr  }
0x1b: {  	s9 =	sadd.s32 $0xFFFFFEF7, lr;
	s5 =	simm.s32 $0xFFFFFFFF;
	p2 =	slt.u32 s8, $0xFFFFF086  }
0x1c: {  	p1 =	slt.u32 s9, $0xF7A;
	s5 =	simm.s32 @!p2 $0x0  }
0x1d: {  	s5 =	simm.s32 @p1 $0x1;
	p0 =	seq.s32 s7, s2  }
0x1e: {  	s7 =	smul.u32 @!p0 $0xF7A, s2;
	p2 =	seq.s32 @!p0 s5, $0x0  }
0x1f: {  	s9 =	smul.u32 $0xF7A, s1;
	s8 =	simm.s32 @!p0 $0x1BF5;
	p2 =	por !p2, p0  }
0x20: {  	[sflag:s8] =	ssyncset.s32 @!p0 $0xFFFFF086;
	s6 =	sadd.s32 @!p0 s3, s7;
	s7 =	simm.s32 @!p0 $0x108  }
0x21: {  	s3 =	sadd.s32 s3, s9;
	s6 =	sadd.s32 @!p0 $0x88, s6;
	s7 =	simm.s32 @p2 $0x1082  }
0x22: {  	[simem:s7], [sflag:s8] =	dma.local @!p0 [hbm:s6], $0xF7A  }
0x23: {  	s9 =	sor.u32 $0xD0000000, s2;
	s6 =	simm.s32 $0x108;
	_ =	swait.ge @!p0 [sflag:s8], $0x0  }
0x24: {  	s3 =	sadd.s32 $0x88, s3;
	s6 =	simm.s32 @!p1 $0x1082;
	[sflag:s4] =	ssyncset.s32 $0xFFFFF086  }
0x25: {  	[simem:s6], [sflag:s4] =	dma.local [hbm:s3], $0xF7A  }
0x26: {  	[smem:$0x3F9A] =	sst s1;
	(tag) =	ssettag s2;
	_ =	strace s9  }
0x27: {  	s1 =	sld [smem:$0x3FAA]  }
0x28: {  	s2 =	sld [smem:$0x3FAB]  }
0x29: {  	s4 =	sld [smem:$0x3FAD]  }
0x2a: {  	p0 =	seq.s32 s5, $0x0;
	s5 =	sld [smem:$0x3FAE]  }
0x2b: {  	s6 =	sld [smem:$0x3FAF]  }
0x2c: {  	s7 =	sld [smem:$0x3FB0]  }
0x2d: {  	s3 =	simm.s32 $0x108;
	s8 =	sld [smem:$0x3FB1]  }
0x2e: {  	s3 =	simm.s32 @!p0 $0x1082;
	s9 =	sld [smem:$0x3FB2]  }
0x2f: {  	lr =	sadd.s32 s0, s3;
	s0 =	sld [smem:$0x3FA9]  }
0x30: {  	s3 =	sld [smem:$0x3FAC]  }
0x31: {  	[smem:$0x3FB5] =	sst s10  }
0x32: {  	s10 =	sld [smem:$0x3FB3];
	_ =	sdelay $0x3  }
0x33: {  	p0 =	seq.s32 s10, $0x1;
	s10 =	sld [smem:$0x3FB5];
	_ =	sdelay $0x3  }
0x34: {  	[smem:$0x3FB5] =	sst s10  }
0x35: {  	s10 =	sld [smem:$0x3FB4];
	_ =	sdelay $0x3  }
0x36: {  	p1 =	seq.s32 s10, $0x1;
	s10 =	sld [smem:$0x3FB5];
	_ =	sdelay $0x3  }
0x37: {  	[smem:$0x3FB5] =	sst s10  }
0x38: {  	s10 =	sld [smem:$0x3FB6]  }
0x39: {  	_ = 	snop;
	(pc) =	sbr.ind lr, $3  }
0x3a: {  	_ = 	snop  }
0x3b: {  	_ = 	snop  }
0x3c: {  	p2 =	seq.s32 s10, $0x1;
	s10 =	sld [smem:$0x3FB5]  }
0x3d: {  	_ =	shalt  }
0x3e: {  	_ =	shalt  }
0x3f: {  	_ =	shalt  }
0x40: {  	_ =	shalt  }
0x41: {  	_ =	shalt  }
0x42: {  	_ =	shalt  }
0x43: {  	_ =	shalt  }
0x44: {  	_ =	shalt  }
0x45: {  	_ =	shalt  }
0x46: {  	_ =	shalt  }
0x47: {  	_ =	shalt  }
0x48: {  	_ =	shalt  }
0x49: {  	_ =	shalt  }
0x4a: {  	_ =	shalt  }
0x4b: {  	_ =	shalt  }
0x4c: {  	_ =	shalt  }
0x4d: {  	_ =	shalt  }
0x4e: {  	_ =	shalt  }
0x4f: {  	_ =	shalt  }
0x50: {  	_ =	shalt  }
0x51: {  	_ =	shalt  }
0x52: {  	_ =	shalt  }
0x53: {  	_ =	shalt  }
0x54: {  	_ =	shalt  }
0x55: {  	_ =	shalt  }
0x56: {  	_ =	shalt  }
0x57: {  	_ =	shalt  }
0x58: {  	_ =	shalt  }
0x59: {  	_ =	shalt  }
0x5a: {  	_ =	shalt  }
0x5b: {  	_ =	shalt  }
0x5c: {  	_ =	shalt  }
0x5d: {  	_ =	shalt  }
0x5e: {  	_ =	shalt  }
0x5f: {  	_ =	shalt  }
0x60: {  	_ =	shalt  }
0x61: {  	_ =	shalt  }
0x62: {  	_ =	shalt  }
0x63: {  	_ =	shalt  }
0x64: {  	_ =	shalt  }
0x65: {  	_ =	shalt  }
0x66: {  	_ =	shalt  }
0x67: {  	_ =	shalt  }
0x68: {  	_ =	shalt  }
0x69: {  	_ =	shalt  }
0x6a: {  	_ =	shalt  }
0x6b: {  	_ =	shalt  }
0x6c: {  	_ =	shalt  }
0x6d: {  	_ =	shalt  }
0x6e: {  	_ =	shalt  }
0x6f: {  	_ =	shalt  }
0x70: {  	_ =	shalt  }
0x71: {  	_ =	shalt  }
0x72: {  	_ =	shalt  }
0x73: {  	_ =	shalt  }
0x74: {  	_ =	shalt  }
0x75: {  	_ =	shalt  }
0x76: {  	_ =	shalt  }
0x77: {  	_ =	shalt  }
0x78: {  	_ =	shalt  }
0x79: {  	_ =	shalt  }
0x7a: {  	_ =	shalt  }
0x7b: {  	_ =	shalt  }
0x7c: {  	_ =	shalt  }
0x7d: {  	_ =	shalt  }
0x7e: {  	_ =	shalt  }
0x7f: {  	_ =	shalt  }
0x80: {  	_ =	shalt  }
0x81: {  	_ =	shalt  }
0x82: {  	_ =	shalt  }
0x83: {  	_ =	shalt  }
0x84: {  	_ =	shalt  }
0x85: {  	_ =	shalt  }
0x86: {  	_ =	shalt  }
0x87: {  	_ =	shalt  }
.Lfunc_end0:
.L_simem_size_0:
called_computation.1_lowered:
.L_overlay_start_0:
0x88: {  	s2 =	sld [smem:$0x3FD9]  }
0x89: {  	s3 =	sld [smem:$0x3FFE];
	_ =	sdelay $0x1  }
0x8a: {  	s1 =	srdreg.scid  }
0x8b: {  	s0 =	sand.u32 $0x1, s1  }
0x8c: {  	s16 =	sshll.u32 s0, $0xA;
	s2 =	sadd.s32 s3, s2  }
0x8d: {  	s2 =	sadd.s32 s2, s16  }
0x8e: {  	[smem:$0x3FC1] =	sst s2  }
0x8f: {  	_ = 	snop  }
0x90: {  	(tm) =	ssettm $0x1  }
0x91: {  	s17 =	sld [smem:$0x3FFB];
	_ =	sdelay $0x3  }
0x92: {  	_ =	strace s17  }
0x93: {  	s2 =	sld [smem:$0x3FFC];
	_ =	sdelay $0x3  }
0x94: {  	_ =	strace s2  }
0x95: {  	s2 =	sld [smem:$0x3FFD];
	_ =	sdelay $0x3  }
0x96: {  	_ =	strace s2  }
0x97: {  	_ =	strace $0x8FFFFFFF  }
0x98: {  	s18 =	sld [smem:$0x3FDB];
	_ =	sdelay $0x1  }
0x99: {  	s19 =	simm.s32 $_scs_section_size  }
0x9a: {  	s4 =	simm.s32 $_size__tile_overlayer_lowered;
	s5 =	simm.s32 $_tile_overlayer_lowered  }
0x9b: {  	s22 =	simm.s32 $0x1BFF;
	s21 =	sshll.u32 s5, $0x1;
	s2 =	sadd.s32 s19, s18  }
0x9c: {  	s6 =	simm.s32 $0x0;
	s20 =	sshll.u32 s4, $0x1;
	s4 =	sadd.s32 s21, s2  }
0x9d: {  	[timem:s6], [sflag:s22] =	dma.local [hbm:s4], s20  }
0x9e: {  	_ =	swait.ge [sflag:s22], s20  }
0x9f: {  	s3 =	ssub.s32 $0x0, s20;
	[sflag:s22] =	ssyncset.done $0x0  }
0xa0: {  	[sflag:s22] =	ssyncadd.s32 s3;
	_ =	sdelay $0x1  }
0xa1: {  	s23 =	simm.s32 $0x1B8B  }
0xa2: {  	_ =	swait.ge [sflag:s23], $0x1  }
0xa3: {  	[sflag:s23] =	ssyncset.done $0x0  }
0xa4: {  	s25 =	simm.s32 $0x1B8E;
	s24 =	sld [smem:$0x3FFE];
	[sflag:s23] =	ssyncadd.s32 $0xFFFFFFFF  }
0xa5: {  	s26 =	simm.s32 $execute0_lowered;
	[smem:$0x3FD2] =	sst s25  }
0xa6: {  	s4 =	sshll.u32 s26, $0x1;
	_ =	strace $0x80000049;
	[dreg:$0x1] =	wrdreg $0xFFFFFFFF  }
0xa7: {  	s28 =	simm.s32 $_size_execute0_lowered;
	s2 =	sadd.s32 s2, s4;
	[dreg:$0x0] =	wrdreg $0x0  }
0xa8: {  	s4 =	sshll.u32 s28, $0x1;
	[dreg:$0x2] =	wrdreg s2  }
0xa9: {  	[dreg:$0x3] =	wrdreg s4  }
0xaa: {  	[dreg:$0x4] =	wrdreg $0xC0  }
0xab: {  	_ =	task [dreg:s6], $0x5FFFF  }
0xac: {  	[dreg:$0x1] =	wrdreg $0xFFFFFFFF  }
0xad: {  	[dreg:$0x0] =	wrdreg $0x60  }
0xae: {  	[dreg:$0x2] =	wrdreg s24  }
0xaf: {  	[dreg:$0x3] =	wrdreg $0x82000  }
0xb0: {  	[dreg:$0x4] =	wrdreg $0x9  }
0xb1: {  	_ =	task.clear_ibuf [dreg:s6], $0x5FFFF;
	_ =	strace $0x90000049  }
0xb2: {  	s29 =	simm.s32 $0x9;
	_ =	strace $0x8000004B  }
0xb3: {  	_ =	swait.ge [sflag:s29], $0x1  }
0xb4: {  	[sflag:s29] =	ssyncadd.s32 $0xFFFFFFFF  }
0xb5: {  	_ =	strace $0x9000004B  }
0xb6: {  	_ =	sfence  }
0xb7: {  	s30 =	sld [smem:$0x0];
	_ =	sdelay $0x2  }
0xb8: {  	s31 =	sshll.u32 s1, $0xD;
	s1 =	sshrl.u32 s1, $0x2  }
0xb9: {  	s3 =	sand.u32 $0x4000, s31;
	s1 =	sadd.s32 s1, s30  }
0xba: {  	s0 =	sor.u32 s3, s0;
	s1 =	sshll.u32 s1, $0x11  }
0xbb: {  	s0 =	sor.u32 s1, s0  }
0xbc: {  	s0 =	sadd.s32 $0x8F2B, s0  }
0xbd: {  	[sflag:s0] =	ssyncadd.remote.s32 $0x1  }
0xbe: {  	_ =	sfence.sel $0xFFFF  }
0xbf: {  	[dreg:$0x0] =	wrdreg $0xFFFFFFFF;
	(pc) =	sbr.abs _section_cstart, $3  }
0xc0: {  	[dreg:$0x1] =	wrdreg $0xFFFFFFFF  }
0xc1: {  	_ =	task.clear_ibuf [dreg:s6], $0x2FFFF;
	_ =	strace $0x9FFFFFFF  }
0xc2: {  	(tm) =	ssettm $0x7FFFFFFF  }
0xc3: {  	_ =	shalt  }
tec
execute0_lowered:
.L_overlay_start_1:
0x0: {  	(tag) =	ssettag $0x1  }
0x1: {  	s5 =	rddreg [dreg:$0x0]  }
0x2: {  	s1 =	rddreg [dreg:$0x1]  }
0x3: {  	s2 =	srdreg.scid;
	s0 =	rddreg [dreg:$0x2];
	s3 =	simm.s32 $0x0  }
0x4: {  	s18 =	simm.s32 $0x80;
	s19 =	simm.s32 $0x100;
	s20 =	simm.s32 $0x1  }
0x5: {  	s21 =	simm.s32 $0x4200;
	s22 =	simm.s32 $0x2;
	s6 =	sand.u32 $0x1, s2  }
0x6: {  	s23 =	simm.s32 $0x3;
	s2 =	stileid.u32;
	s7 =	smul.u32 $0x140000, s6  }
0x7: {  	s24 =	simm.s32 $0x180;
	s25 =	simm.s32 $0x0;
	s8 =	smul.u32 $0x14000, s2  }
0x8: {  	[smem:$0x7FF] =	sst s3;
	s15 =	sadd.s32 $0x16C00, s5;
	s9 =	smul.u32 $0x50000, s2  }
0x9: {  	s4 =	sadd.s32 $0x2AC00, s5;
	_ =	strace $0x8000004A;
	s14 =	smul.u32 $0x50000, s6  }
0xa: {  	s26 =	sshll.u32 s6, $0x4;
	s28 =	ssub.s32 $0x2, s6;
	s16 =	smul.u32 $0x5000, s2  }
0xb: {  	s29 =	sor.u32 s2, s26;
	s30 =	sshrl.u32 s28, $0x1;
	s7 =	sadd.s32 s8, s7  }
0xc: {  	s9 =	sshrl.u32 s9, $0x2;
	s13 =	ssub.s32 s28, s30;
	s14 =	sadd.s32 s16, s14  }
0xd: {  	s7 =	sshrl.u32 s7, $0x3;
	s16 =	sor.u32 $0x300, s14;
	s14 =	sor.u32 $0x200, s14  }
0xe: {  	s13 =	smax.u32 s13, $0x1;
	s12 =	sadd.s32 s7, s5;
	s7 =	smul.u32 $0x5000, s29  }
0xf: {  	s5 =	sadd.s32 s9, s1;
	s16 =	sshrl.u32 s16, $0x3;
	s17 =	sshrl.u32 s14, $0x3  }
0x10: {  	s6 =	sadd.s32 $0x4000, s5;
	s8 =	sadd.s32 $0xC000, s5;
	s10 =	sadd.s32 $0x10000, s5  }
0x11: {  	s12 =	sadd.s32 $0x52C00, s12;
	s14 =	sadd.s32 s16, s15;
	s31 =	sshrl.u32 s7, $0x3  }
0x12: {  	s16 =	simm.s32 $0x200;
	s7 =	sadd.s32 $0x8000, s5;
	s9 =	sadd.s32 s15, s31  }
0x13: {  	v0 =	vimm.f32 $0.0e+00;
	s15 =	sadd.s32 s17, s15;
	s17 =	simm.s32 $0x4;
	s11 =	sadd.s32 $0x20, s9  }
.LBB2_1:
0x14: {  	s26 =	simm.s32 $0x0;
	s28 =	simm.s32 $0x200  }
.LBB2_2:
0x15: {  	p0 =	sne.s32 s28, $0xFE00;
	[tilespmem:s26+$0x270] =	vst v0  }
0x16: {  	[tilespmem:s26+$0x200] =	vst v0  }
0x17: {  	[tilespmem:s26+$0x210] =	vst v0  }
.Ltmp0:
0x18: {  	[tilespmem:s26+$0x220] =	vst v0;
	(pc) =	sbr.rel @p0 .LBB2_2-.Ltmp0, $4  }
0x19: {  	[tilespmem:s26+$0x230] =	vst v0  }
0x1a: {  	[tilespmem:s26+$0x240] =	vst v0  }
0x1b: {  	[tilespmem:s26+$0x250] =	vst v0  }
0x1c: {  	[tilespmem:s26+$0x260] =	vst v0;
	s26 =	sshra.s32 s28, $0x2;
	s28 =	sadd.s32 $0x200, s28  }
0x1d: {  	[tilespmem:s26+$0x270] =	vst v0  }
0x1e: {  	[tilespmem:s26+$0x200] =	vst v0  }
0x1f: {  	[tilespmem:s26+$0x210] =	vst v0  }
0x20: {  	[tilespmem:s26+$0x220] =	vst v0  }
0x21: {  	[tilespmem:s26+$0x230] =	vst v0  }
0x22: {  	[tilespmem:s26+$0x240] =	vst v0  }
0x23: {  	[tilespmem:s26+$0x250] =	vst v0  }
0x24: {  	[tilespmem:s26+$0x260] =	vst v0  }
0x25: {  	[spmem:s5] =	stream.linear.scatter [tilespmem:s16], [sflag:$0x4], $0x4000, $0x38;
	[tilespmem:$0x1C200] =	vst v63  }
0x26: {  	_ =	swait.ge [sflag:s17], $0x4000  }
0x27: {  	[sflag:s17] =	ssyncset.done $0x0  }
0x28: {  	[sflag:s17] =	ssyncadd.s32 $0xFFFFC000  }
0x29: {  	[spmem:s6] =	stream.linear.scatter [tilespmem:s16], [sflag:$0x4], $0x4000, $0x38;
	[tilespmem:$0x1C200] =	vst v63  }
0x2a: {  	_ =	swait.ge [sflag:s17], $0x4000  }
0x2b: {  	[sflag:s17] =	ssyncset.done $0x0  }
0x2c: {  	[sflag:s17] =	ssyncadd.s32 $0xFFFFC000  }
0x2d: {  	[spmem:s7] =	stream.linear.scatter [tilespmem:s16], [sflag:$0x4], $0x4000, $0x38;
	[tilespmem:$0x1C200] =	vst v63  }
0x2e: {  	_ =	swait.ge [sflag:s17], $0x4000  }
0x2f: {  	[sflag:s17] =	ssyncset.done $0x0  }
0x30: {  	[sflag:s17] =	ssyncadd.s32 $0xFFFFC000  }
0x31: {  	[spmem:s8] =	stream.linear.scatter [tilespmem:s16], [sflag:$0x4], $0x4000, $0x38;
	[tilespmem:$0x1C200] =	vst v63  }
0x32: {  	_ =	swait.ge [sflag:s17], $0x4000  }
0x33: {  	[sflag:s17] =	ssyncset.done $0x0  }
0x34: {  	[sflag:s17] =	ssyncadd.s32 $0xFFFFC000  }
0x35: {  	[spmem:s10] =	stream.linear.scatter [tilespmem:s16], [sflag:$0x4], $0x4000, $0x38;
	[tilespmem:$0x1C200] =	vst v63  }
0x36: {  	_ =	swait.ge [sflag:s17], $0x4000  }
0x37: {  	[sflag:s17] =	ssyncset.done $0x0  }
0x38: {  	s30 =	simm.s32 $0x0;
	[sflag:s17] =	ssyncadd.s32 $0xFFFFC000  }
0x39: {  	[tilespmem:s30], [sflag:$0x4] =	stream.linear.gather [hbm4b:s9+s30], $0x100, $0x38;
	[tilespmem:$0x1C200] =	vst v63  }
0x3a: {  	_ =	swait.ge [sflag:s17], $0x100  }
0x3b: {  	[sflag:s17] =	ssyncset.done $0x0  }
0x3c: {  	[sflag:s17] =	ssyncadd.s32 $0xFFFFFF00  }
0x3d: {  	[bflag:$0x0] =	sbarrier.arrive $0xFFFF  }
0x3e: {  	[tilespmem:s16], [sflag:$0x2] =	stream.indirect.gather [hbm4b:s4+s18], $0x80, s30, s18, $0xb8;
	[tilespmem:$0x1C200] =	vst v63  }
0x3f: {  	_ = 	snop  }
0x40: {  	[tilespmem:s19], [sflag:$0x1] =	stream.linear.gather [hbm4b:s11+s30], $0x100, $0x38;
	[tilespmem:$0x1C200] =	vst v63  }
0x41: {  	_ =	swait.ge [sflag:s20], $0x100  }
0x42: {  	[sflag:s20] =	ssyncset.done $0x0  }
0x43: {  	[sflag:s20] =	ssyncadd.s32 $0xFFFFFF00  }
0x44: {  	[tilespmem:s21], [sflag:$0x3] =	stream.indirect.gather [hbm4b:s4+s18], $0x80, s19, s18, $0xb8;
	[tilespmem:$0x1C200] =	vst v63  }
0x45: {  	_ =	swait.ge [sflag:s22], $0x4000  }
0x46: {  	[sflag:s22] =	ssyncset.done $0x0  }
0x47: {  	[sflag:s22] =	ssyncadd.s32 $0xFFFFC000  }
0x48: {  	[spmem:s1] =	stream.indirect.scatter.add.f32 [tilespmem:s16], [sflag:$0x4], $0x80, s18, s18, $0xb8;
	[tilespmem:$0x1C200] =	vst v63  }
0x49: {  	_ =	swait.ge [sflag:s17], $0x4000  }
0x4a: {  	[sflag:s17] =	ssyncset.done $0x0  }
0x4b: {  	s31 =	sadd.s32 $0x0, s15;
	[sflag:s17] =	ssyncadd.s32 $0xFFFFC000  }
0x4c: {  	[tilespmem:s3], [sflag:$0x4] =	stream.linear.gather [hbm4b:s31+s3], $0x100, $0x38;
	[tilespmem:$0x1C200] =	vst v63  }
0x4d: {  	_ =	swait.ge [sflag:s17], $0x100  }
0x4e: {  	[sflag:s17] =	ssyncset.done $0x0  }
0x4f: {  	[sflag:s17] =	ssyncadd.s32 $0xFFFFFF00  }
0x50: {  	[tilespmem:s16], [sflag:$0x2] =	stream.indirect.gather [hbm4b:s4+s18], $0x80, s3, s18, $0xb8;
	[tilespmem:$0x1C200] =	vst v63  }
0x51: {  	_ =	swait.ge [sflag:s23], $0x4000  }
0x52: {  	[sflag:s23] =	ssyncset.done $0x0  }
0x53: {  	[sflag:s23] =	ssyncadd.s32 $0xFFFFC000  }
0x54: {  	[spmem:s1] =	stream.indirect.scatter.add.f32 [tilespmem:s21], [sflag:$0x4], $0x80, s24, s18, $0xb8;
	[tilespmem:$0x1C200] =	vst v63  }
0x55: {  	_ =	swait.ge [sflag:s17], $0x4000  }
0x56: {  	[sflag:s17] =	ssyncset.done $0x0  }
0x57: {  	s26 =	simm.s32 $0x40;
	s28 =	sadd.s32 $0x0, s14;
	[sflag:s17] =	ssyncadd.s32 $0xFFFFC000  }
.LBB2_4:
0x58: {  	[tilespmem:s19], [sflag:$0x1] =	stream.linear.gather [hbm4b:s28+s3], $0x100, $0x38;
	[tilespmem:$0x1C200] =	vst v63  }
0x59: {  	s28 =	smov.u32 s26  }
0x5a: {  	p0 =	sne.s32 s26, $0x980;
	s26 =	sadd.s32 $0x40, s26;
	_ =	swait.ge [sflag:s20], $0x100  }
0x5b: {  	[sflag:s20] =	ssyncset.done $0x0  }
0x5c: {  	[sflag:s20] =	ssyncadd.s32 $0xFFFFFF00  }
0x5d: {  	[tilespmem:s21], [sflag:$0x3] =	stream.indirect.gather [hbm4b:s4+s18], $0x80, s19, s18, $0xb8;
	[tilespmem:$0x1C200] =	vst v63  }
0x5e: {  	_ =	swait.ge [sflag:s22], $0x4000  }
0x5f: {  	[sflag:s22] =	ssyncset.done $0x0  }
0x60: {  	[sflag:s22] =	ssyncadd.s32 $0xFFFFC000  }
0x61: {  	[spmem:s1] =	stream.indirect.scatter.add.f32 [tilespmem:s16], [sflag:$0x4], $0x80, s18, s18, $0xb8;
	[tilespmem:$0x1C200] =	vst v63  }
0x62: {  	_ =	swait.ge [sflag:s17], $0x4000  }
0x63: {  	[sflag:s17] =	ssyncset.done $0x0  }
0x64: {  	s29 =	sadd.s32 s28, s15;
	[sflag:s17] =	ssyncadd.s32 $0xFFFFC000  }
0x65: {  	[tilespmem:s3], [sflag:$0x4] =	stream.linear.gather [hbm4b:s29+s3], $0x100, $0x38;
	[tilespmem:$0x1C200] =	vst v63  }
0x66: {  	_ =	swait.ge [sflag:s17], $0x100  }
0x67: {  	[sflag:s17] =	ssyncset.done $0x0  }
0x68: {  	[sflag:s17] =	ssyncadd.s32 $0xFFFFFF00  }
0x69: {  	[tilespmem:s16], [sflag:$0x2] =	stream.indirect.gather [hbm4b:s4+s18], $0x80, s3, s18, $0xb8;
	[tilespmem:$0x1C200] =	vst v63  }
0x6a: {  	_ =	swait.ge [sflag:s23], $0x4000  }
0x6b: {  	[sflag:s23] =	ssyncset.done $0x0  }
.Ltmp1:
0x6c: {  	[sflag:s23] =	ssyncadd.s32 $0xFFFFC000;
	(pc) =	sbr.rel @p0 .LBB2_4-.Ltmp1, $4  }
0x6d: {  	[spmem:s1] =	stream.indirect.scatter.add.f32 [tilespmem:s21], [sflag:$0x4], $0x80, s24, s18, $0xb8;
	[tilespmem:$0x1C200] =	vst v63  }
0x6e: {  	_ =	swait.ge [sflag:s17], $0x4000  }
0x6f: {  	[sflag:s17] =	ssyncset.done $0x0  }
0x70: {  	s28 =	sadd.s32 s28, s14;
	[sflag:s17] =	ssyncadd.s32 $0xFFFFC000  }
0x71: {  	[tilespmem:s19], [sflag:$0x1] =	stream.linear.gather [hbm4b:s28+s3], $0x100, $0x38;
	[tilespmem:$0x1C200] =	vst v63  }
0x72: {  	_ =	swait.ge [sflag:s20], $0x100  }
0x73: {  	[sflag:s20] =	ssyncset.done $0x0  }
0x74: {  	[sflag:s20] =	ssyncadd.s32 $0xFFFFFF00  }
0x75: {  	_ =	swait.ge [sflag:s22], $0x4000  }
0x76: {  	[sflag:s22] =	ssyncset.done $0x0  }
0x77: {  	[sflag:s22] =	ssyncadd.s32 $0xFFFFC000  }
0x78: {  	[spmem:s1] =	stream.indirect.scatter.add.f32 [tilespmem:s16], [sflag:$0x4], $0x80, s18, s18, $0xb8;
	[tilespmem:$0x1C200] =	vst v63  }
0x79: {  	_ =	swait.ge [sflag:s17], $0x4000  }
0x7a: {  	s26 =	sshll.u32 s2, $0x6;
	s25 =	sadd.s32 $0x1, s25;
	[sflag:s17] =	ssyncset.done $0x0  }
0x7b: {  	s31 =	sshrl.u32 s5, $0x3;
	p0 =	sne.s32 s25, s13;
	[sflag:s17] =	ssyncadd.s32 $0xFFFFC000  }
.Ltmp2:
0x7c: {  	s26 =	sor.u32 $0x1C04, s26;
	[bflag:$0x0] =	sbarrier.arrive $0xFFFF;
	(pc) =	sbr.rel @p0 .LBB2_1-.Ltmp2, $4  }
0x7d: {  	[hbm:s12], [sflag:s26] =	dma.local [spmem:s31], $0x2800  }
0x7e: {  	_ =	swait.ge [sflag:s17], $0x2800  }
0x7f: {  	[sflag:s17] =	ssyncset.done $0x0  }
0x80: {  	[sflag:s17] =	ssyncadd.s32 $0xFFFFD800  }
0x81: {  	_ =	sfence.sel $0x180000  }
0x82: {  	[bflag:$0x0] =	sbarrier.arrive $0xFFFF  }
0x83: {  	p0 =	sne.s32 s2, $0x0;
	_ =	strace $0x9000004A  }
0x84: {  	s0 =	sadd.s32 @!p0 $0x100000, s0;
	[bflag:$0x2] =	sbarrier.arrive $0xFFFF  }
0x85: {  	[sflag:s0] =	ssyncadd.tile.s32 @!p0 $0x1;
	_ =	shalt  }
.Lfunc_end2:
_tile_overlayer_lowered:
.L_overlay_start_2:
0x86: {  	(tag) =	ssettag $0x2  }
0x87: {  	s0 =	rddreg [dreg:$0x0];
	s2 =	stileid.u32  }
0x88: {  	s1 =	rddreg [dreg:$0x1];
	p0 =	sne.s32 s2, $0x0  }
0x89: {  	s3 =	rddreg [dreg:$0x2];
	[bflag:$0x3] =	sbarrier.arrive $0xFFFF;
	s2 =	simm.s32 @!p0 $0x1C04  }
0x8a: {  	[timem:s3], [sflag:s2] =	dma.local @!p0 [hbm:s0], s1  }
0x8b: {  	s0 =	simm.s32 @!p0 $0x4  }
0x8c: {  	_ =	swait.ge @!p0 [sflag:s0], s1  }
0x8d: {  	s1 =	ssub.s32 @!p0 $0x0, s1;
	[sflag:s0] =	ssyncset.done @!p0 $0x0  }
0x8e: {  	[sflag:s0] =	ssyncadd.s32 @!p0 s1  }
0x8f: {  	[bflag:$0x3] =	sbarrier.arrive $0xFFFF  }
0x90: {  	_ =	shalt  }

// kernel: kernel.14.cloned.1.call-start
scs
__scs_entry_jumppad:
0x0: {  	(pc) =	sbr.rel $0x88, $3  }
0x1: {  	(tag) =	ssettag $0x0;
	lr =	simm.s32 $0x1  }
0x2: {  	[smem:$0x3F9A] =	sst lr;
	_ =	strace $0xD0000000  }
0x3: {  	_ = 	snop  }
0x4: {  	_ = 	snop  }
0x5: {  	_ = 	snop  }
0x6: {  	_ = 	snop  }
0x7: {  	_ = 	snop  }
__scs_overlays_trampoline_lowered:
0x8: {  	[smem:$0x3FA9] =	sst s0  }
0x9: {  	[smem:$0x3FAA] =	sst s1  }
0xa: {  	[smem:$0x3FAB] =	sst s2  }
0xb: {  	[smem:$0x3FAC] =	sst s3  }
0xc: {  	[smem:$0x3FAD] =	sst s4  }
0xd: {  	[smem:$0x3FAE] =	sst s5  }
0xe: {  	[smem:$0x3FAF] =	sst s6  }
0xf: {  	[smem:$0x3FB0] =	sst s7  }
0x10: {  	[smem:$0x3FB1] =	sst s8  }
0x11: {  	[smem:$0x3FB2] =	sst s9;
	s0 =	simm.s32 @!p0 $0x0  }
0x12: {  	s1 =	sld [smem:$0x3F98];
	s0 =	simm.s32 @p0 $0x1  }
0x13: {  	[smem:$0x3FB3] =	sst s0;
	s0 =	simm.s32 @!p1 $0x0  }
0x14: {  	s2 =	sld [smem:$0x3F97];
	s0 =	simm.s32 @p1 $0x1  }
0x15: {  	[smem:$0x3FB4] =	sst s0;
	s0 =	simm.s32 @!p2 $0x0  }
0x16: {  	s3 =	sld [smem:$0x3FDB];
	s0 =	simm.s32 @p2 $0x1  }
0x17: {  	s4 =	simm.s32 $0x1BF5;
	[smem:$0x3FB6] =	sst s0  }
0x18: {  	s0 =	sld [smem:$0x3F99];
	_ =	swait.ge [sflag:s4], $0x0  }
0x19: {  	s7 =	sld [smem:$0x3F9A]  }
0x1a: {  	s8 =	sadd.s32 $0xFFFFE003, lr  }
0x1b: {  	s9 =	sadd.s32 $0xFFFFFEF7, lr;
	s5 =	simm.s32 $0xFFFFFFFF;
	p2 =	slt.u32 s8, $0xFFFFF086  }
0x1c: {  	p1 =	slt.u32 s9, $0xF7A;
	s5 =	simm.s32 @!p2 $0x0  }
0x1d: {  	s5 =	simm.s32 @p1 $0x1;
	p0 =	seq.s32 s7, s2  }
0x1e: {  	s7 =	smul.u32 @!p0 $0xF7A, s2;
	p2 =	seq.s32 @!p0 s5, $0x0  }
0x1f: {  	s9 =	smul.u32 $0xF7A, s1;
	s8 =	simm.s32 @!p0 $0x1BF5;
	p2 =	por !p2, p0  }
0x20: {  	[sflag:s8] =	ssyncset.s32 @!p0 $0xFFFFF086;
	s6 =	sadd.s32 @!p0 s3, s7;
	s7 =	simm.s32 @!p0 $0x108  }
0x21: {  	s3 =	sadd.s32 s3, s9;
	s6 =	sadd.s32 @!p0 $0x88, s6;
	s7 =	simm.s32 @p2 $0x1082  }
0x22: {  	[simem:s7], [sflag:s8] =	dma.local @!p0 [hbm:s6], $0xF7A  }
0x23: {  	s9 =	sor.u32 $0xD0000000, s2;
	s6 =	simm.s32 $0x108;
	_ =	swait.ge @!p0 [sflag:s8], $0x0  }
0x24: {  	s3 =	sadd.s32 $0x88, s3;
	s6 =	simm.s32 @!p1 $0x1082;
	[sflag:s4] =	ssyncset.s32 $0xFFFFF086  }
0x25: {  	[simem:s6], [sflag:s4] =	dma.local [hbm:s3], $0xF7A  }
0x26: {  	[smem:$0x3F9A] =	sst s1;
	(tag) =	ssettag s2;
	_ =	strace s9  }
0x27: {  	s1 =	sld [smem:$0x3FAA]  }
0x28: {  	s2 =	sld [smem:$0x3FAB]  }
0x29: {  	s4 =	sld [smem:$0x3FAD]  }
0x2a: {  	p0 =	seq.s32 s5, $0x0;
	s5 =	sld [smem:$0x3FAE]  }
0x2b: {  	s6 =	sld [smem:$0x3FAF]  }
0x2c: {  	s7 =	sld [smem:$0x3FB0]  }
0x2d: {  	s3 =	simm.s32 $0x108;
	s8 =	sld [smem:$0x3FB1]  }
0x2e: {  	s3 =	simm.s32 @!p0 $0x1082;
	s9 =	sld [smem:$0x3FB2]  }
0x2f: {  	lr =	sadd.s32 s0, s3;
	s0 =	sld [smem:$0x3FA9]  }
0x30: {  	s3 =	sld [smem:$0x3FAC]  }
0x31: {  	[smem:$0x3FB5] =	sst s10  }
0x32: {  	s10 =	sld [smem:$0x3FB3];
	_ =	sdelay $0x3  }
0x33: {  	p0 =	seq.s32 s10, $0x1;
	s10 =	sld [smem:$0x3FB5];
	_ =	sdelay $0x3  }
0x34: {  	[smem:$0x3FB5] =	sst s10  }
0x35: {  	s10 =	sld [smem:$0x3FB4];
	_ =	sdelay $0x3  }
0x36: {  	p1 =	seq.s32 s10, $0x1;
	s10 =	sld [smem:$0x3FB5];
	_ =	sdelay $0x3  }
0x37: {  	[smem:$0x3FB5] =	sst s10  }
0x38: {  	s10 =	sld [smem:$0x3FB6]  }
0x39: {  	_ = 	snop;
	(pc) =	sbr.ind lr, $3  }
0x3a: {  	_ = 	snop  }
0x3b: {  	_ = 	snop  }
0x3c: {  	p2 =	seq.s32 s10, $0x1;
	s10 =	sld [smem:$0x3FB5]  }
0x3d: {  	_ =	shalt  }
0x3e: {  	_ =	shalt  }
0x3f: {  	_ =	shalt  }
0x40: {  	_ =	shalt  }
0x41: {  	_ =	shalt  }
0x42: {  	_ =	shalt  }
0x43: {  	_ =	shalt  }
0x44: {  	_ =	shalt  }
0x45: {  	_ =	shalt  }
0x46: {  	_ =	shalt  }
0x47: {  	_ =	shalt  }
0x48: {  	_ =	shalt  }
0x49: {  	_ =	shalt  }
0x4a: {  	_ =	shalt  }
0x4b: {  	_ =	shalt  }
0x4c: {  	_ =	shalt  }
0x4d: {  	_ =	shalt  }
0x4e: {  	_ =	shalt  }
0x4f: {  	_ =	shalt  }
0x50: {  	_ =	shalt  }
0x51: {  	_ =	shalt  }
0x52: {  	_ =	shalt  }
0x53: {  	_ =	shalt  }
0x54: {  	_ =	shalt  }
0x55: {  	_ =	shalt  }
0x56: {  	_ =	shalt  }
0x57: {  	_ =	shalt  }
0x58: {  	_ =	shalt  }
0x59: {  	_ =	shalt  }
0x5a: {  	_ =	shalt  }
0x5b: {  	_ =	shalt  }
0x5c: {  	_ =	shalt  }
0x5d: {  	_ =	shalt  }
0x5e: {  	_ =	shalt  }
0x5f: {  	_ =	shalt  }
0x60: {  	_ =	shalt  }
0x61: {  	_ =	shalt  }
0x62: {  	_ =	shalt  }
0x63: {  	_ =	shalt  }
0x64: {  	_ =	shalt  }
0x65: {  	_ =	shalt  }
0x66: {  	_ =	shalt  }
0x67: {  	_ =	shalt  }
0x68: {  	_ =	shalt  }
0x69: {  	_ =	shalt  }
0x6a: {  	_ =	shalt  }
0x6b: {  	_ =	shalt  }
0x6c: {  	_ =	shalt  }
0x6d: {  	_ =	shalt  }
0x6e: {  	_ =	shalt  }
0x6f: {  	_ =	shalt  }
0x70: {  	_ =	shalt  }
0x71: {  	_ =	shalt  }
0x72: {  	_ =	shalt  }
0x73: {  	_ =	shalt  }
0x74: {  	_ =	shalt  }
0x75: {  	_ =	shalt  }
0x76: {  	_ =	shalt  }
0x77: {  	_ =	shalt  }
0x78: {  	_ =	shalt  }
0x79: {  	_ =	shalt  }
0x7a: {  	_ =	shalt  }
0x7b: {  	_ =	shalt  }
0x7c: {  	_ =	shalt  }
0x7d: {  	_ =	shalt  }
0x7e: {  	_ =	shalt  }
0x7f: {  	_ =	shalt  }
0x80: {  	_ =	shalt  }
0x81: {  	_ =	shalt  }
0x82: {  	_ =	shalt  }
0x83: {  	_ =	shalt  }
0x84: {  	_ =	shalt  }
0x85: {  	_ =	shalt  }
0x86: {  	_ =	shalt  }
0x87: {  	_ =	shalt  }
.Lfunc_end0:
.L_simem_size_0:
called_computation.2_lowered:
.L_overlay_start_0:
0x88: {  	s2 =	sld [smem:$0x3FD9]  }
0x89: {  	s3 =	sld [smem:$0x3FFE];
	_ =	sdelay $0x1  }
0x8a: {  	s1 =	srdreg.scid  }
0x8b: {  	s0 =	sand.u32 $0x1, s1  }
0x8c: {  	s16 =	sshll.u32 s0, $0xA;
	s2 =	sadd.s32 s3, s2  }
0x8d: {  	s2 =	sadd.s32 s2, s16  }
0x8e: {  	[smem:$0x3FC1] =	sst s2  }
0x8f: {  	_ = 	snop  }
0x90: {  	(tm) =	ssettm $0x1  }
0x91: {  	s17 =	sld [smem:$0x3FFB];
	_ =	sdelay $0x3  }
0x92: {  	_ =	strace s17  }
0x93: {  	s2 =	sld [smem:$0x3FFC];
	_ =	sdelay $0x3  }
0x94: {  	_ =	strace s2  }
0x95: {  	s2 =	sld [smem:$0x3FFD];
	_ =	sdelay $0x3  }
0x96: {  	_ =	strace s2  }
0x97: {  	_ =	strace $0x8FFFFFFF  }
0x98: {  	s18 =	sld [smem:$0x3FDB];
	_ =	sdelay $0x1  }
0x99: {  	s19 =	simm.s32 $_scs_section_size  }
0x9a: {  	s4 =	simm.s32 $_size__tile_overlayer_lowered;
	s5 =	simm.s32 $_tile_overlayer_lowered  }
0x9b: {  	s22 =	simm.s32 $0x1BFF;
	s21 =	sshll.u32 s5, $0x1;
	s2 =	sadd.s32 s19, s18  }
0x9c: {  	s6 =	simm.s32 $0x0;
	s20 =	sshll.u32 s4, $0x1;
	s4 =	sadd.s32 s21, s2  }
0x9d: {  	[timem:s6], [sflag:s22] =	dma.local [hbm:s4], s20  }
0x9e: {  	_ =	swait.ge [sflag:s22], s20  }
0x9f: {  	s3 =	ssub.s32 $0x0, s20;
	[sflag:s22] =	ssyncset.done $0x0  }
0xa0: {  	[sflag:s22] =	ssyncadd.s32 s3;
	_ =	sdelay $0x1  }
0xa1: {  	s23 =	simm.s32 $0x1B8B  }
0xa2: {  	_ =	swait.ge [sflag:s23], $0x1  }
0xa3: {  	[sflag:s23] =	ssyncset.done $0x0  }
0xa4: {  	s25 =	simm.s32 $0x1B8E;
	s24 =	sld [smem:$0x3FFE];
	[sflag:s23] =	ssyncadd.s32 $0xFFFFFFFF  }
0xa5: {  	s26 =	simm.s32 $execute0_lowered;
	[smem:$0x3FD2] =	sst s25  }
0xa6: {  	s4 =	sshll.u32 s26, $0x1;
	_ =	strace $0x8000004C;
	[dreg:$0x1] =	wrdreg $0xFFFFFFFF  }
0xa7: {  	s28 =	simm.s32 $_size_execute0_lowered;
	s2 =	sadd.s32 s2, s4;
	[dreg:$0x0] =	wrdreg $0x0  }
0xa8: {  	s4 =	sshll.u32 s28, $0x1;
	[dreg:$0x2] =	wrdreg s2  }
0xa9: {  	[dreg:$0x3] =	wrdreg s4  }
0xaa: {  	[dreg:$0x4] =	wrdreg $0xC0  }
0xab: {  	_ =	task [dreg:s6], $0x5FFFF  }
0xac: {  	[dreg:$0x1] =	wrdreg $0xFFFFFFFF  }
0xad: {  	[dreg:$0x0] =	wrdreg $0x60  }
0xae: {  	[dreg:$0x2] =	wrdreg s24  }
0xaf: {  	[dreg:$0x3] =	wrdreg $0x90000  }
0xb0: {  	[dreg:$0x4] =	wrdreg $0x9  }
0xb1: {  	_ =	task.clear_ibuf [dreg:s6], $0x5FFFF;
	_ =	strace $0x9000004C  }
0xb2: {  	s29 =	simm.s32 $0x9;
	_ =	strace $0x8000004E  }
0xb3: {  	_ =	swait.ge [sflag:s29], $0x1  }
0xb4: {  	[sflag:s29] =	ssyncadd.s32 $0xFFFFFFFF  }
0xb5: {  	_ =	strace $0x9000004E  }
0xb6: {  	_ =	sfence  }
0xb7: {  	s30 =	sld [smem:$0x0];
	_ =	sdelay $0x2  }
0xb8: {  	s31 =	sshll.u32 s1, $0xD;
	s1 =	sshrl.u32 s1, $0x2  }
0xb9: {  	s3 =	sand.u32 $0x4000, s31;
	s1 =	sadd.s32 s1, s30  }
0xba: {  	s0 =	sor.u32 s3, s0;
	s1 =	sshll.u32 s1, $0x11  }
0xbb: {  	s0 =	sor.u32 s1, s0  }
0xbc: {  	s0 =	sadd.s32 $0x8F2B, s0  }
0xbd: {  	[sflag:s0] =	ssyncadd.remote.s32 $0x1  }
0xbe: {  	_ =	sfence.sel $0xFFFF  }
0xbf: {  	[dreg:$0x0] =	wrdreg $0xFFFFFFFF;
	(pc) =	sbr.abs _section_cstart, $3  }
0xc0: {  	[dreg:$0x1] =	wrdreg $0xFFFFFFFF  }
0xc1: {  	_ =	task.clear_ibuf [dreg:s6], $0x2FFFF;
	_ =	strace $0x9FFFFFFF  }
0xc2: {  	(tm) =	ssettm $0x7FFFFFFF  }
0xc3: {  	_ =	shalt  }
tec
execute0_lowered:
.L_overlay_start_1:
0x0: {  	(tag) =	ssettag $0x1  }
0x1: {  	s0 =	srdreg.scid;
	s5 =	rddreg [dreg:$0x0]  }
0x2: {  	s8 =	stileid.u32;
	s2 =	rddreg [dreg:$0x1];
	s3 =	simm.s32 $0x0  }
0x3: {  	s13 =	simm.s32 $0x5000;
	s14 =	simm.s32 $0x11;
	s15 =	simm.s32 $0x80  }
0x4: {  	s17 =	simm.s32 $0x5800;
	s19 =	simm.s32 $0x6000;
	s21 =	simm.s32 $0x6800  }
0x5: {  	s28 =	simm.s32 $0x7;
	s29 =	simm.s32 $0x8800;
	s30 =	simm.s32 $0x5  }
0x6: {  	s31 =	simm.s32 $0x9;
	s16 =	simm.s32 $0xD;
	s18 =	simm.s32 $0xE  }
0x7: {  	s0 =	sand.u32 $0x1, s0;
	s6 =	smul.u32 $0x2800, s8;
	[smem:$0x7FF] =	sst s3  }
0x8: {  	s1 =	sshll.u32 s0, $0x4;
	s4 =	smul.u32 $0x28000, s0;
	_ =	strace $0x8000004D  }
0x9: {  	s0 =	ssub.s32 $0x2, s0;
	s1 =	sor.u32 s8, s1;
	s8 =	smul.u32 $0xA000, s8  }
0xa: {  	s22 =	sshrl.u32 s0, $0x1;
	s1 =	smul.u32 $0xA00, s1;
	s7 =	sadd.s32 s6, s4  }
0xb: {  	s4 =	sadd.s32 $0x2200, s5;
	s0 =	ssub.s32 s0, s22;
	s8 =	sshrl.u32 s8, $0x2  }
0xc: {  	s7 =	sshrl.u32 s7, $0x3;
	s0 =	smax.u32 s0, $0x1;
	s23 =	sadd.s32 s8, s2  }
0xd: {  	s1 =	sadd.s32 s1, s5;
	[dreg:$0x9] =	wrdreg s0;
	s8 =	sadd.s32 $0x800, s23  }
0xe: {  	s7 =	sadd.s32 s7, s5;
	s24 =	sadd.s32 $0x1000, s23;
	[dreg:$0x3] =	wrdreg s8  }
0xf: {  	s5 =	sadd.s32 s6, s2;
	s25 =	sadd.s32 $0x1800, s23;
	[dreg:$0x4] =	wrdreg s24  }
.Ltmp0:
0x10: {  	s6 =	sadd.s32 $0x2000, s23;
	[dreg:$0x5] =	wrdreg s25;
	(pc) =	sbr.rel .LBB2_1-.Ltmp0, $4  }
0x11: {  	s20 =	simm.s32 $0xF;
	s1 =	sadd.s32 $0x16C00, s1;
	[dreg:$0x6] =	wrdreg s6  }
0x12: {  	s22 =	simm.s32 $0x1;
	s26 =	sadd.s32 $0x7200, s7;
	[dreg:$0x7] =	wrdreg s1  }
0x13: {  	s23 =	simm.s32 $0x7000;
	[dreg:$0x8] =	wrdreg s26;
	s24 =	simm.s32 $0x2  }
0x14: {  	v0 =	vimm.f32 $0.0e+00;
	s25 =	simm.s32 $0x8000;
	s26 =	simm.s32 $0x4;
	s1 =	simm.s32 $0xB  }
.LBB2_8:
0x15: {  	s0 =	simm.s32 $0xC  }
0x16: {  	_ =	swait.ge [sflag:s0], $0x800  }
0x17: {  	[sflag:s0] =	ssyncset.done $0x0  }
0x18: {  	[sflag:s0] =	ssyncadd.s32 $0xFFFFF800  }
0x19: {  	_ =	swait.ge [sflag:s16], $0x800  }
0x1a: {  	[sflag:s16] =	ssyncset.done $0x0  }
0x1b: {  	[sflag:s16] =	ssyncadd.s32 $0xFFFFF800  }
0x1c: {  	_ =	swait.ge [sflag:s18], $0x800  }
0x1d: {  	[sflag:s18] =	ssyncset.done $0x0  }
0x1e: {  	[sflag:s18] =	ssyncadd.s32 $0xFFFFF800  }
0x1f: {  	_ =	swait.ge [sflag:s20], $0x800  }
0x20: {  	[sflag:s20] =	ssyncset.done $0x0  }
0x21: {  	s11 =	stileid.u32;
	[sflag:s20] =	ssyncadd.s32 $0xFFFFF800  }
0x22: {  	s0 =	sshll.u32 s11, $0x6;
	[bflag:$0x0] =	sbarrier.arrive $0xFFFF  }
0x23: {  	s6 =	sshrl.u32 s5, $0x3;
	s0 =	sor.u32 $0x1C11, s0;
	s7 =	rddreg [dreg:$0x8]  }
0x24: {  	[hbm:s7], [sflag:s0] =	dma.local [spmem:s6], $0x500  }
0x25: {  	_ =	swait.ge [sflag:s14], $0x500  }
0x26: {  	s3 =	sadd.s32 $0x1, s3;
	s12 =	rddreg [dreg:$0x9]  }
0x27: {  	p0 =	sne.s32 s3, s12  }
.Ltmp1:
0x28: {  	_ = 	snop;
	(pc) =	sbr.rel @!p0 .LBB2_9-.Ltmp1, $3  }
0x29: {  	_ =	sdelay $0x1  }
0x2a: {  	[sflag:s14] =	ssyncset.done $0x0  }
0x2b: {  	[sflag:s14] =	ssyncadd.s32 $0xFFFFFB00  }
.LBB2_1:
0x2c: {  	s6 =	simm.s32 $0x40;
	s7 =	simm.s32 $0x0  }
.LBB2_2:
0x2d: {  	p0 =	sne.s32 s6, $0x1FC0;
	[tilespmem:s7+$0x5000] =	vst v0;
	s7 =	smov.u32 s6;
	s6 =	sadd.s32 $0x40, s6  }
.Ltmp2:
0x2e: {  	(pc) =	sbr.rel @p0 .LBB2_2-.Ltmp2, $2  }
0x2f: {  	_ =	sdelay $0x2  }
0x30: {  	s7 =	sshra.s32 s7, $0x2  }
0x31: {  	[tilespmem:s7+$0x5000] =	vst v0  }
0x32: {  	[spmem:s5] =	stream.linear.scatter [tilespmem:s13], [sflag:$0x11], $0x800, $0x38;
	[tilespmem:$0xB800] =	vst v63  }
0x33: {  	_ =	swait.ge [sflag:s14], $0x800  }
0x34: {  	[sflag:s14] =	ssyncset.done $0x0  }
0x35: {  	s0 =	rddreg [dreg:$0x3];
	[sflag:s14] =	ssyncadd.s32 $0xFFFFF800  }
0x36: {  	[spmem:s0] =	stream.linear.scatter [tilespmem:s13], [sflag:$0x11], $0x800, $0x38;
	[tilespmem:$0xB800] =	vst v63  }
0x37: {  	_ =	swait.ge [sflag:s14], $0x800  }
0x38: {  	[sflag:s14] =	ssyncset.done $0x0  }
0x39: {  	s6 =	rddreg [dreg:$0x4];
	[sflag:s14] =	ssyncadd.s32 $0xFFFFF800  }
0x3a: {  	[spmem:s6] =	stream.linear.scatter [tilespmem:s13], [sflag:$0x11], $0x800, $0x38;
	[tilespmem:$0xB800] =	vst v63  }
0x3b: {  	_ =	swait.ge [sflag:s14], $0x800  }
0x3c: {  	[sflag:s14] =	ssyncset.done $0x0  }
0x3d: {  	s7 =	rddreg [dreg:$0x5];
	[sflag:s14] =	ssyncadd.s32 $0xFFFFF800  }
0x3e: {  	[spmem:s7] =	stream.linear.scatter [tilespmem:s13], [sflag:$0x11], $0x800, $0x38;
	[tilespmem:$0xB800] =	vst v63  }
0x3f: {  	_ =	swait.ge [sflag:s14], $0x800  }
0x40: {  	[sflag:s14] =	ssyncset.done $0x0  }
0x41: {  	s8 =	rddreg [dreg:$0x6];
	[sflag:s14] =	ssyncadd.s32 $0xFFFFF800  }
0x42: {  	[spmem:s8] =	stream.linear.scatter [tilespmem:s13], [sflag:$0x11], $0x800, $0x38;
	[tilespmem:$0xB800] =	vst v63  }
0x43: {  	_ =	swait.ge [sflag:s14], $0x800  }
0x44: {  	[sflag:s14] =	ssyncset.done $0x0  }
0x45: {  	s6 =	simm.s32 $0x0;
	s9 =	rddreg [dreg:$0x7];
	[sflag:s14] =	ssyncadd.s32 $0xFFFFF800  }
0x46: {  	[tilespmem:s6], [sflag:$0x11] =	stream.linear.gather [hbm4b:s9+s6], $0x5000, $0x38;
	[tilespmem:$0xB800] =	vst v63  }
0x47: {  	_ =	swait.ge [sflag:s14], $0x5000  }
0x48: {  	[sflag:s14] =	ssyncset.done $0x0  }
0x49: {  	[sflag:s14] =	ssyncadd.s32 $0xFFFFB000  }
0x4a: {  	[bflag:$0x0] =	sbarrier.arrive $0xFFFF  }
0x4b: {  	[tilespmem:s13], [sflag:$0x1] =	stream.indirect.gather [hbm4b:s4+s15], $0x10, s6, s15, $0xb8;
	[tilespmem:$0xB800] =	vst v63  }
0x4c: {  	s10 =	simm.s32 $0x100  }
0x4d: {  	[tilespmem:s17], [sflag:$0x2] =	stream.indirect.gather [hbm4b:s4+s15], $0x10, s10, s15, $0xb8;
	[tilespmem:$0xB800] =	vst v63  }
0x4e: {  	s11 =	simm.s32 $0x200  }
0x4f: {  	[tilespmem:s19], [sflag:$0x3] =	stream.indirect.gather [hbm4b:s4+s15], $0x10, s11, s15, $0xb8;
	[tilespmem:$0xB800] =	vst v63  }
0x50: {  	s12 =	simm.s32 $0x300;
	s7 =	simm.s32 $0x7  }
0x51: {  	[tilespmem:s21], [sflag:$0x4] =	stream.indirect.gather [hbm4b:s4+s15], $0x10, s12, s15, $0xb8;
	[tilespmem:$0xB800] =	vst v63  }
.LBB2_4:
0x52: {  	_ =	swait.ge [sflag:s22], $0x800  }
0x53: {  	s8 =	sshra.s32 s6, $0x2;
	[sflag:s22] =	ssyncset.done $0x0  }
0x54: {  	p0 =	seq.s32 s6, $0x0;
	s9 =	sadd.s32 $0x80, s8;
	[sflag:s22] =	ssyncadd.s32 $0xFFFFF800  }
0x55: {  	[spmem:s2] =	stream.indirect.scatter.add.f32 [tilespmem:s13], [sflag:$0x9], $0x10, s9, s15, $0xb8;
	[tilespmem:$0xB800] =	vst v63  }
0x56: {  	s9 =	simm.s32 @!p0 $0xD  }
0x57: {  	s10 =	sadd.s32 @!p0 $0x1000, s6;
	_ =	swait.ge @!p0 [sflag:s9], $0x800  }
0x58: {  	s10 =	simm.s32 @p0 $0x1000;
	[sflag:s9] =	ssyncset.done @!p0 $0x0  }
0x59: {  	[sflag:s9] =	ssyncadd.s32 @!p0 $0xFFFFF800;
	s9 =	sshra.s32 s10, $0x2  }
0x5a: {  	[tilespmem:s23], [sflag:$0x5] =	stream.indirect.gather [hbm4b:s4+s15], $0x10, s9, s15, $0xb8;
	[tilespmem:$0xB800] =	vst v63  }
0x5b: {  	_ =	swait.ge [sflag:s24], $0x800  }
0x5c: {  	[sflag:s24] =	ssyncset.done $0x0  }
0x5d: {  	s0 =	sadd.s32 $0x180, s8;
	[sflag:s24] =	ssyncadd.s32 $0xFFFFF800  }
0x5e: {  	[spmem:s2] =	stream.indirect.scatter.add.f32 [tilespmem:s17], [sflag:$0xA], $0x10, s0, s15, $0xb8;
	[tilespmem:$0xB800] =	vst v63  }
0x5f: {  	s11 =	simm.s32 @p0 $0x500;
	s12 =	simm.s32 @p0 $0x7800;
	s10 =	simm.s32 @p0 $0x80  }
0x60: {  	[tilespmem:s12], [sflag:$0x6] =	stream.indirect.gather @p0 [hbm4b:s4+s10], $0x10, s11, s10, $0xb8;
	[tilespmem:$0xB800] =	vst v63  }
0x61: {  	s11 =	simm.s32 @p0 $0x3  }
0x62: {  	_ =	swait.ge @p0 [sflag:s11], $0x800  }
0x63: {  	[sflag:s11] =	ssyncset.done @p0 $0x0  }
0x64: {  	s12 =	simm.s32 @p0 $0x6000;
	[sflag:s11] =	ssyncadd.s32 @p0 $0xFFFFF800;
	s11 =	simm.s32 @p0 $0x280  }
0x65: {  	[spmem:s2] =	stream.indirect.scatter.add.f32 @p0 [tilespmem:s12], [sflag:$0xB], $0x10, s11, s10, $0xb8;
	[tilespmem:$0xB800] =	vst v63  }
0x66: {  	s10 =	simm.s32 @!p0 $0xE  }
0x67: {  	_ =	swait.ge @!p0 [sflag:s10], $0x800  }
0x68: {  	[sflag:s10] =	ssyncset.done @!p0 $0x0  }
0x69: {  	[sflag:s10] =	ssyncadd.s32 @!p0 $0xFFFFF800;
	s10 =	sshra.s32 @!p0 s6, $0x2  }
0x6a: {  	s0 =	simm.s32 @!p0 $0x7800;
	s12 =	simm.s32 @!p0 $0x80;
	s11 =	sadd.s32 @!p0 $0x500, s10  }
0x6b: {  	[tilespmem:s0], [sflag:$0x6] =	stream.indirect.gather @!p0 [hbm4b:s4+s12], $0x10, s11, s12, $0xb8;
	[tilespmem:$0xB800] =	vst v63  }
0x6c: {  	s0 =	simm.s32 @!p0 $0x3  }
0x6d: {  	_ =	swait.ge @!p0 [sflag:s0], $0x800  }
0x6e: {  	[sflag:s0] =	ssyncset.done @!p0 $0x0  }
0x6f: {  	[sflag:s0] =	ssyncadd.s32 @!p0 $0xFFFFF800;
	s0 =	sadd.s32 @!p0 $0x280, s10;
	s10 =	simm.s32 @!p0 $0x6000  }
0x70: {  	[spmem:s2] =	stream.indirect.scatter.add.f32 @!p0 [tilespmem:s10], [sflag:$0xB], $0x10, s0, s12, $0xb8;
	[tilespmem:$0xB800] =	vst v63  }
0x71: {  	s0 =	simm.s32 @!p0 $0xF  }
0x72: {  	s10 =	sadd.s32 @!p0 $0x1800, s6;
	_ =	swait.ge @!p0 [sflag:s0], $0x800  }
0x73: {  	s10 =	simm.s32 @p0 $0x1800;
	[sflag:s0] =	ssyncset.done @!p0 $0x0  }
0x74: {  	s11 =	sshra.s32 s10, $0x2;
	[sflag:s0] =	ssyncadd.s32 @!p0 $0xFFFFF800  }
0x75: {  	[tilespmem:s25], [sflag:$0x7] =	stream.indirect.gather [hbm4b:s4+s15], $0x10, s11, s15, $0xb8;
	[tilespmem:$0xB800] =	vst v63  }
0x76: {  	p1 =	sgt.u32 @!p0 s7, $0x4E;
	_ =	swait.ge [sflag:s26], $0x800  }
0x77: {  	p1 =	por p0, !p1;
	s12 =	sadd.s32 $0x380, s8;
	[sflag:s26] =	ssyncset.done $0x0  }
.Ltmp3:
0x78: {  	s0 =	simm.s32 @!p0 $0x10;
	[sflag:s26] =	ssyncadd.s32 $0xFFFFF800;
	(pc) =	sbr.rel @!p1 .LBB2_6-.Ltmp3, $4  }
0x79: {  	[spmem:s2] =	stream.indirect.scatter.add.f32 [tilespmem:s21], [sflag:$0xC], $0x10, s12, s15, $0xb8;
	[tilespmem:$0xB800] =	vst v63  }
0x7a: {  	_ =	swait.ge @!p0 [sflag:s0], $0x800  }
0x7b: {  	[sflag:s0] =	ssyncset.done @!p0 $0x0  }
0x7c: {  	[sflag:s0] =	ssyncadd.s32 @!p0 $0xFFFFF800  }
0x7d: {  	s0 =	smov.u32 s7  }
0x7e: {  	s0 =	simm.s32 @p0 $0x7  }
0x7f: {  	s0 =	sshll.u32 s0, $0x8  }
0x80: {  	s0 =	sand.u32 $0x3FFFFF00, s0  }
0x81: {  	[tilespmem:s29], [sflag:$0x8] =	stream.indirect.gather [hbm4b:s4+s15], $0x10, s0, s15, $0xb8;
	[tilespmem:$0xB800] =	vst v63  }
.LBB2_6:
0x82: {  	_ =	swait.ge [sflag:s30], $0x800  }
0x83: {  	[sflag:s30] =	ssyncset.done $0x0  }
0x84: {  	s0 =	sadd.s32 $0x80, s9;
	[sflag:s30] =	ssyncadd.s32 $0xFFFFF800  }
0x85: {  	[spmem:s2] =	stream.indirect.scatter.add.f32 [tilespmem:s23], [sflag:$0xD], $0x10, s0, s15, $0xb8;
	[tilespmem:$0xB800] =	vst v63  }
0x86: {  	_ =	swait.ge [sflag:s31], $0x800  }
0x87: {  	p0 =	seq.s32 s6, $0x12000;
	[sflag:s31] =	ssyncset.done $0x0  }
0x88: {  	s0 =	simm.s32 @p0 $0x6;
	[sflag:s31] =	ssyncadd.s32 $0xFFFFF800  }
0x89: {  	_ =	swait.ge @p0 [sflag:s0], $0x800  }
0x8a: {  	s9 =	simm.s32 @p0 $0x4D80;
	[sflag:s0] =	ssyncset.done @p0 $0x0  }
0x8b: {  	s10 =	simm.s32 @p0 $0x7800;
	[sflag:s0] =	ssyncadd.s32 @p0 $0xFFFFF800;
	s0 =	simm.s32 @p0 $0x80  }
0x8c: {  	[spmem:s2] =	stream.indirect.scatter.add.f32 @p0 [tilespmem:s10], [sflag:$0xE], $0x10, s9, s0, $0xb8;
	[tilespmem:$0xB800] =	vst v63  }
0x8d: {  	s0 =	simm.s32 @p0 $0xA  }
0x8e: {  	_ =	swait.ge @p0 [sflag:s0], $0x800  }
0x8f: {  	[sflag:s0] =	ssyncset.done @p0 $0x0  }
0x90: {  	[sflag:s0] =	ssyncadd.s32 @p0 $0xFFFFF800;
	s0 =	sshra.s32 @!p0 s6, $0x2  }
0x91: {  	s11 =	simm.s32 @!p0 $0x5000;
	s10 =	simm.s32 @!p0 $0x80;
	s9 =	sadd.s32 @!p0 $0x800, s0  }
0x92: {  	[tilespmem:s11], [sflag:$0x1] =	stream.indirect.gather @!p0 [hbm4b:s4+s10], $0x10, s9, s10, $0xb8;
	[tilespmem:$0xB800] =	vst v63  }
0x93: {  	s9 =	simm.s32 @!p0 $0x6  }
0x94: {  	_ =	swait.ge @!p0 [sflag:s9], $0x800  }
0x95: {  	[sflag:s9] =	ssyncset.done @!p0 $0x0  }
0x96: {  	s11 =	simm.s32 @!p0 $0x7800;
	[sflag:s9] =	ssyncadd.s32 @!p0 $0xFFFFF800;
	s9 =	sadd.s32 @!p0 $0x580, s0  }
0x97: {  	[spmem:s2] =	stream.indirect.scatter.add.f32 @!p0 [tilespmem:s11], [sflag:$0xE], $0x10, s9, s10, $0xb8;
	[tilespmem:$0xB800] =	vst v63  }
0x98: {  	s9 =	simm.s32 @!p0 $0xA  }
0x99: {  	_ =	swait.ge @!p0 [sflag:s9], $0x800  }
0x9a: {  	[sflag:s9] =	ssyncset.done @!p0 $0x0  }
0x9b: {  	s0 =	sadd.s32 @!p0 $0x900, s0;
	[sflag:s9] =	ssyncadd.s32 @!p0 $0xFFFFF800;
	s9 =	simm.s32 @!p0 $0x5800  }
0x9c: {  	[tilespmem:s9], [sflag:$0x2] =	stream.indirect.gather @!p0 [hbm4b:s4+s10], $0x10, s0, s10, $0xb8;
	[tilespmem:$0xB800] =	vst v63  }
0x9d: {  	s0 =	sadd.s32 @!p0 $0x1800, s6  }
0x9e: {  	s0 =	simm.s32 @p0 $0x13800;
	_ =	swait.ge [sflag:s28], $0x800  }
0x9f: {  	[sflag:s28] =	ssyncset.done $0x0;
	s0 =	sshra.s32 s0, $0x2  }
.Ltmp4:
0xa0: {  	[sflag:s28] =	ssyncadd.s32 $0xFFFFF800;
	s0 =	sadd.s32 $0x80, s0;
	(pc) =	sbr.rel @p0 .LBB2_8-.Ltmp4, $4  }
0xa1: {  	[spmem:s2] =	stream.indirect.scatter.add.f32 [tilespmem:s25], [sflag:$0xF], $0x10, s0, s15, $0xb8;
	[tilespmem:$0xB800] =	vst v63  }
0xa2: {  	_ =	swait.ge [sflag:s1], $0x800  }
0xa3: {  	[sflag:s1] =	ssyncset.done $0x0  }
0xa4: {  	[sflag:s1] =	ssyncadd.s32 $0xFFFFF800  }
0xa5: {  	s0 =	sadd.s32 $0xA00, s8;
	p0 =	sgt.u32 s7, $0x4E  }
0xa6: {  	[tilespmem:s19], [sflag:$0x3] =	stream.indirect.gather [hbm4b:s4+s15], $0x10, s0, s15, $0xb8;
	[tilespmem:$0xB800] =	vst v63  }
0xa7: {  	s0 =	simm.s32 @!p0 $0x8  }
0xa8: {  	_ =	swait.ge @!p0 [sflag:s0], $0x800  }
0xa9: {  	[sflag:s0] =	ssyncset.done @!p0 $0x0  }
0xaa: {  	[sflag:s0] =	ssyncadd.s32 @!p0 $0xFFFFF800;
	s0 =	sshra.s32 @!p0 s6, $0x2  }
0xab: {  	s9 =	simm.s32 @!p0 $0x80;
	s10 =	simm.s32 @!p0 $0x8800;
	s8 =	sadd.s32 @!p0 $0x780, s0  }
0xac: {  	[spmem:s2] =	stream.indirect.scatter.add.f32 @!p0 [tilespmem:s10], [sflag:$0x10], $0x10, s8, s9, $0xb8;
	[tilespmem:$0xB800] =	vst v63  }
.Ltmp5:
0xad: {  	s8 =	simm.s32 @!p0 $0xC;
	(pc) =	sbr.rel .LBB2_4-.Ltmp5, $4  }
0xae: {  	_ =	swait.ge @!p0 [sflag:s8], $0x800  }
0xaf: {  	s7 =	sadd.s32 $0x8, s7;
	s6 =	sadd.s32 $0x2000, s6;
	[sflag:s8] =	ssyncset.done @!p0 $0x0  }
0xb0: {  	s0 =	sadd.s32 @!p0 $0xB00, s0;
	[sflag:s8] =	ssyncadd.s32 @!p0 $0xFFFFF800;
	s8 =	simm.s32 @!p0 $0x6800  }
0xb1: {  	[tilespmem:s8], [sflag:$0x4] =	stream.indirect.gather @!p0 [hbm4b:s4+s9], $0x10, s0, s9, $0xb8;
	[tilespmem:$0xB800] =	vst v63  }
.LBB2_9:
0xb2: {  	_ =	sfence.sel $0x180000  }
0xb3: {  	[bflag:$0x0] =	sbarrier.arrive $0xFFFF  }
0xb4: {  	_ =	strace $0x9000004D  }
0xb5: {  	s0 =	stileid.u32;
	[bflag:$0x2] =	sbarrier.arrive $0xFFFF  }
0xb6: {  	p0 =	sne.s32 s0, $0x0;
	s0 =	rddreg [dreg:$0x2]  }
0xb7: {  	s0 =	sadd.s32 @!p0 $0x100000, s0  }
0xb8: {  	[sflag:s0] =	ssyncadd.tile.s32 @!p0 $0x1;
	_ =	shalt  }
.Lfunc_end2:
_tile_overlayer_lowered:
.L_overlay_start_2:
0xb9: {  	(tag) =	ssettag $0x2  }
0xba: {  	s0 =	rddreg [dreg:$0x0];
	s2 =	stileid.u32  }
0xbb: {  	s1 =	rddreg [dreg:$0x1];
	p0 =	sne.s32 s2, $0x0  }
0xbc: {  	s3 =	rddreg [dreg:$0x2];
	[bflag:$0x3] =	sbarrier.arrive $0xFFFF;
	s2 =	simm.s32 @!p0 $0x1C11  }
0xbd: {  	[timem:s3], [sflag:s2] =	dma.local @!p0 [hbm:s0], s1  }
0xbe: {  	s0 =	simm.s32 @!p0 $0x11  }
0xbf: {  	_ =	swait.ge @!p0 [sflag:s0], s1  }
0xc0: {  	s1 =	ssub.s32 @!p0 $0x0, s1;
	[sflag:s0] =	ssyncset.done @!p0 $0x0  }
0xc1: {  	[sflag:s0] =	ssyncadd.s32 @!p0 s1  }
0xc2: {  	[bflag:$0x3] =	sbarrier.arrive $0xFFFF  }
0xc3: {  	_ =	shalt  }

// kernel: kernel.8.cloned.1.call-start
scs
__scs_entry_jumppad:
0x0: {  	(pc) =	sbr.rel $0x88, $3  }
0x1: {  	(tag) =	ssettag $0x0;
	lr =	simm.s32 $0x1  }
0x2: {  	[smem:$0x3F9A] =	sst lr;
	_ =	strace $0xD0000000  }
0x3: {  	_ = 	snop  }
0x4: {  	_ = 	snop  }
0x5: {  	_ = 	snop  }
0x6: {  	_ = 	snop  }
0x7: {  	_ = 	snop  }
__scs_overlays_trampoline_lowered:
0x8: {  	[smem:$0x3FA9] =	sst s0  }
0x9: {  	[smem:$0x3FAA] =	sst s1  }
0xa: {  	[smem:$0x3FAB] =	sst s2  }
0xb: {  	[smem:$0x3FAC] =	sst s3  }
0xc: {  	[smem:$0x3FAD] =	sst s4  }
0xd: {  	[smem:$0x3FAE] =	sst s5  }
0xe: {  	[smem:$0x3FAF] =	sst s6  }
0xf: {  	[smem:$0x3FB0] =	sst s7  }
0x10: {  	[smem:$0x3FB1] =	sst s8  }
0x11: {  	[smem:$0x3FB2] =	sst s9;
	s0 =	simm.s32 @!p0 $0x0  }
0x12: {  	s1 =	sld [smem:$0x3F98];
	s0 =	simm.s32 @p0 $0x1  }
0x13: {  	[smem:$0x3FB3] =	sst s0;
	s0 =	simm.s32 @!p1 $0x0  }
0x14: {  	s2 =	sld [smem:$0x3F97];
	s0 =	simm.s32 @p1 $0x1  }
0x15: {  	[smem:$0x3FB4] =	sst s0;
	s0 =	simm.s32 @!p2 $0x0  }
0x16: {  	s3 =	sld [smem:$0x3FDB];
	s0 =	simm.s32 @p2 $0x1  }
0x17: {  	s4 =	simm.s32 $0x1BF5;
	[smem:$0x3FB6] =	sst s0  }
0x18: {  	s0 =	sld [smem:$0x3F99];
	_ =	swait.ge [sflag:s4], $0x0  }
0x19: {  	s7 =	sld [smem:$0x3F9A]  }
0x1a: {  	s8 =	sadd.s32 $0xFFFFE003, lr  }
0x1b: {  	s9 =	sadd.s32 $0xFFFFFEF7, lr;
	s5 =	simm.s32 $0xFFFFFFFF;
	p2 =	slt.u32 s8, $0xFFFFF086  }
0x1c: {  	p1 =	slt.u32 s9, $0xF7A;
	s5 =	simm.s32 @!p2 $0x0  }
0x1d: {  	s5 =	simm.s32 @p1 $0x1;
	p0 =	seq.s32 s7, s2  }
0x1e: {  	s7 =	smul.u32 @!p0 $0xF7A, s2;
	p2 =	seq.s32 @!p0 s5, $0x0  }
0x1f: {  	s9 =	smul.u32 $0xF7A, s1;
	s8 =	simm.s32 @!p0 $0x1BF5;
	p2 =	por !p2, p0  }
0x20: {  	[sflag:s8] =	ssyncset.s32 @!p0 $0xFFFFF086;
	s6 =	sadd.s32 @!p0 s3, s7;
	s7 =	simm.s32 @!p0 $0x108  }
0x21: {  	s3 =	sadd.s32 s3, s9;
	s6 =	sadd.s32 @!p0 $0x88, s6;
	s7 =	simm.s32 @p2 $0x1082  }
0x22: {  	[simem:s7], [sflag:s8] =	dma.local @!p0 [hbm:s6], $0xF7A  }
0x23: {  	s9 =	sor.u32 $0xD0000000, s2;
	s6 =	simm.s32 $0x108;
	_ =	swait.ge @!p0 [sflag:s8], $0x0  }
0x24: {  	s3 =	sadd.s32 $0x88, s3;
	s6 =	simm.s32 @!p1 $0x1082;
	[sflag:s4] =	ssyncset.s32 $0xFFFFF086  }
0x25: {  	[simem:s6], [sflag:s4] =	dma.local [hbm:s3], $0xF7A  }
0x26: {  	[smem:$0x3F9A] =	sst s1;
	(tag) =	ssettag s2;
	_ =	strace s9  }
0x27: {  	s1 =	sld [smem:$0x3FAA]  }
0x28: {  	s2 =	sld [smem:$0x3FAB]  }
0x29: {  	s4 =	sld [smem:$0x3FAD]  }
0x2a: {  	p0 =	seq.s32 s5, $0x0;
	s5 =	sld [smem:$0x3FAE]  }
0x2b: {  	s6 =	sld [smem:$0x3FAF]  }
0x2c: {  	s7 =	sld [smem:$0x3FB0]  }
0x2d: {  	s3 =	simm.s32 $0x108;
	s8 =	sld [smem:$0x3FB1]  }
0x2e: {  	s3 =	simm.s32 @!p0 $0x1082;
	s9 =	sld [smem:$0x3FB2]  }
0x2f: {  	lr =	sadd.s32 s0, s3;
	s0 =	sld [smem:$0x3FA9]  }
0x30: {  	s3 =	sld [smem:$0x3FAC]  }
0x31: {  	[smem:$0x3FB5] =	sst s10  }
0x32: {  	s10 =	sld [smem:$0x3FB3];
	_ =	sdelay $0x3  }
0x33: {  	p0 =	seq.s32 s10, $0x1;
	s10 =	sld [smem:$0x3FB5];
	_ =	sdelay $0x3  }
0x34: {  	[smem:$0x3FB5] =	sst s10  }
0x35: {  	s10 =	sld [smem:$0x3FB4];
	_ =	sdelay $0x3  }
0x36: {  	p1 =	seq.s32 s10, $0x1;
	s10 =	sld [smem:$0x3FB5];
	_ =	sdelay $0x3  }
0x37: {  	[smem:$0x3FB5] =	sst s10  }
0x38: {  	s10 =	sld [smem:$0x3FB6]  }
0x39: {  	_ = 	snop;
	(pc) =	sbr.ind lr, $3  }
0x3a: {  	_ = 	snop  }
0x3b: {  	_ = 	snop  }
0x3c: {  	p2 =	seq.s32 s10, $0x1;
	s10 =	sld [smem:$0x3FB5]  }
0x3d: {  	_ =	shalt  }
0x3e: {  	_ =	shalt  }
0x3f: {  	_ =	shalt  }
0x40: {  	_ =	shalt  }
0x41: {  	_ =	shalt  }
0x42: {  	_ =	shalt  }
0x43: {  	_ =	shalt  }
0x44: {  	_ =	shalt  }
0x45: {  	_ =	shalt  }
0x46: {  	_ =	shalt  }
0x47: {  	_ =	shalt  }
0x48: {  	_ =	shalt  }
0x49: {  	_ =	shalt  }
0x4a: {  	_ =	shalt  }
0x4b: {  	_ =	shalt  }
0x4c: {  	_ =	shalt  }
0x4d: {  	_ =	shalt  }
0x4e: {  	_ =	shalt  }
0x4f: {  	_ =	shalt  }
0x50: {  	_ =	shalt  }
0x51: {  	_ =	shalt  }
0x52: {  	_ =	shalt  }
0x53: {  	_ =	shalt  }
0x54: {  	_ =	shalt  }
0x55: {  	_ =	shalt  }
0x56: {  	_ =	shalt  }
0x57: {  	_ =	shalt  }
0x58: {  	_ =	shalt  }
0x59: {  	_ =	shalt  }
0x5a: {  	_ =	shalt  }
0x5b: {  	_ =	shalt  }
0x5c: {  	_ =	shalt  }
0x5d: {  	_ =	shalt  }
0x5e: {  	_ =	shalt  }
0x5f: {  	_ =	shalt  }
0x60: {  	_ =	shalt  }
0x61: {  	_ =	shalt  }
0x62: {  	_ =	shalt  }
0x63: {  	_ =	shalt  }
0x64: {  	_ =	shalt  }
0x65: {  	_ =	shalt  }
0x66: {  	_ =	shalt  }
0x67: {  	_ =	shalt  }
0x68: {  	_ =	shalt  }
0x69: {  	_ =	shalt  }
0x6a: {  	_ =	shalt  }
0x6b: {  	_ =	shalt  }
0x6c: {  	_ =	shalt  }
0x6d: {  	_ =	shalt  }
0x6e: {  	_ =	shalt  }
0x6f: {  	_ =	shalt  }
0x70: {  	_ =	shalt  }
0x71: {  	_ =	shalt  }
0x72: {  	_ =	shalt  }
0x73: {  	_ =	shalt  }
0x74: {  	_ =	shalt  }
0x75: {  	_ =	shalt  }
0x76: {  	_ =	shalt  }
0x77: {  	_ =	shalt  }
0x78: {  	_ =	shalt  }
0x79: {  	_ =	shalt  }
0x7a: {  	_ =	shalt  }
0x7b: {  	_ =	shalt  }
0x7c: {  	_ =	shalt  }
0x7d: {  	_ =	shalt  }
0x7e: {  	_ =	shalt  }
0x7f: {  	_ =	shalt  }
0x80: {  	_ =	shalt  }
0x81: {  	_ =	shalt  }
0x82: {  	_ =	shalt  }
0x83: {  	_ =	shalt  }
0x84: {  	_ =	shalt  }
0x85: {  	_ =	shalt  }
0x86: {  	_ =	shalt  }
0x87: {  	_ =	shalt  }
.Lfunc_end0:
.L_simem_size_0:
called_computation_lowered:
.L_overlay_start_0:
0x88: {  	s2 =	sld [smem:$0x3FD9]  }
0x89: {  	s3 =	sld [smem:$0x3FFE];
	_ =	sdelay $0x1  }
0x8a: {  	s1 =	srdreg.scid  }
0x8b: {  	s0 =	sand.u32 $0x1, s1  }
0x8c: {  	s16 =	sshll.u32 s0, $0xA;
	s2 =	sadd.s32 s3, s2  }
0x8d: {  	s2 =	sadd.s32 s2, s16  }
0x8e: {  	[smem:$0x3FC1] =	sst s2  }
0x8f: {  	_ = 	snop  }
0x90: {  	(tm) =	ssettm $0x1  }
0x91: {  	s17 =	sld [smem:$0x3FFB];
	_ =	sdelay $0x3  }
0x92: {  	_ =	strace s17  }
0x93: {  	s2 =	sld [smem:$0x3FFC];
	_ =	sdelay $0x3  }
0x94: {  	_ =	strace s2  }
0x95: {  	s2 =	sld [smem:$0x3FFD];
	_ =	sdelay $0x3  }
0x96: {  	_ =	strace s2  }
0x97: {  	_ =	strace $0x8FFFFFFF  }
0x98: {  	s18 =	sld [smem:$0x3FDB];
	_ =	sdelay $0x1  }
0x99: {  	s19 =	simm.s32 $_scs_section_size  }
0x9a: {  	s4 =	simm.s32 $_size__tile_overlayer_lowered;
	s5 =	simm.s32 $_tile_overlayer_lowered  }
0x9b: {  	s22 =	simm.s32 $0x1BFF;
	s21 =	sshll.u32 s5, $0x1;
	s2 =	sadd.s32 s19, s18  }
0x9c: {  	s6 =	simm.s32 $0x0;
	s20 =	sshll.u32 s4, $0x1;
	s4 =	sadd.s32 s21, s2  }
0x9d: {  	[timem:s6], [sflag:s22] =	dma.local [hbm:s4], s20  }
0x9e: {  	_ =	swait.ge [sflag:s22], s20  }
0x9f: {  	s3 =	ssub.s32 $0x0, s20;
	[sflag:s22] =	ssyncset.done $0x0  }
0xa0: {  	[sflag:s22] =	ssyncadd.s32 s3;
	_ =	sdelay $0x1  }
0xa1: {  	s23 =	simm.s32 $0x1B8B  }
0xa2: {  	_ =	swait.ge [sflag:s23], $0x1  }
0xa3: {  	[sflag:s23] =	ssyncset.done $0x0  }
0xa4: {  	s25 =	simm.s32 $0x1B8E;
	s24 =	sld [smem:$0x3FFE];
	[sflag:s23] =	ssyncadd.s32 $0xFFFFFFFF  }
0xa5: {  	s26 =	simm.s32 $execute0_lowered;
	[smem:$0x3FD2] =	sst s25  }
0xa6: {  	s4 =	sshll.u32 s26, $0x1;
	_ =	strace $0x80000046;
	[dreg:$0x1] =	wrdreg $0xFFFFFFFF  }
0xa7: {  	s28 =	simm.s32 $_size_execute0_lowered;
	s2 =	sadd.s32 s2, s4;
	[dreg:$0x0] =	wrdreg $0x0  }
0xa8: {  	s4 =	sshll.u32 s28, $0x1;
	[dreg:$0x2] =	wrdreg s2  }
0xa9: {  	[dreg:$0x3] =	wrdreg s4  }
0xaa: {  	[dreg:$0x4] =	wrdreg $0xC0  }
0xab: {  	_ =	task [dreg:s6], $0x5FFFF  }
0xac: {  	[dreg:$0x1] =	wrdreg $0xFFFFFFFF  }
0xad: {  	[dreg:$0x0] =	wrdreg $0x60  }
0xae: {  	[dreg:$0x2] =	wrdreg s24  }
0xaf: {  	[dreg:$0x3] =	wrdreg $0x51000  }
0xb0: {  	[dreg:$0x4] =	wrdreg $0x9  }
0xb1: {  	_ =	task.clear_ibuf [dreg:s6], $0x5FFFF;
	_ =	strace $0x90000046  }
0xb2: {  	s29 =	simm.s32 $0x9;
	_ =	strace $0x80000048  }
0xb3: {  	_ =	swait.ge [sflag:s29], $0x1  }
0xb4: {  	[sflag:s29] =	ssyncadd.s32 $0xFFFFFFFF  }
0xb5: {  	_ =	strace $0x90000048  }
0xb6: {  	_ =	sfence  }
0xb7: {  	s30 =	sld [smem:$0x0];
	_ =	sdelay $0x2  }
0xb8: {  	s31 =	sshll.u32 s1, $0xD;
	s1 =	sshrl.u32 s1, $0x2  }
0xb9: {  	s3 =	sand.u32 $0x4000, s31;
	s1 =	sadd.s32 s1, s30  }
0xba: {  	s0 =	sor.u32 s3, s0;
	s1 =	sshll.u32 s1, $0x11  }
0xbb: {  	s0 =	sor.u32 s1, s0  }
0xbc: {  	s0 =	sadd.s32 $0x8F2B, s0  }
0xbd: {  	[sflag:s0] =	ssyncadd.remote.s32 $0x1  }
0xbe: {  	_ =	sfence.sel $0xFFFF  }
0xbf: {  	[dreg:$0x0] =	wrdreg $0xFFFFFFFF;
	(pc) =	sbr.abs _section_cstart, $3  }
0xc0: {  	[dreg:$0x1] =	wrdreg $0xFFFFFFFF  }
0xc1: {  	_ =	task.clear_ibuf [dreg:s6], $0x2FFFF;
	_ =	strace $0x9FFFFFFF  }
0xc2: {  	(tm) =	ssettm $0x7FFFFFFF  }
0xc3: {  	_ =	shalt  }
tec
execute0_lowered:
.L_overlay_start_1:
0x0: {  	(tag) =	ssettag $0x1  }
0x1: {  	s0 =	srdreg.scid;
	s5 =	rddreg [dreg:$0x0]  }
0x2: {  	s2 =	rddreg [dreg:$0x1];
	s3 =	simm.s32 $0x0;
	s15 =	simm.s32 $0x5080  }
0x3: {  	s16 =	simm.s32 $0x3;
	s17 =	simm.s32 $0x2800;
	s18 =	simm.s32 $0x80  }
0x4: {  	s19 =	simm.s32 $0x100;
	s20 =	simm.s32 $0x5000;
	s21 =	simm.s32 $0x1  }
0x5: {  	s22 =	simm.s32 $0x2;
	s25 =	simm.s32 $0x20;
	s26 =	simm.s32 $0x10  }
0x6: {  	s28 =	simm.s32 $0x0;
	s4 =	sand.u32 $0x1, s0;
	s0 =	stileid.u32  }
0x7: {  	[smem:$0x7FF] =	sst s3;
	s1 =	sshll.u32 s4, $0x4;
	s8 =	smul.u32 $0x500, s0  }
0x8: {  	s9 =	sshll.u32 s4, $0x7;
	s30 =	smul.u32 $0xA00, s0;
	s4 =	ssub.s32 $0x2, s4  }
0x9: {  	s23 =	sshll.u32 s0, $0x6;
	s6 =	sor.u32 s0, s1;
	s1 =	rddreg [dreg:$0x2]  }
0xa: {  	_ =	strace $0x80000047;
	s31 =	sshrl.u32 s4, $0x1;
	s23 =	sor.u32 $0x1C03, s23  }
0xb: {  	s7 =	smul.u32 $0x500, s6;
	s29 =	sor.u32 s9, s8;
	s8 =	sshrl.u32 s30, $0x2  }
0xc: {  	s6 =	smul.u32 $0xA00, s6;
	s14 =	ssub.s32 s4, s31;
	s4 =	sadd.s32 s8, s2  }
0xd: {  	s14 =	smax.u32 s14, $0x1;
	s10 =	sadd.s32 s7, s5;
	s7 =	sshrl.u32 s29, $0x3  }
0xe: {  	s12 =	sadd.s32 s6, s5;
	s6 =	sadd.s32 $0x100, s4;
	s8 =	sadd.s32 $0x200, s4  }
0xf: {  	s24 =	sshrl.u32 s4, $0x3;
	s13 =	sadd.s32 s7, s5;
	s5 =	sadd.s32 $0x80, s4  }
0x10: {  	s7 =	sadd.s32 $0x180, s4;
	s9 =	sadd.s32 $0x2200, s10;
	s10 =	sadd.s32 $0xC200, s10  }
0x11: {  	v0 =	vimm.f32 $1.000000000e+00;
	v1 =	vimm.f32 $0.0e+00;
	s11 =	sadd.s32 $0x16C00, s12;
	s12 =	sadd.s32 $0x16C10, s12;
	s13 =	sadd.s32 $0x16200, s13  }
.LBB2_1:
0x12: {  	[tilespmem:$0x5000] =	vst v0  }
0x13: {  	[tilespmem:$0x5080] =	vst v1  }
0x14: {  	[tilespmem:$0x5010] =	vst v0  }
0x15: {  	[tilespmem:$0x5090] =	vst v1  }
0x16: {  	[tilespmem:$0x5020] =	vst v0  }
0x17: {  	[tilespmem:$0x50A0] =	vst v1  }
0x18: {  	[tilespmem:$0x5030] =	vst v0  }
0x19: {  	[tilespmem:$0x50B0] =	vst v1  }
0x1a: {  	[tilespmem:$0x5040] =	vst v0  }
0x1b: {  	[tilespmem:$0x50C0] =	vst v1  }
0x1c: {  	[tilespmem:$0x5050] =	vst v0  }
0x1d: {  	[tilespmem:$0x50D0] =	vst v1  }
0x1e: {  	[tilespmem:$0x5060] =	vst v0  }
0x1f: {  	[tilespmem:$0x50E0] =	vst v1  }
0x20: {  	[tilespmem:$0x5070] =	vst v0  }
0x21: {  	[tilespmem:$0x50F0] =	vst v1  }
0x22: {  	[spmem:s4] =	stream.linear.scatter [tilespmem:s15], [sflag:$0x3], $0x80, $0x38;
	[tilespmem:$0x5380] =	vst v63  }
0x23: {  	_ =	swait.ge [sflag:s16], $0x80  }
0x24: {  	[sflag:s16] =	ssyncset.done $0x0  }
0x25: {  	[sflag:s16] =	ssyncadd.s32 $0xFFFFFF80  }
0x26: {  	[spmem:s5] =	stream.linear.scatter [tilespmem:s15], [sflag:$0x3], $0x80, $0x38;
	[tilespmem:$0x5380] =	vst v63  }
0x27: {  	_ =	swait.ge [sflag:s16], $0x80  }
0x28: {  	[sflag:s16] =	ssyncset.done $0x0  }
0x29: {  	[sflag:s16] =	ssyncadd.s32 $0xFFFFFF80  }
0x2a: {  	[spmem:s6] =	stream.linear.scatter [tilespmem:s15], [sflag:$0x3], $0x80, $0x38;
	[tilespmem:$0x5380] =	vst v63  }
0x2b: {  	_ =	swait.ge [sflag:s16], $0x80  }
0x2c: {  	[sflag:s16] =	ssyncset.done $0x0  }
0x2d: {  	[sflag:s16] =	ssyncadd.s32 $0xFFFFFF80  }
0x2e: {  	[spmem:s7] =	stream.linear.scatter [tilespmem:s15], [sflag:$0x3], $0x80, $0x38;
	[tilespmem:$0x5380] =	vst v63  }
0x2f: {  	_ =	swait.ge [sflag:s16], $0x80  }
0x30: {  	[sflag:s16] =	ssyncset.done $0x0  }
0x31: {  	[sflag:s16] =	ssyncadd.s32 $0xFFFFFF80  }
0x32: {  	[spmem:s8] =	stream.linear.scatter [tilespmem:s15], [sflag:$0x3], $0x80, $0x38;
	[tilespmem:$0x5380] =	vst v63  }
0x33: {  	_ =	swait.ge [sflag:s16], $0x80  }
0x34: {  	[sflag:s16] =	ssyncset.done $0x0  }
0x35: {  	[sflag:s16] =	ssyncadd.s32 $0xFFFFFF80  }
0x36: {  	[tilespmem:s3], [sflag:$0x3] =	stream.linear.gather [hbm4b:s9+s3], $0x2780, $0x38;
	[tilespmem:$0x5380] =	vst v63  }
0x37: {  	_ =	swait.ge [sflag:s16], $0x2780  }
0x38: {  	[sflag:s16] =	ssyncset.done $0x0  }
0x39: {  	[sflag:s16] =	ssyncadd.s32 $0xFFFFD880  }
0x3a: {  	[tilespmem:s17], [sflag:$0x3] =	stream.linear.gather [hbm4b:s10+s3], $0x2780, $0x38;
	[tilespmem:$0x5380] =	vst v63  }
0x3b: {  	_ =	swait.ge [sflag:s16], $0x2780  }
0x3c: {  	[sflag:s16] =	ssyncset.done $0x0  }
0x3d: {  	[sflag:s16] =	ssyncadd.s32 $0xFFFFD880  }
0x3e: {  	[hbm4b:s11+s18] =	stream.strided.scatter [tilespmem:s17], [sflag:$0x2], $0x2780, s19, s18, $0x38;
	[tilespmem:$0x5380] =	vst v63  }
0x3f: {  	_ = 	snop  }
0x40: {  	[hbm4b:s12+s18] =	stream.strided.scatter [tilespmem:s3], [sflag:$0x2], $0x2780, s19, s18, $0x38;
	[tilespmem:$0x5380] =	vst v63  }
0x41: {  	s29 =	simm.s32 $0x0;
	[bflag:$0x0] =	sbarrier.arrive $0xFFFF  }
.LBB2_2:
0x42: {  	p0 =	sne.s32 s29, $0x9C00  }
.Ltmp0:
0x43: {  	_ = 	snop;
	(pc) =	sbr.rel @p0 .LBB2_2-.Ltmp0, $3  }
0x44: {  	_ =	sdelay $0x1  }
0x45: {  	s30 =	sshra.s32 s29, $0x2;
	s29 =	sadd.s32 $0x200, s29  }
0x46: {  	[spmem:s2] =	stream.indirect.scatter.add.f32 [tilespmem:s20], [sflag:$0x1], $0x1, s30, s18, $0xb8;
	[tilespmem:$0x5380] =	vst v63  }
0x47: {  	_ =	swait.ge [sflag:s21], $0x80  }
0x48: {  	s29 =	simm.s32 $0x4E;
	[sflag:s21] =	ssyncset.done $0x0  }
.LBB2_4:
0x49: {  	p0 =	sne.s32 s29, $0x1;
	s29 =	sadd.s32 $0xFFFFFFFF, s29;
	[sflag:s21] =	ssyncadd.s32 $0xFFFFFF80  }
.Ltmp1:
0x4a: {  	(pc) =	sbr.rel @p0 .LBB2_4-.Ltmp1, $3  }
0x4b: {  	_ =	sdelay $0x1  }
0x4c: {  	_ =	swait.ge [sflag:s21], $0x80  }
0x4d: {  	[sflag:s21] =	ssyncset.done $0x0  }
0x4e: {  	[sflag:s21] =	ssyncadd.s32 $0xFFFFFF80  }
0x4f: {  	_ =	swait.ge [sflag:s22], $0x2780  }
0x50: {  	[sflag:s22] =	ssyncset.done $0x0  }
0x51: {  	[sflag:s22] =	ssyncadd.s32 $0xFFFFD880  }
0x52: {  	_ =	swait.ge [sflag:s22], $0x2780  }
0x53: {  	s28 =	sadd.s32 $0x1, s28;
	[sflag:s22] =	ssyncset.done $0x0  }
0x54: {  	p0 =	sne.s32 s28, s14;
	[sflag:s22] =	ssyncadd.s32 $0xFFFFD880  }
.Ltmp2:
0x55: {  	[bflag:$0x0] =	sbarrier.arrive $0xFFFF;
	(pc) =	sbr.rel @p0 .LBB2_1-.Ltmp2, $4  }
0x56: {  	[hbm:s13@s25], [sflag:s23] =	dma.strided [spmem:s24@s26], $0x50, s21, $0x10   }
0x57: {  	_ =	swait.ge [sflag:s16], $0x50  }
0x58: {  	[sflag:s16] =	ssyncset.done $0x0  }
0x59: {  	[sflag:s16] =	ssyncadd.s32 $0xFFFFFFB0  }
0x5a: {  	_ =	sfence.sel $0x180000  }
0x5b: {  	[bflag:$0x0] =	sbarrier.arrive $0xFFFF  }
0x5c: {  	p0 =	sne.s32 s0, $0x0;
	_ =	strace $0x90000047  }
0x5d: {  	s0 =	sadd.s32 @!p0 $0x100000, s1;
	[bflag:$0x2] =	sbarrier.arrive $0xFFFF  }
0x5e: {  	[sflag:s0] =	ssyncadd.tile.s32 @!p0 $0x1;
	_ =	shalt  }
.Lfunc_end2:
_tile_overlayer_lowered:
.L_overlay_start_2:
0x5f: {  	(tag) =	ssettag $0x2  }
0x60: {  	s0 =	rddreg [dreg:$0x0];
	s2 =	stileid.u32  }
0x61: {  	s1 =	rddreg [dreg:$0x1];
	p0 =	sne.s32 s2, $0x0  }
0x62: {  	s3 =	rddreg [dreg:$0x2];
	[bflag:$0x3] =	sbarrier.arrive $0xFFFF;
	s2 =	simm.s32 @!p0 $0x1C03  }
0x63: {  	[timem:s3], [sflag:s2] =	dma.local @!p0 [hbm:s0], s1  }
0x64: {  	s0 =	simm.s32 @!p0 $0x3  }
0x65: {  	_ =	swait.ge @!p0 [sflag:s0], s1  }
0x66: {  	s1 =	ssub.s32 @!p0 $0x0, s1;
	[sflag:s0] =	ssyncset.done @!p0 $0x0  }
0x67: {  	[sflag:s0] =	ssyncadd.s32 @!p0 s1  }
0x68: {  	[bflag:$0x3] =	sbarrier.arrive $0xFFFF  }
0x69: {  	_ =	shalt  }

</sc_bundles>
